<compile_context>
chip_gen: v7x
topology: tpu7x:2x2x1
jax: 0.10.2.dev20260603
libtpu: 0.0.44.dev20260713+nightly
codegen_flags: <defaults>
</compile_context>

<pallas_src>
import functools
import math

import jax
import jax.numpy as jnp
from jax import lax
from jax.experimental import pallas as pl
from jax.experimental.pallas import tpu as pltpu
from jax.experimental.pallas import tpu_sc as plsc

_VOCAB = 100000
_D = 512
_SCALE = math.sqrt(_D)
_LANES = 16

_NC = 2
_NS = 16
_NW = _NC * _NS

_BATCH = 4096
_SEQ = 50
_B = _BATCH * _SEQ
_B_PER_W = _B // _NW
_CHUNK = 40
_N_CHUNKS = _B_PER_W // _CHUNK
_NBUF = 4
_N_MAIN = (_N_CHUNKS // _NBUF) * _NBUF


def _emb_body(idx_hbm, lut_hbm, out_hbm, idx_v, *scratch):
    bufs = scratch[:_NBUF]
    gsem = scratch[_NBUF:2 * _NBUF]
    ssem = scratch[2 * _NBUF:]
    wid = lax.axis_index("s") * _NC + lax.axis_index("c")
    base = pl.multiple_of(wid * _B_PER_W, _B_PER_W)
    pltpu.sync_copy(idx_hbm.at[pl.ds(base, _B_PER_W)], idx_v)

    def gather(g, k):
        off = pl.multiple_of(g * _CHUNK, _CHUNK)
        pltpu.async_copy(lut_hbm.at[idx_v.at[pl.ds(off, _CHUNK)]], bufs[k],
                         gsem[k])

    for k in range(_NBUF - 1):
        gather(k, k)

    def outer(go, carry):
        for k in range(_NBUF):
            g = go * _NBUF + k
            kn = (k + _NBUF - 1) % _NBUF
            pltpu.make_async_copy(out_hbm.at[pl.ds(0, _CHUNK)], bufs[k],
                                  gsem[k]).wait()

            def row_body(i, c2, _buf=bufs[k]):
                for j in range(_D // _LANES):
                    sl = _buf[i, pl.ds(j * _LANES, _LANES)]
                    _buf[i, pl.ds(j * _LANES, _LANES)] = sl * _SCALE
                return c2

            lax.fori_loop(0, _CHUNK, row_body, 0)

            off = pl.multiple_of(g * _CHUNK, _CHUNK)
            pltpu.async_copy(bufs[k], out_hbm.at[pl.ds(base + off, _CHUNK)],
                             ssem[k])

            if k == 0:
                @pl.when(go == 0)
                def _():
                    gather(_NBUF - 1, kn)

                @pl.when(jnp.logical_and(go >= 1, g + _NBUF - 1 < _N_CHUNKS))
                def _():
                    pltpu.make_async_copy(bufs[kn],
                                          out_hbm.at[pl.ds(0, _CHUNK)],
                                          ssem[kn]).wait()
                    gather(g + _NBUF - 1, kn)
            else:
                @pl.when(g + _NBUF - 1 < _N_CHUNKS)
                def _():
                    pltpu.make_async_copy(bufs[kn],
                                          out_hbm.at[pl.ds(0, _CHUNK)],
                                          ssem[kn]).wait()
                    gather(g + _NBUF - 1, kn)

        return carry

    lax.fori_loop(0, _N_MAIN // _NBUF, outer, 0)

    for g in range(_N_MAIN, _N_CHUNKS):
        k = g % _NBUF
        pltpu.make_async_copy(out_hbm.at[pl.ds(0, _CHUNK)], bufs[k],
                              gsem[k]).wait()

        def tail_row(i, c2, _buf=bufs[k]):
            for j in range(_D // _LANES):
                sl = _buf[i, pl.ds(j * _LANES, _LANES)]
                _buf[i, pl.ds(j * _LANES, _LANES)] = sl * _SCALE
            return c2

        lax.fori_loop(0, _CHUNK, tail_row, 0)
        off = g * _CHUNK
        pltpu.async_copy(bufs[k], out_hbm.at[pl.ds(base + off, _CHUNK)],
                         ssem[k])

    for k in range(_NBUF):
        pltpu.make_async_copy(bufs[k], out_hbm.at[pl.ds(0, _CHUNK)],
                              ssem[k]).wait()


@jax.jit
def _emb(x_flat_t, lut):
    mesh = plsc.VectorSubcoreMesh(core_axis_name="c", subcore_axis_name="s")
    rows = functools.partial(
        pl.kernel,
        mesh=mesh,
        out_type=jax.ShapeDtypeStruct((_B, _D), jnp.float32),
        scratch_types=(
            [pltpu.VMEM((_B_PER_W,), jnp.int32)]
            + [pltpu.VMEM((_CHUNK, _D), jnp.float32) for _ in range(_NBUF)]
            + [pltpu.SemaphoreType.DMA for _ in range(2 * _NBUF)]
        ),
    )(_emb_body)(x_flat_t, lut)
    return rows.reshape(_SEQ, _BATCH, _D).transpose(1, 0, 2)


def kernel(x, lut):
    return _emb(x.astype(jnp.int32).T.reshape(-1), lut)

# --- scband reference (transcript-rebuilt; emitter-appended) ---
"""Pipeline reference for scband-embeddings-15513421873586 (READ-ONLY COPY).

The authoritative reference and input builder live on the scoring server;
editing this copy changes nothing except your own understanding.
"""

import jax, jax.numpy as jnp
import numpy as np
import math

VOCAB = 100000
D_MODEL = 512

def setup_inputs(seed: int = 0) -> dict:
    key = jax.random.key(seed)
    k1, k2 = jax.random.split(key)
    x = jax.random.randint(k1, (4096, 50), 0, VOCAB, dtype=jnp.int64 if jax.config.jax_enable_x64 else jnp.int32)
    lut = jax.random.normal(k2, (VOCAB, D_MODEL), dtype=jnp.float32)
    return {"x": x, "lut": lut}

def reference(x, lut):
    # Embeddings.forward: self.lut(x) * sqrt(model_dimension)
    emb = jnp.take(lut, x, axis=0)
    return emb * math.sqrt(D_MODEL)

if __name__ == "__main__":
    import jax
    _d = setup_inputs()
    print(jax.jit(kernel)(*tuple(_d.values())))

</pallas_src>

<mosaic_0001>
#map = affine_map<(d0, d1) -> (0)>
#map1 = affine_map<(d0, d1) -> (0, 0)>
module attributes {stable_mosaic.version = 14 : i64} {
  func.func @_emb_body(%arg0: i32, %arg1: i32, %arg2: memref<204800xi32, #tpu.memory_space<hbm>>, %arg3: memref<100000x512xf32, #tpu.memory_space<hbm>>, %arg4: memref<204800x512xf32, #tpu.memory_space<hbm>>, %arg5: memref<6400xi32, #tpu.memory_space<vmem>>, %arg6: memref<40x512xf32, #tpu.memory_space<vmem>>, %arg7: memref<40x512xf32, #tpu.memory_space<vmem>>, %arg8: memref<40x512xf32, #tpu.memory_space<vmem>>, %arg9: memref<40x512xf32, #tpu.memory_space<vmem>>, %arg10: memref<!tpu.dma_semaphore, #tpu.memory_space<semaphore_mem>>, %arg11: memref<!tpu.dma_semaphore, #tpu.memory_space<semaphore_mem>>, %arg12: memref<!tpu.dma_semaphore, #tpu.memory_space<semaphore_mem>>, %arg13: memref<!tpu.dma_semaphore, #tpu.memory_space<semaphore_mem>>, %arg14: memref<!tpu.dma_semaphore, #tpu.memory_space<semaphore_mem>>, %arg15: memref<!tpu.dma_semaphore, #tpu.memory_space<semaphore_mem>>, %arg16: memref<!tpu.dma_semaphore, #tpu.memory_space<semaphore_mem>>, %arg17: memref<!tpu.dma_semaphore, #tpu.memory_space<semaphore_mem>>) attributes {dimension_semantics = [#tpu.dimension_semantics<core_parallel>, #tpu.dimension_semantics<subcore_parallel>], iteration_bounds = array<i64: 2, 16>, scalar_prefetch = 0 : i64, scratch_operands = 13 : i64, tpu.core_type = #tpu.core_type<sc_vector_subcore>, window_params = [{transform_indices = #map}, {transform_indices = #map1}, {transform_indices = #map1}]} {
    %mul3A = arith.constant 2 : i32
    %mul3A_0 = arith.muli %arg1, %mul3A : i32
    %add3A = arith.addi %mul3A_0, %arg0 : i32
    %mul3A_1 = arith.constant 6400 : i32
    %mul3A_2 = arith.muli %add3A, %mul3A_1 : i32
    %multiple_of3A = tpu.assume_multiple %mul3A_2, 6400 : i32
    "tpu.region"() ({
      %run_scoped3A = tpu.sem_alloc : memref<!tpu.dma_semaphore, #tpu.memory_space<semaphore_mem>>
      %dma_start3A_48 = tpu.memref_slice %arg2[%multiple_of3A] : memref<204800xi32, #tpu.memory_space<hbm>> -> memref<6400xi32, #tpu.memory_space<hbm>>
      %dma_start3A_49 = tpu.memref_slice %arg2[%multiple_of3A] : memref<204800xi32, #tpu.memory_space<hbm>> -> memref<6400xi32, #tpu.memory_space<hbm>>
      tpu.enqueue_dma source(%dma_start3A_49 : memref<6400xi32, #tpu.memory_space<hbm>>) target(%arg5 : memref<6400xi32, #tpu.memory_space<vmem>>) target_semaphore(%run_scoped3A : memref<!tpu.dma_semaphore, #tpu.memory_space<semaphore_mem>>)
      %dma_wait3A_50 = tpu.memref_slice %arg2[%multiple_of3A] : memref<204800xi32, #tpu.memory_space<hbm>> -> memref<6400xi32, #tpu.memory_space<hbm>>
      %dma_wait3A_51 = tpu.memref_slice %arg2[%multiple_of3A] : memref<204800xi32, #tpu.memory_space<hbm>> -> memref<6400xi32, #tpu.memory_space<hbm>>
      tpu.wait_dma2 semaphore(%run_scoped3A : memref<!tpu.dma_semaphore, #tpu.memory_space<semaphore_mem>>) src(%dma_wait3A_51 : memref<6400xi32, #tpu.memory_space<hbm>>) dst(%arg5 : memref<6400xi32, #tpu.memory_space<vmem>>)
      tpu.yield
    }) : () -> ()
    %multiple_of3A_3 = arith.constant 0 : i32
    %multiple_of3A_4 = tpu.assume_multiple %multiple_of3A_3, 40 : i32
    %dma_start3A = tpu.memref_slice %arg5[%multiple_of3A_4] : memref<6400xi32, #tpu.memory_space<vmem>> -> memref<40xi32, #tpu.memory_space<vmem>>
    %dma_start3A_5 = arith.constant 0 : i32
    %dma_start3A_6 = arith.constant 0 : i32
    %dma_start3A_7 = tpu.memref_slice %arg3[%dma_start3A_5, %dma_start3A_6] : memref<100000x512xf32, #tpu.memory_space<hbm>> -> memref<100000x512xf32, #tpu.memory_space<hbm>>
    tpu.enqueue_indirect_dma source(%dma_start3A_7 : memref<100000x512xf32, #tpu.memory_space<hbm>>) target(%arg6 : memref<40x512xf32, #tpu.memory_space<vmem>>) offsets(%dma_start3A : memref<40xi32, #tpu.memory_space<vmem>>) semaphore(%arg10 : memref<!tpu.dma_semaphore, #tpu.memory_space<semaphore_mem>>)
    %multiple_of3A_8 = arith.constant 40 : i32
    %multiple_of3A_9 = tpu.assume_multiple %multiple_of3A_8, 40 : i32
    %dma_start3A_10 = tpu.memref_slice %arg5[%multiple_of3A_9] : memref<6400xi32, #tpu.memory_space<vmem>> -> memref<40xi32, #tpu.memory_space<vmem>>
    %dma_start3A_11 = arith.constant 0 : i32
    %dma_start3A_12 = arith.constant 0 : i32
    %dma_start3A_13 = tpu.memref_slice %arg3[%dma_start3A_11, %dma_start3A_12] : memref<100000x512xf32, #tpu.memory_space<hbm>> -> memref<100000x512xf32, #tpu.memory_space<hbm>>
    tpu.enqueue_indirect_dma source(%dma_start3A_13 : memref<100000x512xf32, #tpu.memory_space<hbm>>) target(%arg7 : memref<40x512xf32, #tpu.memory_space<vmem>>) offsets(%dma_start3A_10 : memref<40xi32, #tpu.memory_space<vmem>>) semaphore(%arg11 : memref<!tpu.dma_semaphore, #tpu.memory_space<semaphore_mem>>)
    %multiple_of3A_14 = arith.constant 80 : i32
    %multiple_of3A_15 = tpu.assume_multiple %multiple_of3A_14, 40 : i32
    %dma_start3A_16 = tpu.memref_slice %arg5[%multiple_of3A_15] : memref<6400xi32, #tpu.memory_space<vmem>> -> memref<40xi32, #tpu.memory_space<vmem>>
    %dma_start3A_17 = arith.constant 0 : i32
    %dma_start3A_18 = arith.constant 0 : i32
    %dma_start3A_19 = tpu.memref_slice %arg3[%dma_start3A_17, %dma_start3A_18] : memref<100000x512xf32, #tpu.memory_space<hbm>> -> memref<100000x512xf32, #tpu.memory_space<hbm>>
    tpu.enqueue_indirect_dma source(%dma_start3A_19 : memref<100000x512xf32, #tpu.memory_space<hbm>>) target(%arg8 : memref<40x512xf32, #tpu.memory_space<vmem>>) offsets(%dma_start3A_16 : memref<40xi32, #tpu.memory_space<vmem>>) semaphore(%arg12 : memref<!tpu.dma_semaphore, #tpu.memory_space<semaphore_mem>>)
    %scan3A = arith.constant 0 : i32
    %scan3A_20 = arith.constant 0 : i32
    %scan3A_21 = arith.constant 40 : i32
    %scan3A_22 = arith.addi %scan3A_20, %scan3A_21 : i32
    %scan3A_23 = arith.constant 1 : i32
    scf.for %scan3A_48 = %scan3A_20 to %scan3A_22 step %scan3A_23  : i32 {
      %mul3A_49 = arith.constant 4 : i32
      %mul3A_50 = arith.muli %scan3A_48, %mul3A_49 : i32
      %add3A_51 = arith.constant 0 : i32
      %add3A_52 = arith.addi %mul3A_50, %add3A_51 : i32
      %dma_wait3A_53 = arith.constant 0 : i32
      %dma_wait3A_54 = arith.constant 0 : i32
      %dma_wait3A_55 = tpu.memref_slice %arg4[%dma_wait3A_53, %dma_wait3A_54] : memref<204800x512xf32, #tpu.memory_space<hbm>> -> memref<40x512xf32, #tpu.memory_space<hbm>>
      %dma_wait3A_56 = arith.constant 0 : i32
      %dma_wait3A_57 = arith.constant 0 : i32
      %dma_wait3A_58 = tpu.memref_slice %arg4[%dma_wait3A_56, %dma_wait3A_57] : memref<204800x512xf32, #tpu.memory_space<hbm>> -> memref<40x512xf32, #tpu.memory_space<hbm>>
      tpu.wait_dma2 semaphore(%arg10 : memref<!tpu.dma_semaphore, #tpu.memory_space<semaphore_mem>>) src(%dma_wait3A_58 : memref<40x512xf32, #tpu.memory_space<hbm>>) dst(%arg6 : memref<40x512xf32, #tpu.memory_space<vmem>>)
      %scan3A_59 = arith.constant 0 : i32
      %scan3A_60 = arith.constant 0 : i32
      %scan3A_61 = arith.constant 40 : i32
      %scan3A_62 = arith.addi %scan3A_60, %scan3A_61 : i32
      %scan3A_63 = arith.constant 1 : i32
      scf.for %scan3A_182 = %scan3A_60 to %scan3A_62 step %scan3A_63  : i32 {
        %get3A = arith.index_cast %scan3A_182 : i32 to index
        %get3A_183 = arith.constant 0 : index
        %get3A_184 = tpu.vector_load %arg6[%get3A, %get3A_183] {strides = array<i32>} : memref<40x512xf32, #tpu.memory_space<vmem>>, vector<1x16xf32>,
        %get3A_185 = vector.shape_cast %get3A_184 : vector<1x16xf32> to vector<16xf32>
        %mul3A_186 = arith.constant 22.6274166 : f32
        %mul3A_187 = vector.broadcast %mul3A_186 : f32 to vector<16xf32>
        %mul3A_188 = arith.mulf %get3A_185, %mul3A_187 : vector<16xf32>
        %swap3A = arith.index_cast %scan3A_182 : i32 to index
        %swap3A_189 = arith.constant 0 : index
        %swap3A_190 = tpu.vector_load %arg6[%swap3A, %swap3A_189] {strides = array<i32>} : memref<40x512xf32, #tpu.memory_space<vmem>>, vector<1x16xf32>,
        %swap3A_191 = vector.shape_cast %swap3A_190 : vector<1x16xf32> to vector<16xf32>
        %swap3A_192 = vector.shape_cast %mul3A_188 : vector<16xf32> to vector<1x16xf32>
        tpu.vector_store %arg6[%swap3A, %swap3A_189], %swap3A_192 {strides = array<i32>} : memref<40x512xf32, #tpu.memory_space<vmem>>, vector<1x16xf32>,
        %get3A_193 = arith.index_cast %scan3A_182 : i32 to index
        %get3A_194 = arith.constant 16 : index
        %get3A_195 = tpu.vector_load %arg6[%get3A_193, %get3A_194] {strides = array<i32>} : memref<40x512xf32, #tpu.memory_space<vmem>>, vector<1x16xf32>,
        %get3A_196 = vector.shape_cast %get3A_195 : vector<1x16xf32> to vector<16xf32>
        %mul3A_197 = arith.constant 22.6274166 : f32
        %mul3A_198 = vector.broadcast %mul3A_197 : f32 to vector<16xf32>
        %mul3A_199 = arith.mulf %get3A_196, %mul3A_198 : vector<16xf32>
        %swap3A_200 = arith.index_cast %scan3A_182 : i32 to index
        %swap3A_201 = arith.constant 16 : index
        %swap3A_202 = tpu.vector_load %arg6[%swap3A_200, %swap3A_201] {strides = array<i32>} : memref<40x512xf32, #tpu.memory_space<vmem>>, vector<1x16xf32>,
        %swap3A_203 = vector.shape_cast %swap3A_202 : vector<1x16xf32> to vector<16xf32>
        %swap3A_204 = vector.shape_cast %mul3A_199 : vector<16xf32> to vector<1x16xf32>
        tpu.vector_store %arg6[%swap3A_200, %swap3A_201], %swap3A_204 {strides = array<i32>} : memref<40x512xf32, #tpu.memory_space<vmem>>, vector<1x16xf32>,
        %get3A_205 = arith.index_cast %scan3A_182 : i32 to index
        %get3A_206 = arith.constant 32 : index
        %get3A_207 = tpu.vector_load %arg6[%get3A_205, %get3A_206] {strides = array<i32>} : memref<40x512xf32, #tpu.memory_space<vmem>>, vector<1x16xf32>,
        %get3A_208 = vector.shape_cast %get3A_207 : vector<1x16xf32> to vector<16xf32>
        %mul3A_209 = arith.constant 22.6274166 : f32
        %mul3A_210 = vector.broadcast %mul3A_209 : f32 to vector<16xf32>
        %mul3A_211 = arith.mulf %get3A_208, %mul3A_210 : vector<16xf32>
        %swap3A_212 = arith.index_cast %scan3A_182 : i32 to index
        %swap3A_213 = arith.constant 32 : index
        %swap3A_214 = tpu.vector_load %arg6[%swap3A_212, %swap3A_213] {strides = array<i32>} : memref<40x512xf32, #tpu.memory_space<vmem>>, vector<1x16xf32>,
        %swap3A_215 = vector.shape_cast %swap3A_214 : vector<1x16xf32> to vector<16xf32>
        %swap3A_216 = vector.shape_cast %mul3A_211 : vector<16xf32> to vector<1x16xf32>
        tpu.vector_store %arg6[%swap3A_212, %swap3A_213], %swap3A_216 {strides = array<i32>} : memref<40x512xf32, #tpu.memory_space<vmem>>, vector<1x16xf32>,
        %get3A_217 = arith.index_cast %scan3A_182 : i32 to index
        %get3A_218 = arith.constant 48 : index
        %get3A_219 = tpu.vector_load %arg6[%get3A_217, %get3A_218] {strides = array<i32>} : memref<40x512xf32, #tpu.memory_space<vmem>>, vector<1x16xf32>,
        %get3A_220 = vector.shape_cast %get3A_219 : vector<1x16xf32> to vector<16xf32>
        %mul3A_221 = arith.constant 22.6274166 : f32
        %mul3A_222 = vector.broadcast %mul3A_221 : f32 to vector<16xf32>
        %mul3A_223 = arith.mulf %get3A_220, %mul3A_222 : vector<16xf32>
        %swap3A_224 = arith.index_cast %scan3A_182 : i32 to index
        %swap3A_225 = arith.constant 48 : index
        %swap3A_226 = tpu.vector_load %arg6[%swap3A_224, %swap3A_225] {strides = array<i32>} : memref<40x512xf32, #tpu.memory_space<vmem>>, vector<1x16xf32>,
        %swap3A_227 = vector.shape_cast %swap3A_226 : vector<1x16xf32> to vector<16xf32>
        %swap3A_228 = vector.shape_cast %mul3A_223 : vector<16xf32> to vector<1x16xf32>
        tpu.vector_store %arg6[%swap3A_224, %swap3A_225], %swap3A_228 {strides = array<i32>} : memref<40x512xf32, #tpu.memory_space<vmem>>, vector<1x16xf32>,
        %get3A_229 = arith.index_cast %scan3A_182 : i32 to index
        %get3A_230 = arith.constant 64 : index
        %get3A_231 = tpu.vector_load %arg6[%get3A_229, %get3A_230] {strides = array<i32>} : memref<40x512xf32, #tpu.memory_space<vmem>>, vector<1x16xf32>,
        %get3A_232 = vector.shape_cast %get3A_231 : vector<1x16xf32> to vector<16xf32>
        %mul3A_233 = arith.constant 22.6274166 : f32
        %mul3A_234 = vector.broadcast %mul3A_233 : f32 to vector<16xf32>
        %mul3A_235 = arith.mulf %get3A_232, %mul3A_234 : vector<16xf32>
        %swap3A_236 = arith.index_cast %scan3A_182 : i32 to index
        %swap3A_237 = arith.constant 64 : index
        %swap3A_238 = tpu.vector_load %arg6[%swap3A_236, %swap3A_237] {strides = array<i32>} : memref<40x512xf32, #tpu.memory_space<vmem>>, vector<1x16xf32>,
        %swap3A_239 = vector.shape_cast %swap3A_238 : vector<1x16xf32> to vector<16xf32>
        %swap3A_240 = vector.shape_cast %mul3A_235 : vector<16xf32> to vector<1x16xf32>
        tpu.vector_store %arg6[%swap3A_236, %swap3A_237], %swap3A_240 {strides = array<i32>} : memref<40x512xf32, #tpu.memory_space<vmem>>, vector<1x16xf32>,
        %get3A_241 = arith.index_cast %scan3A_182 : i32 to index
        %get3A_242 = arith.constant 80 : index
        %get3A_243 = tpu.vector_load %arg6[%get3A_241, %get3A_242] {strides = array<i32>} : memref<40x512xf32, #tpu.memory_space<vmem>>, vector<1x16xf32>,
        %get3A_244 = vector.shape_cast %get3A_243 : vector<1x16xf32> to vector<16xf32>
        %mul3A_245 = arith.constant 22.6274166 : f32
        %mul3A_246 = vector.broadcast %mul3A_245 : f32 to vector<16xf32>
        %mul3A_247 = arith.mulf %get3A_244, %mul3A_246 : vector<16xf32>
        %swap3A_248 = arith.index_cast %scan3A_182 : i32 to index
        %swap3A_249 = arith.constant 80 : index
        %swap3A_250 = tpu.vector_load %arg6[%swap3A_248, %swap3A_249] {strides = array<i32>} : memref<40x512xf32, #tpu.memory_space<vmem>>, vector<1x16xf32>,
        %swap3A_251 = vector.shape_cast %swap3A_250 : vector<1x16xf32> to vector<16xf32>
        %swap3A_252 = vector.shape_cast %mul3A_247 : vector<16xf32> to vector<1x16xf32>
        tpu.vector_store %arg6[%swap3A_248, %swap3A_249], %swap3A_252 {strides = array<i32>} : memref<40x512xf32, #tpu.memory_space<vmem>>, vector<1x16xf32>,
        %get3A_253 = arith.index_cast %scan3A_182 : i32 to index
        %get3A_254 = arith.constant 96 : index
        %get3A_255 = tpu.vector_load %arg6[%get3A_253, %get3A_254] {strides = array<i32>} : memref<40x512xf32, #tpu.memory_space<vmem>>, vector<1x16xf32>,
        %get3A_256 = vector.shape_cast %get3A_255 : vector<1x16xf32> to vector<16xf32>
        %mul3A_257 = arith.constant 22.6274166 : f32
        %mul3A_258 = vector.broadcast %mul3A_257 : f32 to vector<16xf32>
        %mul3A_259 = arith.mulf %get3A_256, %mul3A_258 : vector<16xf32>
        %swap3A_260 = arith.index_cast %scan3A_182 : i32 to index
        %swap3A_261 = arith.constant 96 : index
        %swap3A_262 = tpu.vector_load %arg6[%swap3A_260, %swap3A_261] {strides = array<i32>} : memref<40x512xf32, #tpu.memory_space<vmem>>, vector<1x16xf32>,
        %swap3A_263 = vector.shape_cast %swap3A_262 : vector<1x16xf32> to vector<16xf32>
        %swap3A_264 = vector.shape_cast %mul3A_259 : vector<16xf32> to vector<1x16xf32>
        tpu.vector_store %arg6[%swap3A_260, %swap3A_261], %swap3A_264 {strides = array<i32>} : memref<40x512xf32, #tpu.memory_space<vmem>>, vector<1x16xf32>,
        %get3A_265 = arith.index_cast %scan3A_182 : i32 to index
        %get3A_266 = arith.constant 112 : index
        %get3A_267 = tpu.vector_load %arg6[%get3A_265, %get3A_266] {strides = array<i32>} : memref<40x512xf32, #tpu.memory_space<vmem>>, vector<1x16xf32>,
        %get3A_268 = vector.shape_cast %get3A_267 : vector<1x16xf32> to vector<16xf32>
        %mul3A_269 = arith.constant 22.6274166 : f32
        %mul3A_270 = vector.broadcast %mul3A_269 : f32 to vector<16xf32>
        %mul3A_271 = arith.mulf %get3A_268, %mul3A_270 : vector<16xf32>
        %swap3A_272 = arith.index_cast %scan3A_182 : i32 to index
        %swap3A_273 = arith.constant 112 : index
        %swap3A_274 = tpu.vector_load %arg6[%swap3A_272, %swap3A_273] {strides = array<i32>} : memref<40x512xf32, #tpu.memory_space<vmem>>, vector<1x16xf32>,
        %swap3A_275 = vector.shape_cast %swap3A_274 : vector<1x16xf32> to vector<16xf32>
        %swap3A_276 = vector.shape_cast %mul3A_271 : vector<16xf32> to vector<1x16xf32>
        tpu.vector_store %arg6[%swap3A_272, %swap3A_273], %swap3A_276 {strides = array<i32>} : memref<40x512xf32, #tpu.memory_space<vmem>>, vector<1x16xf32>,
        %get3A_277 = arith.index_cast %scan3A_182 : i32 to index
        %get3A_278 = arith.constant 128 : index
        %get3A_279 = tpu.vector_load %arg6[%get3A_277, %get3A_278] {strides = array<i32>} : memref<40x512xf32, #tpu.memory_space<vmem>>, vector<1x16xf32>,
        %get3A_280 = vector.shape_cast %get3A_279 : vector<1x16xf32> to vector<16xf32>
        %mul3A_281 = arith.constant 22.6274166 : f32
        %mul3A_282 = vector.broadcast %mul3A_281 : f32 to vector<16xf32>
        %mul3A_283 = arith.mulf %get3A_280, %mul3A_282 : vector<16xf32>
        %swap3A_284 = arith.index_cast %scan3A_182 : i32 to index
        %swap3A_285 = arith.constant 128 : index
        %swap3A_286 = tpu.vector_load %arg6[%swap3A_284, %swap3A_285] {strides = array<i32>} : memref<40x512xf32, #tpu.memory_space<vmem>>, vector<1x16xf32>,
        %swap3A_287 = vector.shape_cast %swap3A_286 : vector<1x16xf32> to vector<16xf32>
        %swap3A_288 = vector.shape_cast %mul3A_283 : vector<16xf32> to vector<1x16xf32>
        tpu.vector_store %arg6[%swap3A_284, %swap3A_285], %swap3A_288 {strides = array<i32>} : memref<40x512xf32, #tpu.memory_space<vmem>>, vector<1x16xf32>,
        %get3A_289 = arith.index_cast %scan3A_182 : i32 to index
        %get3A_290 = arith.constant 144 : index
        %get3A_291 = tpu.vector_load %arg6[%get3A_289, %get3A_290] {strides = array<i32>} : memref<40x512xf32, #tpu.memory_space<vmem>>, vector<1x16xf32>,
        %get3A_292 = vector.shape_cast %get3A_291 : vector<1x16xf32> to vector<16xf32>
        %mul3A_293 = arith.constant 22.6274166 : f32
        %mul3A_294 = vector.broadcast %mul3A_293 : f32 to vector<16xf32>
        %mul3A_295 = arith.mulf %get3A_292, %mul3A_294 : vector<16xf32>
        %swap3A_296 = arith.index_cast %scan3A_182 : i32 to index
        %swap3A_297 = arith.constant 144 : index
        %swap3A_298 = tpu.vector_load %arg6[%swap3A_296, %swap3A_297] {strides = array<i32>} : memref<40x512xf32, #tpu.memory_space<vmem>>, vector<1x16xf32>,
        %swap3A_299 = vector.shape_cast %swap3A_298 : vector<1x16xf32> to vector<16xf32>
        %swap3A_300 = vector.shape_cast %mul3A_295 : vector<16xf32> to vector<1x16xf32>
        tpu.vector_store %arg6[%swap3A_296, %swap3A_297], %swap3A_300 {strides = array<i32>} : memref<40x512xf32, #tpu.memory_space<vmem>>, vector<1x16xf32>,
        %get3A_301 = arith.index_cast %scan3A_182 : i32 to index
        %get3A_302 = arith.constant 160 : index
        %get3A_303 = tpu.vector_load %arg6[%get3A_301, %get3A_302] {strides = array<i32>} : memref<40x512xf32, #tpu.memory_space<vmem>>, vector<1x16xf32>,
        %get3A_304 = vector.shape_cast %get3A_303 : vector<1x16xf32> to vector<16xf32>
        %mul3A_305 = arith.constant 22.6274166 : f32
        %mul3A_306 = vector.broadcast %mul3A_305 : f32 to vector<16xf32>
        %mul3A_307 = arith.mulf %get3A_304, %mul3A_306 : vector<16xf32>
        %swap3A_308 = arith.index_cast %scan3A_182 : i32 to index
        %swap3A_309 = arith.constant 160 : index
        %swap3A_310 = tpu.vector_load %arg6[%swap3A_308, %swap3A_309] {strides = array<i32>} : memref<40x512xf32, #tpu.memory_space<vmem>>, vector<1x16xf32>,
        %swap3A_311 = vector.shape_cast %swap3A_310 : vector<1x16xf32> to vector<16xf32>
        %swap3A_312 = vector.shape_cast %mul3A_307 : vector<16xf32> to vector<1x16xf32>
        tpu.vector_store %arg6[%swap3A_308, %swap3A_309], %swap3A_312 {strides = array<i32>} : memref<40x512xf32, #tpu.memory_space<vmem>>, vector<1x16xf32>,
        %get3A_313 = arith.index_cast %scan3A_182 : i32 to index
        %get3A_314 = arith.constant 176 : index
        %get3A_315 = tpu.vector_load %arg6[%get3A_313, %get3A_314] {strides = array<i32>} : memref<40x512xf32, #tpu.memory_space<vmem>>, vector<1x16xf32>,
        %get3A_316 = vector.shape_cast %get3A_315 : vector<1x16xf32> to vector<16xf32>
        %mul3A_317 = arith.constant 22.6274166 : f32
        %mul3A_318 = vector.broadcast %mul3A_317 : f32 to vector<16xf32>
        %mul3A_319 = arith.mulf %get3A_316, %mul3A_318 : vector<16xf32>
        %swap3A_320 = arith.index_cast %scan3A_182 : i32 to index
        %swap3A_321 = arith.constant 176 : index
        %swap3A_322 = tpu.vector_load %arg6[%swap3A_320, %swap3A_321] {strides = array<i32>} : memref<40x512xf32, #tpu.memory_space<vmem>>, vector<1x16xf32>,
        %swap3A_323 = vector.shape_cast %swap3A_322 : vector<1x16xf32> to vector<16xf32>
        %swap3A_324 = vector.shape_cast %mul3A_319 : vector<16xf32> to vector<1x16xf32>
        tpu.vector_store %arg6[%swap3A_320, %swap3A_321], %swap3A_324 {strides = array<i32>} : memref<40x512xf32, #tpu.memory_space<vmem>>, vector<1x16xf32>,
        %get3A_325 = arith.index_cast %scan3A_182 : i32 to index
        %get3A_326 = arith.constant 192 : index
        %get3A_327 = tpu.vector_load %arg6[%get3A_325, %get3A_326] {strides = array<i32>} : memref<40x512xf32, #tpu.memory_space<vmem>>, vector<1x16xf32>,
        %get3A_328 = vector.shape_cast %get3A_327 : vector<1x16xf32> to vector<16xf32>
        %mul3A_329 = arith.constant 22.6274166 : f32
        %mul3A_330 = vector.broadcast %mul3A_329 : f32 to vector<16xf32>
        %mul3A_331 = arith.mulf %get3A_328, %mul3A_330 : vector<16xf32>
        %swap3A_332 = arith.index_cast %scan3A_182 : i32 to index
        %swap3A_333 = arith.constant 192 : index
        %swap3A_334 = tpu.vector_load %arg6[%swap3A_332, %swap3A_333] {strides = array<i32>} : memref<40x512xf32, #tpu.memory_space<vmem>>, vector<1x16xf32>,
        %swap3A_335 = vector.shape_cast %swap3A_334 : vector<1x16xf32> to vector<16xf32>
        %swap3A_336 = vector.shape_cast %mul3A_331 : vector<16xf32> to vector<1x16xf32>
        tpu.vector_store %arg6[%swap3A_332, %swap3A_333], %swap3A_336 {strides = array<i32>} : memref<40x512xf32, #tpu.memory_space<vmem>>, vector<1x16xf32>,
        %get3A_337 = arith.index_cast %scan3A_182 : i32 to index
        %get3A_338 = arith.constant 208 : index
        %get3A_339 = tpu.vector_load %arg6[%get3A_337, %get3A_338] {strides = array<i32>} : memref<40x512xf32, #tpu.memory_space<vmem>>, vector<1x16xf32>,
        %get3A_340 = vector.shape_cast %get3A_339 : vector<1x16xf32> to vector<16xf32>
        %mul3A_341 = arith.constant 22.6274166 : f32
        %mul3A_342 = vector.broadcast %mul3A_341 : f32 to vector<16xf32>
        %mul3A_343 = arith.mulf %get3A_340, %mul3A_342 : vector<16xf32>
        %swap3A_344 = arith.index_cast %scan3A_182 : i32 to index
        %swap3A_345 = arith.constant 208 : index
        %swap3A_346 = tpu.vector_load %arg6[%swap3A_344, %swap3A_345] {strides = array<i32>} : memref<40x512xf32, #tpu.memory_space<vmem>>, vector<1x16xf32>,
        %swap3A_347 = vector.shape_cast %swap3A_346 : vector<1x16xf32> to vector<16xf32>
        %swap3A_348 = vector.shape_cast %mul3A_343 : vector<16xf32> to vector<1x16xf32>
        tpu.vector_store %arg6[%swap3A_344, %swap3A_345], %swap3A_348 {strides = array<i32>} : memref<40x512xf32, #tpu.memory_space<vmem>>, vector<1x16xf32>,
        %get3A_349 = arith.index_cast %scan3A_182 : i32 to index
        %get3A_350 = arith.constant 224 : index
        %get3A_351 = tpu.vector_load %arg6[%get3A_349, %get3A_350] {strides = array<i32>} : memref<40x512xf32, #tpu.memory_space<vmem>>, vector<1x16xf32>,
        %get3A_352 = vector.shape_cast %get3A_351 : vector<1x16xf32> to vector<16xf32>
        %mul3A_353 = arith.constant 22.6274166 : f32
        %mul3A_354 = vector.broadcast %mul3A_353 : f32 to vector<16xf32>
        %mul3A_355 = arith.mulf %get3A_352, %mul3A_354 : vector<16xf32>
        %swap3A_356 = arith.index_cast %scan3A_182 : i32 to index
        %swap3A_357 = arith.constant 224 : index
        %swap3A_358 = tpu.vector_load %arg6[%swap3A_356, %swap3A_357] {strides = array<i32>} : memref<40x512xf32, #tpu.memory_space<vmem>>, vector<1x16xf32>,
        %swap3A_359 = vector.shape_cast %swap3A_358 : vector<1x16xf32> to vector<16xf32>
        %swap3A_360 = vector.shape_cast %mul3A_355 : vector<16xf32> to vector<1x16xf32>
        tpu.vector_store %arg6[%swap3A_356, %swap3A_357], %swap3A_360 {strides = array<i32>} : memref<40x512xf32, #tpu.memory_space<vmem>>, vector<1x16xf32>,
        %get3A_361 = arith.index_cast %scan3A_182 : i32 to index
        %get3A_362 = arith.constant 240 : index
        %get3A_363 = tpu.vector_load %arg6[%get3A_361, %get3A_362] {strides = array<i32>} : memref<40x512xf32, #tpu.memory_space<vmem>>, vector<1x16xf32>,
        %get3A_364 = vector.shape_cast %get3A_363 : vector<1x16xf32> to vector<16xf32>
        %mul3A_365 = arith.constant 22.6274166 : f32
        %mul3A_366 = vector.broadcast %mul3A_365 : f32 to vector<16xf32>
        %mul3A_367 = arith.mulf %get3A_364, %mul3A_366 : vector<16xf32>
        %swap3A_368 = arith.index_cast %scan3A_182 : i32 to index
        %swap3A_369 = arith.constant 240 : index
        %swap3A_370 = tpu.vector_load %arg6[%swap3A_368, %swap3A_369] {strides = array<i32>} : memref<40x512xf32, #tpu.memory_space<vmem>>, vector<1x16xf32>,
        %swap3A_371 = vector.shape_cast %swap3A_370 : vector<1x16xf32> to vector<16xf32>
        %swap3A_372 = vector.shape_cast %mul3A_367 : vector<16xf32> to vector<1x16xf32>
        tpu.vector_store %arg6[%swap3A_368, %swap3A_369], %swap3A_372 {strides = array<i32>} : memref<40x512xf32, #tpu.memory_space<vmem>>, vector<1x16xf32>,
        %get3A_373 = arith.index_cast %scan3A_182 : i32 to index
        %get3A_374 = arith.constant 256 : index
        %get3A_375 = tpu.vector_load %arg6[%get3A_373, %get3A_374] {strides = array<i32>} : memref<40x512xf32, #tpu.memory_space<vmem>>, vector<1x16xf32>,
        %get3A_376 = vector.shape_cast %get3A_375 : vector<1x16xf32> to vector<16xf32>
        %mul3A_377 = arith.constant 22.6274166 : f32
        %mul3A_378 = vector.broadcast %mul3A_377 : f32 to vector<16xf32>
        %mul3A_379 = arith.mulf %get3A_376, %mul3A_378 : vector<16xf32>
        %swap3A_380 = arith.index_cast %scan3A_182 : i32 to index
        %swap3A_381 = arith.constant 256 : index
        %swap3A_382 = tpu.vector_load %arg6[%swap3A_380, %swap3A_381] {strides = array<i32>} : memref<40x512xf32, #tpu.memory_space<vmem>>, vector<1x16xf32>,
        %swap3A_383 = vector.shape_cast %swap3A_382 : vector<1x16xf32> to vector<16xf32>
        %swap3A_384 = vector.shape_cast %mul3A_379 : vector<16xf32> to vector<1x16xf32>
        tpu.vector_store %arg6[%swap3A_380, %swap3A_381], %swap3A_384 {strides = array<i32>} : memref<40x512xf32, #tpu.memory_space<vmem>>, vector<1x16xf32>,
        %get3A_385 = arith.index_cast %scan3A_182 : i32 to index
        %get3A_386 = arith.constant 272 : index
        %get3A_387 = tpu.vector_load %arg6[%get3A_385, %get3A_386] {strides = array<i32>} : memref<40x512xf32, #tpu.memory_space<vmem>>, vector<1x16xf32>,
        %get3A_388 = vector.shape_cast %get3A_387 : vector<1x16xf32> to vector<16xf32>
        %mul3A_389 = arith.constant 22.6274166 : f32
        %mul3A_390 = vector.broadcast %mul3A_389 : f32 to vector<16xf32>
        %mul3A_391 = arith.mulf %get3A_388, %mul3A_390 : vector<16xf32>
        %swap3A_392 = arith.index_cast %scan3A_182 : i32 to index
        %swap3A_393 = arith.constant 272 : index
        %swap3A_394 = tpu.vector_load %arg6[%swap3A_392, %swap3A_393] {strides = array<i32>} : memref<40x512xf32, #tpu.memory_space<vmem>>, vector<1x16xf32>,
        %swap3A_395 = vector.shape_cast %swap3A_394 : vector<1x16xf32> to vector<16xf32>
        %swap3A_396 = vector.shape_cast %mul3A_391 : vector<16xf32> to vector<1x16xf32>
        tpu.vector_store %arg6[%swap3A_392, %swap3A_393], %swap3A_396 {strides = array<i32>} : memref<40x512xf32, #tpu.memory_space<vmem>>, vector<1x16xf32>,
        %get3A_397 = arith.index_cast %scan3A_182 : i32 to index
        %get3A_398 = arith.constant 288 : index
        %get3A_399 = tpu.vector_load %arg6[%get3A_397, %get3A_398] {strides = array<i32>} : memref<40x512xf32, #tpu.memory_space<vmem>>, vector<1x16xf32>,
        %get3A_400 = vector.shape_cast %get3A_399 : vector<1x16xf32> to vector<16xf32>
        %mul3A_401 = arith.constant 22.6274166 : f32
        %mul3A_402 = vector.broadcast %mul3A_401 : f32 to vector<16xf32>
        %mul3A_403 = arith.mulf %get3A_400, %mul3A_402 : vector<16xf32>
        %swap3A_404 = arith.index_cast %scan3A_182 : i32 to index
        %swap3A_405 = arith.constant 288 : index
        %swap3A_406 = tpu.vector_load %arg6[%swap3A_404, %swap3A_405] {strides = array<i32>} : memref<40x512xf32, #tpu.memory_space<vmem>>, vector<1x16xf32>,
        %swap3A_407 = vector.shape_cast %swap3A_406 : vector<1x16xf32> to vector<16xf32>
        %swap3A_408 = vector.shape_cast %mul3A_403 : vector<16xf32> to vector<1x16xf32>
        tpu.vector_store %arg6[%swap3A_404, %swap3A_405], %swap3A_408 {strides = array<i32>} : memref<40x512xf32, #tpu.memory_space<vmem>>, vector<1x16xf32>,
        %get3A_409 = arith.index_cast %scan3A_182 : i32 to index
        %get3A_410 = arith.constant 304 : index
        %get3A_411 = tpu.vector_load %arg6[%get3A_409, %get3A_410] {strides = array<i32>} : memref<40x512xf32, #tpu.memory_space<vmem>>, vector<1x16xf32>,
        %get3A_412 = vector.shape_cast %get3A_411 : vector<1x16xf32> to vector<16xf32>
        %mul3A_413 = arith.constant 22.6274166 : f32
        %mul3A_414 = vector.broadcast %mul3A_413 : f32 to vector<16xf32>
        %mul3A_415 = arith.mulf %get3A_412, %mul3A_414 : vector<16xf32>
        %swap3A_416 = arith.index_cast %scan3A_182 : i32 to index
        %swap3A_417 = arith.constant 304 : index
        %swap3A_418 = tpu.vector_load %arg6[%swap3A_416, %swap3A_417] {strides = array<i32>} : memref<40x512xf32, #tpu.memory_space<vmem>>, vector<1x16xf32>,
        %swap3A_419 = vector.shape_cast %swap3A_418 : vector<1x16xf32> to vector<16xf32>
        %swap3A_420 = vector.shape_cast %mul3A_415 : vector<16xf32> to vector<1x16xf32>
        tpu.vector_store %arg6[%swap3A_416, %swap3A_417], %swap3A_420 {strides = array<i32>} : memref<40x512xf32, #tpu.memory_space<vmem>>, vector<1x16xf32>,
        %get3A_421 = arith.index_cast %scan3A_182 : i32 to index
        %get3A_422 = arith.constant 320 : index
        %get3A_423 = tpu.vector_load %arg6[%get3A_421, %get3A_422] {strides = array<i32>} : memref<40x512xf32, #tpu.memory_space<vmem>>, vector<1x16xf32>,
        %get3A_424 = vector.shape_cast %get3A_423 : vector<1x16xf32> to vector<16xf32>
        %mul3A_425 = arith.constant 22.6274166 : f32
        %mul3A_426 = vector.broadcast %mul3A_425 : f32 to vector<16xf32>
        %mul3A_427 = arith.mulf %get3A_424, %mul3A_426 : vector<16xf32>
        %swap3A_428 = arith.index_cast %scan3A_182 : i32 to index
        %swap3A_429 = arith.constant 320 : index
        %swap3A_430 = tpu.vector_load %arg6[%swap3A_428, %swap3A_429] {strides = array<i32>} : memref<40x512xf32, #tpu.memory_space<vmem>>, vector<1x16xf32>,
        %swap3A_431 = vector.shape_cast %swap3A_430 : vector<1x16xf32> to vector<16xf32>
        %swap3A_432 = vector.shape_cast %mul3A_427 : vector<16xf32> to vector<1x16xf32>
        tpu.vector_store %arg6[%swap3A_428, %swap3A_429], %swap3A_432 {strides = array<i32>} : memref<40x512xf32, #tpu.memory_space<vmem>>, vector<1x16xf32>,
        %get3A_433 = arith.index_cast %scan3A_182 : i32 to index
        %get3A_434 = arith.constant 336 : index
        %get3A_435 = tpu.vector_load %arg6[%get3A_433, %get3A_434] {strides = array<i32>} : memref<40x512xf32, #tpu.memory_space<vmem>>, vector<1x16xf32>,
        %get3A_436 = vector.shape_cast %get3A_435 : vector<1x16xf32> to vector<16xf32>
        %mul3A_437 = arith.constant 22.6274166 : f32
        %mul3A_438 = vector.broadcast %mul3A_437 : f32 to vector<16xf32>
        %mul3A_439 = arith.mulf %get3A_436, %mul3A_438 : vector<16xf32>
        %swap3A_440 = arith.index_cast %scan3A_182 : i32 to index
        %swap3A_441 = arith.constant 336 : index
        %swap3A_442 = tpu.vector_load %arg6[%swap3A_440, %swap3A_441] {strides = array<i32>} : memref<40x512xf32, #tpu.memory_space<vmem>>, vector<1x16xf32>,
        %swap3A_443 = vector.shape_cast %swap3A_442 : vector<1x16xf32> to vector<16xf32>
        %swap3A_444 = vector.shape_cast %mul3A_439 : vector<16xf32> to vector<1x16xf32>
        tpu.vector_store %arg6[%swap3A_440, %swap3A_441], %swap3A_444 {strides = array<i32>} : memref<40x512xf32, #tpu.memory_space<vmem>>, vector<1x16xf32>,
        %get3A_445 = arith.index_cast %scan3A_182 : i32 to index
        %get3A_446 = arith.constant 352 : index
        %get3A_447 = tpu.vector_load %arg6[%get3A_445, %get3A_446] {strides = array<i32>} : memref<40x512xf32, #tpu.memory_space<vmem>>, vector<1x16xf32>,
        %get3A_448 = vector.shape_cast %get3A_447 : vector<1x16xf32> to vector<16xf32>
        %mul3A_449 = arith.constant 22.6274166 : f32
        %mul3A_450 = vector.broadcast %mul3A_449 : f32 to vector<16xf32>
        %mul3A_451 = arith.mulf %get3A_448, %mul3A_450 : vector<16xf32>
        %swap3A_452 = arith.index_cast %scan3A_182 : i32 to index
        %swap3A_453 = arith.constant 352 : index
        %swap3A_454 = tpu.vector_load %arg6[%swap3A_452, %swap3A_453] {strides = array<i32>} : memref<40x512xf32, #tpu.memory_space<vmem>>, vector<1x16xf32>,
        %swap3A_455 = vector.shape_cast %swap3A_454 : vector<1x16xf32> to vector<16xf32>
        %swap3A_456 = vector.shape_cast %mul3A_451 : vector<16xf32> to vector<1x16xf32>
        tpu.vector_store %arg6[%swap3A_452, %swap3A_453], %swap3A_456 {strides = array<i32>} : memref<40x512xf32, #tpu.memory_space<vmem>>, vector<1x16xf32>,
        %get3A_457 = arith.index_cast %scan3A_182 : i32 to index
        %get3A_458 = arith.constant 368 : index
        %get3A_459 = tpu.vector_load %arg6[%get3A_457, %get3A_458] {strides = array<i32>} : memref<40x512xf32, #tpu.memory_space<vmem>>, vector<1x16xf32>,
        %get3A_460 = vector.shape_cast %get3A_459 : vector<1x16xf32> to vector<16xf32>
        %mul3A_461 = arith.constant 22.6274166 : f32
        %mul3A_462 = vector.broadcast %mul3A_461 : f32 to vector<16xf32>
        %mul3A_463 = arith.mulf %get3A_460, %mul3A_462 : vector<16xf32>
        %swap3A_464 = arith.index_cast %scan3A_182 : i32 to index
        %swap3A_465 = arith.constant 368 : index
        %swap3A_466 = tpu.vector_load %arg6[%swap3A_464, %swap3A_465] {strides = array<i32>} : memref<40x512xf32, #tpu.memory_space<vmem>>, vector<1x16xf32>,
        %swap3A_467 = vector.shape_cast %swap3A_466 : vector<1x16xf32> to vector<16xf32>
        %swap3A_468 = vector.shape_cast %mul3A_463 : vector<16xf32> to vector<1x16xf32>
        tpu.vector_store %arg6[%swap3A_464, %swap3A_465], %swap3A_468 {strides = array<i32>} : memref<40x512xf32, #tpu.memory_space<vmem>>, vector<1x16xf32>,
        %get3A_469 = arith.index_cast %scan3A_182 : i32 to index
        %get3A_470 = arith.constant 384 : index
        %get3A_471 = tpu.vector_load %arg6[%get3A_469, %get3A_470] {strides = array<i32>} : memref<40x512xf32, #tpu.memory_space<vmem>>, vector<1x16xf32>,
        %get3A_472 = vector.shape_cast %get3A_471 : vector<1x16xf32> to vector<16xf32>
        %mul3A_473 = arith.constant 22.6274166 : f32
        %mul3A_474 = vector.broadcast %mul3A_473 : f32 to vector<16xf32>
        %mul3A_475 = arith.mulf %get3A_472, %mul3A_474 : vector<16xf32>
        %swap3A_476 = arith.index_cast %scan3A_182 : i32 to index
        %swap3A_477 = arith.constant 384 : index
        %swap3A_478 = tpu.vector_load %arg6[%swap3A_476, %swap3A_477] {strides = array<i32>} : memref<40x512xf32, #tpu.memory_space<vmem>>, vector<1x16xf32>,
        %swap3A_479 = vector.shape_cast %swap3A_478 : vector<1x16xf32> to vector<16xf32>
        %swap3A_480 = vector.shape_cast %mul3A_475 : vector<16xf32> to vector<1x16xf32>
        tpu.vector_store %arg6[%swap3A_476, %swap3A_477], %swap3A_480 {strides = array<i32>} : memref<40x512xf32, #tpu.memory_space<vmem>>, vector<1x16xf32>,
        %get3A_481 = arith.index_cast %scan3A_182 : i32 to index
        %get3A_482 = arith.constant 400 : index
        %get3A_483 = tpu.vector_load %arg6[%get3A_481, %get3A_482] {strides = array<i32>} : memref<40x512xf32, #tpu.memory_space<vmem>>, vector<1x16xf32>,
        %get3A_484 = vector.shape_cast %get3A_483 : vector<1x16xf32> to vector<16xf32>
        %mul3A_485 = arith.constant 22.6274166 : f32
        %mul3A_486 = vector.broadcast %mul3A_485 : f32 to vector<16xf32>
        %mul3A_487 = arith.mulf %get3A_484, %mul3A_486 : vector<16xf32>
        %swap3A_488 = arith.index_cast %scan3A_182 : i32 to index
        %swap3A_489 = arith.constant 400 : index
        %swap3A_490 = tpu.vector_load %arg6[%swap3A_488, %swap3A_489] {strides = array<i32>} : memref<40x512xf32, #tpu.memory_space<vmem>>, vector<1x16xf32>,
        %swap3A_491 = vector.shape_cast %swap3A_490 : vector<1x16xf32> to vector<16xf32>
        %swap3A_492 = vector.shape_cast %mul3A_487 : vector<16xf32> to vector<1x16xf32>
        tpu.vector_store %arg6[%swap3A_488, %swap3A_489], %swap3A_492 {strides = array<i32>} : memref<40x512xf32, #tpu.memory_space<vmem>>, vector<1x16xf32>,
        %get3A_493 = arith.index_cast %scan3A_182 : i32 to index
        %get3A_494 = arith.constant 416 : index
        %get3A_495 = tpu.vector_load %arg6[%get3A_493, %get3A_494] {strides = array<i32>} : memref<40x512xf32, #tpu.memory_space<vmem>>, vector<1x16xf32>,
        %get3A_496 = vector.shape_cast %get3A_495 : vector<1x16xf32> to vector<16xf32>
        %mul3A_497 = arith.constant 22.6274166 : f32
        %mul3A_498 = vector.broadcast %mul3A_497 : f32 to vector<16xf32>
        %mul3A_499 = arith.mulf %get3A_496, %mul3A_498 : vector<16xf32>
        %swap3A_500 = arith.index_cast %scan3A_182 : i32 to index
        %swap3A_501 = arith.constant 416 : index
        %swap3A_502 = tpu.vector_load %arg6[%swap3A_500, %swap3A_501] {strides = array<i32>} : memref<40x512xf32, #tpu.memory_space<vmem>>, vector<1x16xf32>,
        %swap3A_503 = vector.shape_cast %swap3A_502 : vector<1x16xf32> to vector<16xf32>
        %swap3A_504 = vector.shape_cast %mul3A_499 : vector<16xf32> to vector<1x16xf32>
        tpu.vector_store %arg6[%swap3A_500, %swap3A_501], %swap3A_504 {strides = array<i32>} : memref<40x512xf32, #tpu.memory_space<vmem>>, vector<1x16xf32>,
        %get3A_505 = arith.index_cast %scan3A_182 : i32 to index
        %get3A_506 = arith.constant 432 : index
        %get3A_507 = tpu.vector_load %arg6[%get3A_505, %get3A_506] {strides = array<i32>} : memref<40x512xf32, #tpu.memory_space<vmem>>, vector<1x16xf32>,
        %get3A_508 = vector.shape_cast %get3A_507 : vector<1x16xf32> to vector<16xf32>
        %mul3A_509 = arith.constant 22.6274166 : f32
        %mul3A_510 = vector.broadcast %mul3A_509 : f32 to vector<16xf32>
        %mul3A_511 = arith.mulf %get3A_508, %mul3A_510 : vector<16xf32>
        %swap3A_512 = arith.index_cast %scan3A_182 : i32 to index
        %swap3A_513 = arith.constant 432 : index
        %swap3A_514 = tpu.vector_load %arg6[%swap3A_512, %swap3A_513] {strides = array<i32>} : memref<40x512xf32, #tpu.memory_space<vmem>>, vector<1x16xf32>,
        %swap3A_515 = vector.shape_cast %swap3A_514 : vector<1x16xf32> to vector<16xf32>
        %swap3A_516 = vector.shape_cast %mul3A_511 : vector<16xf32> to vector<1x16xf32>
        tpu.vector_store %arg6[%swap3A_512, %swap3A_513], %swap3A_516 {strides = array<i32>} : memref<40x512xf32, #tpu.memory_space<vmem>>, vector<1x16xf32>,
        %get3A_517 = arith.index_cast %scan3A_182 : i32 to index
        %get3A_518 = arith.constant 448 : index
        %get3A_519 = tpu.vector_load %arg6[%get3A_517, %get3A_518] {strides = array<i32>} : memref<40x512xf32, #tpu.memory_space<vmem>>, vector<1x16xf32>,
        %get3A_520 = vector.shape_cast %get3A_519 : vector<1x16xf32> to vector<16xf32>
        %mul3A_521 = arith.constant 22.6274166 : f32
        %mul3A_522 = vector.broadcast %mul3A_521 : f32 to vector<16xf32>
        %mul3A_523 = arith.mulf %get3A_520, %mul3A_522 : vector<16xf32>
        %swap3A_524 = arith.index_cast %scan3A_182 : i32 to index
        %swap3A_525 = arith.constant 448 : index
        %swap3A_526 = tpu.vector_load %arg6[%swap3A_524, %swap3A_525] {strides = array<i32>} : memref<40x512xf32, #tpu.memory_space<vmem>>, vector<1x16xf32>,
        %swap3A_527 = vector.shape_cast %swap3A_526 : vector<1x16xf32> to vector<16xf32>
        %swap3A_528 = vector.shape_cast %mul3A_523 : vector<16xf32> to vector<1x16xf32>
        tpu.vector_store %arg6[%swap3A_524, %swap3A_525], %swap3A_528 {strides = array<i32>} : memref<40x512xf32, #tpu.memory_space<vmem>>, vector<1x16xf32>,
        %get3A_529 = arith.index_cast %scan3A_182 : i32 to index
        %get3A_530 = arith.constant 464 : index
        %get3A_531 = tpu.vector_load %arg6[%get3A_529, %get3A_530] {strides = array<i32>} : memref<40x512xf32, #tpu.memory_space<vmem>>, vector<1x16xf32>,
        %get3A_532 = vector.shape_cast %get3A_531 : vector<1x16xf32> to vector<16xf32>
        %mul3A_533 = arith.constant 22.6274166 : f32
        %mul3A_534 = vector.broadcast %mul3A_533 : f32 to vector<16xf32>
        %mul3A_535 = arith.mulf %get3A_532, %mul3A_534 : vector<16xf32>
        %swap3A_536 = arith.index_cast %scan3A_182 : i32 to index
        %swap3A_537 = arith.constant 464 : index
        %swap3A_538 = tpu.vector_load %arg6[%swap3A_536, %swap3A_537] {strides = array<i32>} : memref<40x512xf32, #tpu.memory_space<vmem>>, vector<1x16xf32>,
        %swap3A_539 = vector.shape_cast %swap3A_538 : vector<1x16xf32> to vector<16xf32>
        %swap3A_540 = vector.shape_cast %mul3A_535 : vector<16xf32> to vector<1x16xf32>
        tpu.vector_store %arg6[%swap3A_536, %swap3A_537], %swap3A_540 {strides = array<i32>} : memref<40x512xf32, #tpu.memory_space<vmem>>, vector<1x16xf32>,
        %get3A_541 = arith.index_cast %scan3A_182 : i32 to index
        %get3A_542 = arith.constant 480 : index
        %get3A_543 = tpu.vector_load %arg6[%get3A_541, %get3A_542] {strides = array<i32>} : memref<40x512xf32, #tpu.memory_space<vmem>>, vector<1x16xf32>,
        %get3A_544 = vector.shape_cast %get3A_543 : vector<1x16xf32> to vector<16xf32>
        %mul3A_545 = arith.constant 22.6274166 : f32
        %mul3A_546 = vector.broadcast %mul3A_545 : f32 to vector<16xf32>
        %mul3A_547 = arith.mulf %get3A_544, %mul3A_546 : vector<16xf32>
        %swap3A_548 = arith.index_cast %scan3A_182 : i32 to index
        %swap3A_549 = arith.constant 480 : index
        %swap3A_550 = tpu.vector_load %arg6[%swap3A_548, %swap3A_549] {strides = array<i32>} : memref<40x512xf32, #tpu.memory_space<vmem>>, vector<1x16xf32>,
        %swap3A_551 = vector.shape_cast %swap3A_550 : vector<1x16xf32> to vector<16xf32>
        %swap3A_552 = vector.shape_cast %mul3A_547 : vector<16xf32> to vector<1x16xf32>
        tpu.vector_store %arg6[%swap3A_548, %swap3A_549], %swap3A_552 {strides = array<i32>} : memref<40x512xf32, #tpu.memory_space<vmem>>, vector<1x16xf32>,
        %get3A_553 = arith.index_cast %scan3A_182 : i32 to index
        %get3A_554 = arith.constant 496 : index
        %get3A_555 = tpu.vector_load %arg6[%get3A_553, %get3A_554] {strides = array<i32>} : memref<40x512xf32, #tpu.memory_space<vmem>>, vector<1x16xf32>,
        %get3A_556 = vector.shape_cast %get3A_555 : vector<1x16xf32> to vector<16xf32>
        %mul3A_557 = arith.constant 22.6274166 : f32
        %mul3A_558 = vector.broadcast %mul3A_557 : f32 to vector<16xf32>
        %mul3A_559 = arith.mulf %get3A_556, %mul3A_558 : vector<16xf32>
        %swap3A_560 = arith.index_cast %scan3A_182 : i32 to index
        %swap3A_561 = arith.constant 496 : index
        %swap3A_562 = tpu.vector_load %arg6[%swap3A_560, %swap3A_561] {strides = array<i32>} : memref<40x512xf32, #tpu.memory_space<vmem>>, vector<1x16xf32>,
        %swap3A_563 = vector.shape_cast %swap3A_562 : vector<1x16xf32> to vector<16xf32>
        %swap3A_564 = vector.shape_cast %mul3A_559 : vector<16xf32> to vector<1x16xf32>
        tpu.vector_store %arg6[%swap3A_560, %swap3A_561], %swap3A_564 {strides = array<i32>} : memref<40x512xf32, #tpu.memory_space<vmem>>, vector<1x16xf32>,
      }
      %scan3A_64 = arith.constant 40 : i32
      %mul3A_65 = arith.constant 40 : i32
      %mul3A_66 = arith.muli %add3A_52, %mul3A_65 : i32
      %multiple_of3A_67 = tpu.assume_multiple %mul3A_66, 40 : i32
      %add3A_68 = arith.addi %multiple_of3A, %multiple_of3A_67 : i32
      %dma_start3A_69 = arith.constant 0 : i32
      %dma_start3A_70 = tpu.memref_slice %arg4[%add3A_68, %dma_start3A_69] : memref<204800x512xf32, #tpu.memory_space<hbm>> -> memref<40x512xf32, #tpu.memory_space<hbm>>
      %dma_start3A_71 = arith.constant 0 : i32
      %dma_start3A_72 = tpu.memref_slice %arg4[%add3A_68, %dma_start3A_71] : memref<204800x512xf32, #tpu.memory_space<hbm>> -> memref<40x512xf32, #tpu.memory_space<hbm>>
      tpu.enqueue_dma source(%arg6 : memref<40x512xf32, #tpu.memory_space<vmem>>) target(%dma_start3A_72 : memref<40x512xf32, #tpu.memory_space<hbm>>) target_semaphore(%arg14 : memref<!tpu.dma_semaphore, #tpu.memory_space<semaphore_mem>>)
      %eq3A = arith.constant 0 : i32
      %eq3A_73 = arith.cmpi eq, %scan3A_48, %eq3A : i32
      %convert_element_type3A = arith.extui %eq3A_73 : i1 to i32
      %cond3A = arith.constant 0 : i32
      %cond3A_74 = arith.cmpi ne, %convert_element_type3A, %cond3A : i32
      scf.if %cond3A_74 {
        %multiple_of3A_182 = arith.constant 120 : i32
        %multiple_of3A_183 = tpu.assume_multiple %multiple_of3A_182, 40 : i32
        %dma_start3A_184 = tpu.memref_slice %arg5[%multiple_of3A_183] : memref<6400xi32, #tpu.memory_space<vmem>> -> memref<40xi32, #tpu.memory_space<vmem>>
        %dma_start3A_185 = arith.constant 0 : i32
        %dma_start3A_186 = arith.constant 0 : i32
        %dma_start3A_187 = tpu.memref_slice %arg3[%dma_start3A_185, %dma_start3A_186] : memref<100000x512xf32, #tpu.memory_space<hbm>> -> memref<100000x512xf32, #tpu.memory_space<hbm>>
        tpu.enqueue_indirect_dma source(%dma_start3A_187 : memref<100000x512xf32, #tpu.memory_space<hbm>>) target(%arg9 : memref<40x512xf32, #tpu.memory_space<vmem>>) offsets(%dma_start3A_184 : memref<40xi32, #tpu.memory_space<vmem>>) semaphore(%arg13 : memref<!tpu.dma_semaphore, #tpu.memory_space<semaphore_mem>>)
      } else {
      }
      %ge3A = arith.constant 1 : i32
      %ge3A_75 = arith.cmpi sge, %scan3A_48, %ge3A : i32
      %add3A_76 = arith.constant 4 : i32
      %add3A_77 = arith.addi %add3A_52, %add3A_76 : i32
      %sub3A = arith.constant 1 : i32
      %sub3A_78 = arith.subi %add3A_77, %sub3A : i32
      %lt3A = arith.constant 160 : i32
      %lt3A_79 = arith.cmpi slt, %sub3A_78, %lt3A : i32
      %and3A = arith.andi %ge3A_75, %lt3A_79 : i1
      %convert_element_type3A_80 = arith.extui %and3A : i1 to i32
      %cond3A_81 = arith.constant 0 : i32
      %cond3A_82 = arith.cmpi ne, %convert_element_type3A_80, %cond3A_81 : i32
      scf.if %cond3A_82 {
        %dma_wait3A_182 = arith.constant 0 : i32
        %dma_wait3A_183 = arith.constant 0 : i32
        %dma_wait3A_184 = tpu.memref_slice %arg4[%dma_wait3A_182, %dma_wait3A_183] : memref<204800x512xf32, #tpu.memory_space<hbm>> -> memref<40x512xf32, #tpu.memory_space<hbm>>
        %dma_wait3A_185 = arith.constant 0 : i32
        %dma_wait3A_186 = arith.constant 0 : i32
        %dma_wait3A_187 = tpu.memref_slice %arg4[%dma_wait3A_185, %dma_wait3A_186] : memref<204800x512xf32, #tpu.memory_space<hbm>> -> memref<40x512xf32, #tpu.memory_space<hbm>>
        tpu.wait_dma2 semaphore(%arg17 : memref<!tpu.dma_semaphore, #tpu.memory_space<semaphore_mem>>) src(%arg9 : memref<40x512xf32, #tpu.memory_space<vmem>>) dst(%dma_wait3A_187 : memref<40x512xf32, #tpu.memory_space<hbm>>)
        %add3A_188 = arith.constant 4 : i32
        %add3A_189 = arith.addi %add3A_52, %add3A_188 : i32
        %sub3A_190 = arith.constant 1 : i32
        %sub3A_191 = arith.subi %add3A_189, %sub3A_190 : i32
        %mul3A_192 = arith.constant 40 : i32
        %mul3A_193 = arith.muli %sub3A_191, %mul3A_192 : i32
        %multiple_of3A_194 = tpu.assume_multiple %mul3A_193, 40 : i32
        %dma_start3A_195 = tpu.memref_slice %arg5[%multiple_of3A_194] : memref<6400xi32, #tpu.memory_space<vmem>> -> memref<40xi32, #tpu.memory_space<vmem>>
        %dma_start3A_196 = arith.constant 0 : i32
        %dma_start3A_197 = arith.constant 0 : i32
        %dma_start3A_198 = tpu.memref_slice %arg3[%dma_start3A_196, %dma_start3A_197] : memref<100000x512xf32, #tpu.memory_space<hbm>> -> memref<100000x512xf32, #tpu.memory_space<hbm>>
        tpu.enqueue_indirect_dma source(%dma_start3A_198 : memref<100000x512xf32, #tpu.memory_space<hbm>>) target(%arg9 : memref<40x512xf32, #tpu.memory_space<vmem>>) offsets(%dma_start3A_195 : memref<40xi32, #tpu.memory_space<vmem>>) semaphore(%arg13 : memref<!tpu.dma_semaphore, #tpu.memory_space<semaphore_mem>>)
      } else {
      }
      %mul3A_83 = arith.constant 4 : i32
      %mul3A_84 = arith.muli %scan3A_48, %mul3A_83 : i32
      %add3A_85 = arith.constant 1 : i32
      %add3A_86 = arith.addi %mul3A_84, %add3A_85 : i32
      %dma_wait3A_87 = arith.constant 0 : i32
      %dma_wait3A_88 = arith.constant 0 : i32
      %dma_wait3A_89 = tpu.memref_slice %arg4[%dma_wait3A_87, %dma_wait3A_88] : memref<204800x512xf32, #tpu.memory_space<hbm>> -> memref<40x512xf32, #tpu.memory_space<hbm>>
      %dma_wait3A_90 = arith.constant 0 : i32
      %dma_wait3A_91 = arith.constant 0 : i32
      %dma_wait3A_92 = tpu.memref_slice %arg4[%dma_wait3A_90, %dma_wait3A_91] : memref<204800x512xf32, #tpu.memory_space<hbm>> -> memref<40x512xf32, #tpu.memory_space<hbm>>
      tpu.wait_dma2 semaphore(%arg11 : memref<!tpu.dma_semaphore, #tpu.memory_space<semaphore_mem>>) src(%dma_wait3A_92 : memref<40x512xf32, #tpu.memory_space<hbm>>) dst(%arg7 : memref<40x512xf32, #tpu.memory_space<vmem>>)
      %scan3A_93 = arith.constant 0 : i32
      %scan3A_94 = arith.constant 0 : i32
      %scan3A_95 = arith.constant 40 : i32
      %scan3A_96 = arith.addi %scan3A_94, %scan3A_95 : i32
      %scan3A_97 = arith.constant 1 : i32
      scf.for %scan3A_182 = %scan3A_94 to %scan3A_96 step %scan3A_97  : i32 {
        %get3A = arith.index_cast %scan3A_182 : i32 to index
        %get3A_183 = arith.constant 0 : index
        %get3A_184 = tpu.vector_load %arg7[%get3A, %get3A_183] {strides = array<i32>} : memref<40x512xf32, #tpu.memory_space<vmem>>, vector<1x16xf32>,
        %get3A_185 = vector.shape_cast %get3A_184 : vector<1x16xf32> to vector<16xf32>
        %mul3A_186 = arith.constant 22.6274166 : f32
        %mul3A_187 = vector.broadcast %mul3A_186 : f32 to vector<16xf32>
        %mul3A_188 = arith.mulf %get3A_185, %mul3A_187 : vector<16xf32>
        %swap3A = arith.index_cast %scan3A_182 : i32 to index
        %swap3A_189 = arith.constant 0 : index
        %swap3A_190 = tpu.vector_load %arg7[%swap3A, %swap3A_189] {strides = array<i32>} : memref<40x512xf32, #tpu.memory_space<vmem>>, vector<1x16xf32>,
        %swap3A_191 = vector.shape_cast %swap3A_190 : vector<1x16xf32> to vector<16xf32>
        %swap3A_192 = vector.shape_cast %mul3A_188 : vector<16xf32> to vector<1x16xf32>
        tpu.vector_store %arg7[%swap3A, %swap3A_189], %swap3A_192 {strides = array<i32>} : memref<40x512xf32, #tpu.memory_space<vmem>>, vector<1x16xf32>,
        %get3A_193 = arith.index_cast %scan3A_182 : i32 to index
        %get3A_194 = arith.constant 16 : index
        %get3A_195 = tpu.vector_load %arg7[%get3A_193, %get3A_194] {strides = array<i32>} : memref<40x512xf32, #tpu.memory_space<vmem>>, vector<1x16xf32>,
        %get3A_196 = vector.shape_cast %get3A_195 : vector<1x16xf32> to vector<16xf32>
        %mul3A_197 = arith.constant 22.6274166 : f32
        %mul3A_198 = vector.broadcast %mul3A_197 : f32 to vector<16xf32>
        %mul3A_199 = arith.mulf %get3A_196, %mul3A_198 : vector<16xf32>
        %swap3A_200 = arith.index_cast %scan3A_182 : i32 to index
        %swap3A_201 = arith.constant 16 : index
        %swap3A_202 = tpu.vector_load %arg7[%swap3A_200, %swap3A_201] {strides = array<i32>} : memref<40x512xf32, #tpu.memory_space<vmem>>, vector<1x16xf32>,
        %swap3A_203 = vector.shape_cast %swap3A_202 : vector<1x16xf32> to vector<16xf32>
        %swap3A_204 = vector.shape_cast %mul3A_199 : vector<16xf32> to vector<1x16xf32>
        tpu.vector_store %arg7[%swap3A_200, %swap3A_201], %swap3A_204 {strides = array<i32>} : memref<40x512xf32, #tpu.memory_space<vmem>>, vector<1x16xf32>,
        %get3A_205 = arith.index_cast %scan3A_182 : i32 to index
        %get3A_206 = arith.constant 32 : index
        %get3A_207 = tpu.vector_load %arg7[%get3A_205, %get3A_206] {strides = array<i32>} : memref<40x512xf32, #tpu.memory_space<vmem>>, vector<1x16xf32>,
        %get3A_208 = vector.shape_cast %get3A_207 : vector<1x16xf32> to vector<16xf32>
        %mul3A_209 = arith.constant 22.6274166 : f32
        %mul3A_210 = vector.broadcast %mul3A_209 : f32 to vector<16xf32>
        %mul3A_211 = arith.mulf %get3A_208, %mul3A_210 : vector<16xf32>
        %swap3A_212 = arith.index_cast %scan3A_182 : i32 to index
        %swap3A_213 = arith.constant 32 : index
        %swap3A_214 = tpu.vector_load %arg7[%swap3A_212, %swap3A_213] {strides = array<i32>} : memref<40x512xf32, #tpu.memory_space<vmem>>, vector<1x16xf32>,
        %swap3A_215 = vector.shape_cast %swap3A_214 : vector<1x16xf32> to vector<16xf32>
        %swap3A_216 = vector.shape_cast %mul3A_211 : vector<16xf32> to vector<1x16xf32>
        tpu.vector_store %arg7[%swap3A_212, %swap3A_213], %swap3A_216 {strides = array<i32>} : memref<40x512xf32, #tpu.memory_space<vmem>>, vector<1x16xf32>,
        %get3A_217 = arith.index_cast %scan3A_182 : i32 to index
        %get3A_218 = arith.constant 48 : index
        %get3A_219 = tpu.vector_load %arg7[%get3A_217, %get3A_218] {strides = array<i32>} : memref<40x512xf32, #tpu.memory_space<vmem>>, vector<1x16xf32>,
        %get3A_220 = vector.shape_cast %get3A_219 : vector<1x16xf32> to vector<16xf32>
        %mul3A_221 = arith.constant 22.6274166 : f32
        %mul3A_222 = vector.broadcast %mul3A_221 : f32 to vector<16xf32>
        %mul3A_223 = arith.mulf %get3A_220, %mul3A_222 : vector<16xf32>
        %swap3A_224 = arith.index_cast %scan3A_182 : i32 to index
        %swap3A_225 = arith.constant 48 : index
        %swap3A_226 = tpu.vector_load %arg7[%swap3A_224, %swap3A_225] {strides = array<i32>} : memref<40x512xf32, #tpu.memory_space<vmem>>, vector<1x16xf32>,
        %swap3A_227 = vector.shape_cast %swap3A_226 : vector<1x16xf32> to vector<16xf32>
        %swap3A_228 = vector.shape_cast %mul3A_223 : vector<16xf32> to vector<1x16xf32>
        tpu.vector_store %arg7[%swap3A_224, %swap3A_225], %swap3A_228 {strides = array<i32>} : memref<40x512xf32, #tpu.memory_space<vmem>>, vector<1x16xf32>,
        %get3A_229 = arith.index_cast %scan3A_182 : i32 to index
        %get3A_230 = arith.constant 64 : index
        %get3A_231 = tpu.vector_load %arg7[%get3A_229, %get3A_230] {strides = array<i32>} : memref<40x512xf32, #tpu.memory_space<vmem>>, vector<1x16xf32>,
        %get3A_232 = vector.shape_cast %get3A_231 : vector<1x16xf32> to vector<16xf32>
        %mul3A_233 = arith.constant 22.6274166 : f32
        %mul3A_234 = vector.broadcast %mul3A_233 : f32 to vector<16xf32>
        %mul3A_235 = arith.mulf %get3A_232, %mul3A_234 : vector<16xf32>
        %swap3A_236 = arith.index_cast %scan3A_182 : i32 to index
        %swap3A_237 = arith.constant 64 : index
        %swap3A_238 = tpu.vector_load %arg7[%swap3A_236, %swap3A_237] {strides = array<i32>} : memref<40x512xf32, #tpu.memory_space<vmem>>, vector<1x16xf32>,
        %swap3A_239 = vector.shape_cast %swap3A_238 : vector<1x16xf32> to vector<16xf32>
        %swap3A_240 = vector.shape_cast %mul3A_235 : vector<16xf32> to vector<1x16xf32>
        tpu.vector_store %arg7[%swap3A_236, %swap3A_237], %swap3A_240 {strides = array<i32>} : memref<40x512xf32, #tpu.memory_space<vmem>>, vector<1x16xf32>,
        %get3A_241 = arith.index_cast %scan3A_182 : i32 to index
        %get3A_242 = arith.constant 80 : index
        %get3A_243 = tpu.vector_load %arg7[%get3A_241, %get3A_242] {strides = array<i32>} : memref<40x512xf32, #tpu.memory_space<vmem>>, vector<1x16xf32>,
        %get3A_244 = vector.shape_cast %get3A_243 : vector<1x16xf32> to vector<16xf32>
        %mul3A_245 = arith.constant 22.6274166 : f32
        %mul3A_246 = vector.broadcast %mul3A_245 : f32 to vector<16xf32>
        %mul3A_247 = arith.mulf %get3A_244, %mul3A_246 : vector<16xf32>
        %swap3A_248 = arith.index_cast %scan3A_182 : i32 to index
        %swap3A_249 = arith.constant 80 : index
        %swap3A_250 = tpu.vector_load %arg7[%swap3A_248, %swap3A_249] {strides = array<i32>} : memref<40x512xf32, #tpu.memory_space<vmem>>, vector<1x16xf32>,
        %swap3A_251 = vector.shape_cast %swap3A_250 : vector<1x16xf32> to vector<16xf32>
        %swap3A_252 = vector.shape_cast %mul3A_247 : vector<16xf32> to vector<1x16xf32>
        tpu.vector_store %arg7[%swap3A_248, %swap3A_249], %swap3A_252 {strides = array<i32>} : memref<40x512xf32, #tpu.memory_space<vmem>>, vector<1x16xf32>,
        %get3A_253 = arith.index_cast %scan3A_182 : i32 to index
        %get3A_254 = arith.constant 96 : index
        %get3A_255 = tpu.vector_load %arg7[%get3A_253, %get3A_254] {strides = array<i32>} : memref<40x512xf32, #tpu.memory_space<vmem>>, vector<1x16xf32>,
        %get3A_256 = vector.shape_cast %get3A_255 : vector<1x16xf32> to vector<16xf32>
        %mul3A_257 = arith.constant 22.6274166 : f32
        %mul3A_258 = vector.broadcast %mul3A_257 : f32 to vector<16xf32>
        %mul3A_259 = arith.mulf %get3A_256, %mul3A_258 : vector<16xf32>
        %swap3A_260 = arith.index_cast %scan3A_182 : i32 to index
        %swap3A_261 = arith.constant 96 : index
        %swap3A_262 = tpu.vector_load %arg7[%swap3A_260, %swap3A_261] {strides = array<i32>} : memref<40x512xf32, #tpu.memory_space<vmem>>, vector<1x16xf32>,
        %swap3A_263 = vector.shape_cast %swap3A_262 : vector<1x16xf32> to vector<16xf32>
        %swap3A_264 = vector.shape_cast %mul3A_259 : vector<16xf32> to vector<1x16xf32>
        tpu.vector_store %arg7[%swap3A_260, %swap3A_261], %swap3A_264 {strides = array<i32>} : memref<40x512xf32, #tpu.memory_space<vmem>>, vector<1x16xf32>,
        %get3A_265 = arith.index_cast %scan3A_182 : i32 to index
        %get3A_266 = arith.constant 112 : index
        %get3A_267 = tpu.vector_load %arg7[%get3A_265, %get3A_266] {strides = array<i32>} : memref<40x512xf32, #tpu.memory_space<vmem>>, vector<1x16xf32>,
        %get3A_268 = vector.shape_cast %get3A_267 : vector<1x16xf32> to vector<16xf32>
        %mul3A_269 = arith.constant 22.6274166 : f32
        %mul3A_270 = vector.broadcast %mul3A_269 : f32 to vector<16xf32>
        %mul3A_271 = arith.mulf %get3A_268, %mul3A_270 : vector<16xf32>
        %swap3A_272 = arith.index_cast %scan3A_182 : i32 to index
        %swap3A_273 = arith.constant 112 : index
        %swap3A_274 = tpu.vector_load %arg7[%swap3A_272, %swap3A_273] {strides = array<i32>} : memref<40x512xf32, #tpu.memory_space<vmem>>, vector<1x16xf32>,
        %swap3A_275 = vector.shape_cast %swap3A_274 : vector<1x16xf32> to vector<16xf32>
        %swap3A_276 = vector.shape_cast %mul3A_271 : vector<16xf32> to vector<1x16xf32>
        tpu.vector_store %arg7[%swap3A_272, %swap3A_273], %swap3A_276 {strides = array<i32>} : memref<40x512xf32, #tpu.memory_space<vmem>>, vector<1x16xf32>,
        %get3A_277 = arith.index_cast %scan3A_182 : i32 to index
        %get3A_278 = arith.constant 128 : index
        %get3A_279 = tpu.vector_load %arg7[%get3A_277, %get3A_278] {strides = array<i32>} : memref<40x512xf32, #tpu.memory_space<vmem>>, vector<1x16xf32>,
        %get3A_280 = vector.shape_cast %get3A_279 : vector<1x16xf32> to vector<16xf32>
        %mul3A_281 = arith.constant 22.6274166 : f32
        %mul3A_282 = vector.broadcast %mul3A_281 : f32 to vector<16xf32>
        %mul3A_283 = arith.mulf %get3A_280, %mul3A_282 : vector<16xf32>
        %swap3A_284 = arith.index_cast %scan3A_182 : i32 to index
        %swap3A_285 = arith.constant 128 : index
        %swap3A_286 = tpu.vector_load %arg7[%swap3A_284, %swap3A_285] {strides = array<i32>} : memref<40x512xf32, #tpu.memory_space<vmem>>, vector<1x16xf32>,
        %swap3A_287 = vector.shape_cast %swap3A_286 : vector<1x16xf32> to vector<16xf32>
        %swap3A_288 = vector.shape_cast %mul3A_283 : vector<16xf32> to vector<1x16xf32>
        tpu.vector_store %arg7[%swap3A_284, %swap3A_285], %swap3A_288 {strides = array<i32>} : memref<40x512xf32, #tpu.memory_space<vmem>>, vector<1x16xf32>,
        %get3A_289 = arith.index_cast %scan3A_182 : i32 to index
        %get3A_290 = arith.constant 144 : index
        %get3A_291 = tpu.vector_load %arg7[%get3A_289, %get3A_290] {strides = array<i32>} : memref<40x512xf32, #tpu.memory_space<vmem>>, vector<1x16xf32>,
        %get3A_292 = vector.shape_cast %get3A_291 : vector<1x16xf32> to vector<16xf32>
        %mul3A_293 = arith.constant 22.6274166 : f32
        %mul3A_294 = vector.broadcast %mul3A_293 : f32 to vector<16xf32>
        %mul3A_295 = arith.mulf %get3A_292, %mul3A_294 : vector<16xf32>
        %swap3A_296 = arith.index_cast %scan3A_182 : i32 to index
        %swap3A_297 = arith.constant 144 : index
        %swap3A_298 = tpu.vector_load %arg7[%swap3A_296, %swap3A_297] {strides = array<i32>} : memref<40x512xf32, #tpu.memory_space<vmem>>, vector<1x16xf32>,
        %swap3A_299 = vector.shape_cast %swap3A_298 : vector<1x16xf32> to vector<16xf32>
        %swap3A_300 = vector.shape_cast %mul3A_295 : vector<16xf32> to vector<1x16xf32>
        tpu.vector_store %arg7[%swap3A_296, %swap3A_297], %swap3A_300 {strides = array<i32>} : memref<40x512xf32, #tpu.memory_space<vmem>>, vector<1x16xf32>,
        %get3A_301 = arith.index_cast %scan3A_182 : i32 to index
        %get3A_302 = arith.constant 160 : index
        %get3A_303 = tpu.vector_load %arg7[%get3A_301, %get3A_302] {strides = array<i32>} : memref<40x512xf32, #tpu.memory_space<vmem>>, vector<1x16xf32>,
        %get3A_304 = vector.shape_cast %get3A_303 : vector<1x16xf32> to vector<16xf32>
        %mul3A_305 = arith.constant 22.6274166 : f32
        %mul3A_306 = vector.broadcast %mul3A_305 : f32 to vector<16xf32>
        %mul3A_307 = arith.mulf %get3A_304, %mul3A_306 : vector<16xf32>
        %swap3A_308 = arith.index_cast %scan3A_182 : i32 to index
        %swap3A_309 = arith.constant 160 : index
        %swap3A_310 = tpu.vector_load %arg7[%swap3A_308, %swap3A_309] {strides = array<i32>} : memref<40x512xf32, #tpu.memory_space<vmem>>, vector<1x16xf32>,
        %swap3A_311 = vector.shape_cast %swap3A_310 : vector<1x16xf32> to vector<16xf32>
        %swap3A_312 = vector.shape_cast %mul3A_307 : vector<16xf32> to vector<1x16xf32>
        tpu.vector_store %arg7[%swap3A_308, %swap3A_309], %swap3A_312 {strides = array<i32>} : memref<40x512xf32, #tpu.memory_space<vmem>>, vector<1x16xf32>,
        %get3A_313 = arith.index_cast %scan3A_182 : i32 to index
        %get3A_314 = arith.constant 176 : index
        %get3A_315 = tpu.vector_load %arg7[%get3A_313, %get3A_314] {strides = array<i32>} : memref<40x512xf32, #tpu.memory_space<vmem>>, vector<1x16xf32>,
        %get3A_316 = vector.shape_cast %get3A_315 : vector<1x16xf32> to vector<16xf32>
        %mul3A_317 = arith.constant 22.6274166 : f32
        %mul3A_318 = vector.broadcast %mul3A_317 : f32 to vector<16xf32>
        %mul3A_319 = arith.mulf %get3A_316, %mul3A_318 : vector<16xf32>
        %swap3A_320 = arith.index_cast %scan3A_182 : i32 to index
        %swap3A_321 = arith.constant 176 : index
        %swap3A_322 = tpu.vector_load %arg7[%swap3A_320, %swap3A_321] {strides = array<i32>} : memref<40x512xf32, #tpu.memory_space<vmem>>, vector<1x16xf32>,
        %swap3A_323 = vector.shape_cast %swap3A_322 : vector<1x16xf32> to vector<16xf32>
        %swap3A_324 = vector.shape_cast %mul3A_319 : vector<16xf32> to vector<1x16xf32>
        tpu.vector_store %arg7[%swap3A_320, %swap3A_321], %swap3A_324 {strides = array<i32>} : memref<40x512xf32, #tpu.memory_space<vmem>>, vector<1x16xf32>,
        %get3A_325 = arith.index_cast %scan3A_182 : i32 to index
        %get3A_326 = arith.constant 192 : index
        %get3A_327 = tpu.vector_load %arg7[%get3A_325, %get3A_326] {strides = array<i32>} : memref<40x512xf32, #tpu.memory_space<vmem>>, vector<1x16xf32>,
        %get3A_328 = vector.shape_cast %get3A_327 : vector<1x16xf32> to vector<16xf32>
        %mul3A_329 = arith.constant 22.6274166 : f32
        %mul3A_330 = vector.broadcast %mul3A_329 : f32 to vector<16xf32>
        %mul3A_331 = arith.mulf %get3A_328, %mul3A_330 : vector<16xf32>
        %swap3A_332 = arith.index_cast %scan3A_182 : i32 to index
        %swap3A_333 = arith.constant 192 : index
        %swap3A_334 = tpu.vector_load %arg7[%swap3A_332, %swap3A_333] {strides = array<i32>} : memref<40x512xf32, #tpu.memory_space<vmem>>, vector<1x16xf32>,
        %swap3A_335 = vector.shape_cast %swap3A_334 : vector<1x16xf32> to vector<16xf32>
        %swap3A_336 = vector.shape_cast %mul3A_331 : vector<16xf32> to vector<1x16xf32>
        tpu.vector_store %arg7[%swap3A_332, %swap3A_333], %swap3A_336 {strides = array<i32>} : memref<40x512xf32, #tpu.memory_space<vmem>>, vector<1x16xf32>,
        %get3A_337 = arith.index_cast %scan3A_182 : i32 to index
        %get3A_338 = arith.constant 208 : index
        %get3A_339 = tpu.vector_load %arg7[%get3A_337, %get3A_338] {strides = array<i32>} : memref<40x512xf32, #tpu.memory_space<vmem>>, vector<1x16xf32>,
        %get3A_340 = vector.shape_cast %get3A_339 : vector<1x16xf32> to vector<16xf32>
        %mul3A_341 = arith.constant 22.6274166 : f32
        %mul3A_342 = vector.broadcast %mul3A_341 : f32 to vector<16xf32>
        %mul3A_343 = arith.mulf %get3A_340, %mul3A_342 : vector<16xf32>
        %swap3A_344 = arith.index_cast %scan3A_182 : i32 to index
        %swap3A_345 = arith.constant 208 : index
        %swap3A_346 = tpu.vector_load %arg7[%swap3A_344, %swap3A_345] {strides = array<i32>} : memref<40x512xf32, #tpu.memory_space<vmem>>, vector<1x16xf32>,
        %swap3A_347 = vector.shape_cast %swap3A_346 : vector<1x16xf32> to vector<16xf32>
        %swap3A_348 = vector.shape_cast %mul3A_343 : vector<16xf32> to vector<1x16xf32>
        tpu.vector_store %arg7[%swap3A_344, %swap3A_345], %swap3A_348 {strides = array<i32>} : memref<40x512xf32, #tpu.memory_space<vmem>>, vector<1x16xf32>,
        %get3A_349 = arith.index_cast %scan3A_182 : i32 to index
        %get3A_350 = arith.constant 224 : index
        %get3A_351 = tpu.vector_load %arg7[%get3A_349, %get3A_350] {strides = array<i32>} : memref<40x512xf32, #tpu.memory_space<vmem>>, vector<1x16xf32>,
        %get3A_352 = vector.shape_cast %get3A_351 : vector<1x16xf32> to vector<16xf32>
        %mul3A_353 = arith.constant 22.6274166 : f32
        %mul3A_354 = vector.broadcast %mul3A_353 : f32 to vector<16xf32>
        %mul3A_355 = arith.mulf %get3A_352, %mul3A_354 : vector<16xf32>
        %swap3A_356 = arith.index_cast %scan3A_182 : i32 to index
        %swap3A_357 = arith.constant 224 : index
        %swap3A_358 = tpu.vector_load %arg7[%swap3A_356, %swap3A_357] {strides = array<i32>} : memref<40x512xf32, #tpu.memory_space<vmem>>, vector<1x16xf32>,
        %swap3A_359 = vector.shape_cast %swap3A_358 : vector<1x16xf32> to vector<16xf32>
        %swap3A_360 = vector.shape_cast %mul3A_355 : vector<16xf32> to vector<1x16xf32>
        tpu.vector_store %arg7[%swap3A_356, %swap3A_357], %swap3A_360 {strides = array<i32>} : memref<40x512xf32, #tpu.memory_space<vmem>>, vector<1x16xf32>,
        %get3A_361 = arith.index_cast %scan3A_182 : i32 to index
        %get3A_362 = arith.constant 240 : index
        %get3A_363 = tpu.vector_load %arg7[%get3A_361, %get3A_362] {strides = array<i32>} : memref<40x512xf32, #tpu.memory_space<vmem>>, vector<1x16xf32>,
        %get3A_364 = vector.shape_cast %get3A_363 : vector<1x16xf32> to vector<16xf32>
        %mul3A_365 = arith.constant 22.6274166 : f32
        %mul3A_366 = vector.broadcast %mul3A_365 : f32 to vector<16xf32>
        %mul3A_367 = arith.mulf %get3A_364, %mul3A_366 : vector<16xf32>
        %swap3A_368 = arith.index_cast %scan3A_182 : i32 to index
        %swap3A_369 = arith.constant 240 : index
        %swap3A_370 = tpu.vector_load %arg7[%swap3A_368, %swap3A_369] {strides = array<i32>} : memref<40x512xf32, #tpu.memory_space<vmem>>, vector<1x16xf32>,
        %swap3A_371 = vector.shape_cast %swap3A_370 : vector<1x16xf32> to vector<16xf32>
        %swap3A_372 = vector.shape_cast %mul3A_367 : vector<16xf32> to vector<1x16xf32>
        tpu.vector_store %arg7[%swap3A_368, %swap3A_369], %swap3A_372 {strides = array<i32>} : memref<40x512xf32, #tpu.memory_space<vmem>>, vector<1x16xf32>,
        %get3A_373 = arith.index_cast %scan3A_182 : i32 to index
        %get3A_374 = arith.constant 256 : index
        %get3A_375 = tpu.vector_load %arg7[%get3A_373, %get3A_374] {strides = array<i32>} : memref<40x512xf32, #tpu.memory_space<vmem>>, vector<1x16xf32>,
        %get3A_376 = vector.shape_cast %get3A_375 : vector<1x16xf32> to vector<16xf32>
        %mul3A_377 = arith.constant 22.6274166 : f32
        %mul3A_378 = vector.broadcast %mul3A_377 : f32 to vector<16xf32>
        %mul3A_379 = arith.mulf %get3A_376, %mul3A_378 : vector<16xf32>
        %swap3A_380 = arith.index_cast %scan3A_182 : i32 to index
        %swap3A_381 = arith.constant 256 : index
        %swap3A_382 = tpu.vector_load %arg7[%swap3A_380, %swap3A_381] {strides = array<i32>} : memref<40x512xf32, #tpu.memory_space<vmem>>, vector<1x16xf32>,
        %swap3A_383 = vector.shape_cast %swap3A_382 : vector<1x16xf32> to vector<16xf32>
        %swap3A_384 = vector.shape_cast %mul3A_379 : vector<16xf32> to vector<1x16xf32>
        tpu.vector_store %arg7[%swap3A_380, %swap3A_381], %swap3A_384 {strides = array<i32>} : memref<40x512xf32, #tpu.memory_space<vmem>>, vector<1x16xf32>,
        %get3A_385 = arith.index_cast %scan3A_182 : i32 to index
        %get3A_386 = arith.constant 272 : index
        %get3A_387 = tpu.vector_load %arg7[%get3A_385, %get3A_386] {strides = array<i32>} : memref<40x512xf32, #tpu.memory_space<vmem>>, vector<1x16xf32>,
        %get3A_388 = vector.shape_cast %get3A_387 : vector<1x16xf32> to vector<16xf32>
        %mul3A_389 = arith.constant 22.6274166 : f32
        %mul3A_390 = vector.broadcast %mul3A_389 : f32 to vector<16xf32>
        %mul3A_391 = arith.mulf %get3A_388, %mul3A_390 : vector<16xf32>
        %swap3A_392 = arith.index_cast %scan3A_182 : i32 to index
        %swap3A_393 = arith.constant 272 : index
        %swap3A_394 = tpu.vector_load %arg7[%swap3A_392, %swap3A_393] {strides = array<i32>} : memref<40x512xf32, #tpu.memory_space<vmem>>, vector<1x16xf32>,
        %swap3A_395 = vector.shape_cast %swap3A_394 : vector<1x16xf32> to vector<16xf32>
        %swap3A_396 = vector.shape_cast %mul3A_391 : vector<16xf32> to vector<1x16xf32>
        tpu.vector_store %arg7[%swap3A_392, %swap3A_393], %swap3A_396 {strides = array<i32>} : memref<40x512xf32, #tpu.memory_space<vmem>>, vector<1x16xf32>,
        %get3A_397 = arith.index_cast %scan3A_182 : i32 to index
        %get3A_398 = arith.constant 288 : index
        %get3A_399 = tpu.vector_load %arg7[%get3A_397, %get3A_398] {strides = array<i32>} : memref<40x512xf32, #tpu.memory_space<vmem>>, vector<1x16xf32>,
        %get3A_400 = vector.shape_cast %get3A_399 : vector<1x16xf32> to vector<16xf32>
        %mul3A_401 = arith.constant 22.6274166 : f32
        %mul3A_402 = vector.broadcast %mul3A_401 : f32 to vector<16xf32>
        %mul3A_403 = arith.mulf %get3A_400, %mul3A_402 : vector<16xf32>
        %swap3A_404 = arith.index_cast %scan3A_182 : i32 to index
        %swap3A_405 = arith.constant 288 : index
        %swap3A_406 = tpu.vector_load %arg7[%swap3A_404, %swap3A_405] {strides = array<i32>} : memref<40x512xf32, #tpu.memory_space<vmem>>, vector<1x16xf32>,
        %swap3A_407 = vector.shape_cast %swap3A_406 : vector<1x16xf32> to vector<16xf32>
        %swap3A_408 = vector.shape_cast %mul3A_403 : vector<16xf32> to vector<1x16xf32>
        tpu.vector_store %arg7[%swap3A_404, %swap3A_405], %swap3A_408 {strides = array<i32>} : memref<40x512xf32, #tpu.memory_space<vmem>>, vector<1x16xf32>,
        %get3A_409 = arith.index_cast %scan3A_182 : i32 to index
        %get3A_410 = arith.constant 304 : index
        %get3A_411 = tpu.vector_load %arg7[%get3A_409, %get3A_410] {strides = array<i32>} : memref<40x512xf32, #tpu.memory_space<vmem>>, vector<1x16xf32>,
        %get3A_412 = vector.shape_cast %get3A_411 : vector<1x16xf32> to vector<16xf32>
        %mul3A_413 = arith.constant 22.6274166 : f32
        %mul3A_414 = vector.broadcast %mul3A_413 : f32 to vector<16xf32>
        %mul3A_415 = arith.mulf %get3A_412, %mul3A_414 : vector<16xf32>
        %swap3A_416 = arith.index_cast %scan3A_182 : i32 to index
        %swap3A_417 = arith.constant 304 : index
        %swap3A_418 = tpu.vector_load %arg7[%swap3A_416, %swap3A_417] {strides = array<i32>} : memref<40x512xf32, #tpu.memory_space<vmem>>, vector<1x16xf32>,
        %swap3A_419 = vector.shape_cast %swap3A_418 : vector<1x16xf32> to vector<16xf32>
        %swap3A_420 = vector.shape_cast %mul3A_415 : vector<16xf32> to vector<1x16xf32>
        tpu.vector_store %arg7[%swap3A_416, %swap3A_417], %swap3A_420 {strides = array<i32>} : memref<40x512xf32, #tpu.memory_space<vmem>>, vector<1x16xf32>,
        %get3A_421 = arith.index_cast %scan3A_182 : i32 to index
        %get3A_422 = arith.constant 320 : index
        %get3A_423 = tpu.vector_load %arg7[%get3A_421, %get3A_422] {strides = array<i32>} : memref<40x512xf32, #tpu.memory_space<vmem>>, vector<1x16xf32>,
        %get3A_424 = vector.shape_cast %get3A_423 : vector<1x16xf32> to vector<16xf32>
        %mul3A_425 = arith.constant 22.6274166 : f32
        %mul3A_426 = vector.broadcast %mul3A_425 : f32 to vector<16xf32>
        %mul3A_427 = arith.mulf %get3A_424, %mul3A_426 : vector<16xf32>
        %swap3A_428 = arith.index_cast %scan3A_182 : i32 to index
        %swap3A_429 = arith.constant 320 : index
        %swap3A_430 = tpu.vector_load %arg7[%swap3A_428, %swap3A_429] {strides = array<i32>} : memref<40x512xf32, #tpu.memory_space<vmem>>, vector<1x16xf32>,
        %swap3A_431 = vector.shape_cast %swap3A_430 : vector<1x16xf32> to vector<16xf32>
        %swap3A_432 = vector.shape_cast %mul3A_427 : vector<16xf32> to vector<1x16xf32>
        tpu.vector_store %arg7[%swap3A_428, %swap3A_429], %swap3A_432 {strides = array<i32>} : memref<40x512xf32, #tpu.memory_space<vmem>>, vector<1x16xf32>,
        %get3A_433 = arith.index_cast %scan3A_182 : i32 to index
        %get3A_434 = arith.constant 336 : index
        %get3A_435 = tpu.vector_load %arg7[%get3A_433, %get3A_434] {strides = array<i32>} : memref<40x512xf32, #tpu.memory_space<vmem>>, vector<1x16xf32>,
        %get3A_436 = vector.shape_cast %get3A_435 : vector<1x16xf32> to vector<16xf32>
        %mul3A_437 = arith.constant 22.6274166 : f32
        %mul3A_438 = vector.broadcast %mul3A_437 : f32 to vector<16xf32>
        %mul3A_439 = arith.mulf %get3A_436, %mul3A_438 : vector<16xf32>
        %swap3A_440 = arith.index_cast %scan3A_182 : i32 to index
        %swap3A_441 = arith.constant 336 : index
        %swap3A_442 = tpu.vector_load %arg7[%swap3A_440, %swap3A_441] {strides = array<i32>} : memref<40x512xf32, #tpu.memory_space<vmem>>, vector<1x16xf32>,
        %swap3A_443 = vector.shape_cast %swap3A_442 : vector<1x16xf32> to vector<16xf32>
        %swap3A_444 = vector.shape_cast %mul3A_439 : vector<16xf32> to vector<1x16xf32>
        tpu.vector_store %arg7[%swap3A_440, %swap3A_441], %swap3A_444 {strides = array<i32>} : memref<40x512xf32, #tpu.memory_space<vmem>>, vector<1x16xf32>,
        %get3A_445 = arith.index_cast %scan3A_182 : i32 to index
        %get3A_446 = arith.constant 352 : index
        %get3A_447 = tpu.vector_load %arg7[%get3A_445, %get3A_446] {strides = array<i32>} : memref<40x512xf32, #tpu.memory_space<vmem>>, vector<1x16xf32>,
        %get3A_448 = vector.shape_cast %get3A_447 : vector<1x16xf32> to vector<16xf32>
        %mul3A_449 = arith.constant 22.6274166 : f32
        %mul3A_450 = vector.broadcast %mul3A_449 : f32 to vector<16xf32>
        %mul3A_451 = arith.mulf %get3A_448, %mul3A_450 : vector<16xf32>
        %swap3A_452 = arith.index_cast %scan3A_182 : i32 to index
        %swap3A_453 = arith.constant 352 : index
        %swap3A_454 = tpu.vector_load %arg7[%swap3A_452, %swap3A_453] {strides = array<i32>} : memref<40x512xf32, #tpu.memory_space<vmem>>, vector<1x16xf32>,
        %swap3A_455 = vector.shape_cast %swap3A_454 : vector<1x16xf32> to vector<16xf32>
        %swap3A_456 = vector.shape_cast %mul3A_451 : vector<16xf32> to vector<1x16xf32>
        tpu.vector_store %arg7[%swap3A_452, %swap3A_453], %swap3A_456 {strides = array<i32>} : memref<40x512xf32, #tpu.memory_space<vmem>>, vector<1x16xf32>,
        %get3A_457 = arith.index_cast %scan3A_182 : i32 to index
        %get3A_458 = arith.constant 368 : index
        %get3A_459 = tpu.vector_load %arg7[%get3A_457, %get3A_458] {strides = array<i32>} : memref<40x512xf32, #tpu.memory_space<vmem>>, vector<1x16xf32>,
        %get3A_460 = vector.shape_cast %get3A_459 : vector<1x16xf32> to vector<16xf32>
        %mul3A_461 = arith.constant 22.6274166 : f32
        %mul3A_462 = vector.broadcast %mul3A_461 : f32 to vector<16xf32>
        %mul3A_463 = arith.mulf %get3A_460, %mul3A_462 : vector<16xf32>
        %swap3A_464 = arith.index_cast %scan3A_182 : i32 to index
        %swap3A_465 = arith.constant 368 : index
        %swap3A_466 = tpu.vector_load %arg7[%swap3A_464, %swap3A_465] {strides = array<i32>} : memref<40x512xf32, #tpu.memory_space<vmem>>, vector<1x16xf32>,
        %swap3A_467 = vector.shape_cast %swap3A_466 : vector<1x16xf32> to vector<16xf32>
        %swap3A_468 = vector.shape_cast %mul3A_463 : vector<16xf32> to vector<1x16xf32>
        tpu.vector_store %arg7[%swap3A_464, %swap3A_465], %swap3A_468 {strides = array<i32>} : memref<40x512xf32, #tpu.memory_space<vmem>>, vector<1x16xf32>,
        %get3A_469 = arith.index_cast %scan3A_182 : i32 to index
        %get3A_470 = arith.constant 384 : index
        %get3A_471 = tpu.vector_load %arg7[%get3A_469, %get3A_470] {strides = array<i32>} : memref<40x512xf32, #tpu.memory_space<vmem>>, vector<1x16xf32>,
        %get3A_472 = vector.shape_cast %get3A_471 : vector<1x16xf32> to vector<16xf32>
        %mul3A_473 = arith.constant 22.6274166 : f32
        %mul3A_474 = vector.broadcast %mul3A_473 : f32 to vector<16xf32>
        %mul3A_475 = arith.mulf %get3A_472, %mul3A_474 : vector<16xf32>
        %swap3A_476 = arith.index_cast %scan3A_182 : i32 to index
        %swap3A_477 = arith.constant 384 : index
        %swap3A_478 = tpu.vector_load %arg7[%swap3A_476, %swap3A_477] {strides = array<i32>} : memref<40x512xf32, #tpu.memory_space<vmem>>, vector<1x16xf32>,
        %swap3A_479 = vector.shape_cast %swap3A_478 : vector<1x16xf32> to vector<16xf32>
        %swap3A_480 = vector.shape_cast %mul3A_475 : vector<16xf32> to vector<1x16xf32>
        tpu.vector_store %arg7[%swap3A_476, %swap3A_477], %swap3A_480 {strides = array<i32>} : memref<40x512xf32, #tpu.memory_space<vmem>>, vector<1x16xf32>,
        %get3A_481 = arith.index_cast %scan3A_182 : i32 to index
        %get3A_482 = arith.constant 400 : index
        %get3A_483 = tpu.vector_load %arg7[%get3A_481, %get3A_482] {strides = array<i32>} : memref<40x512xf32, #tpu.memory_space<vmem>>, vector<1x16xf32>,
        %get3A_484 = vector.shape_cast %get3A_483 : vector<1x16xf32> to vector<16xf32>
        %mul3A_485 = arith.constant 22.6274166 : f32
        %mul3A_486 = vector.broadcast %mul3A_485 : f32 to vector<16xf32>
        %mul3A_487 = arith.mulf %get3A_484, %mul3A_486 : vector<16xf32>
        %swap3A_488 = arith.index_cast %scan3A_182 : i32 to index
        %swap3A_489 = arith.constant 400 : index
        %swap3A_490 = tpu.vector_load %arg7[%swap3A_488, %swap3A_489] {strides = array<i32>} : memref<40x512xf32, #tpu.memory_space<vmem>>, vector<1x16xf32>,
        %swap3A_491 = vector.shape_cast %swap3A_490 : vector<1x16xf32> to vector<16xf32>
        %swap3A_492 = vector.shape_cast %mul3A_487 : vector<16xf32> to vector<1x16xf32>
        tpu.vector_store %arg7[%swap3A_488, %swap3A_489], %swap3A_492 {strides = array<i32>} : memref<40x512xf32, #tpu.memory_space<vmem>>, vector<1x16xf32>,
        %get3A_493 = arith.index_cast %scan3A_182 : i32 to index
        %get3A_494 = arith.constant 416 : index
        %get3A_495 = tpu.vector_load %arg7[%get3A_493, %get3A_494] {strides = array<i32>} : memref<40x512xf32, #tpu.memory_space<vmem>>, vector<1x16xf32>,
        %get3A_496 = vector.shape_cast %get3A_495 : vector<1x16xf32> to vector<16xf32>
        %mul3A_497 = arith.constant 22.6274166 : f32
        %mul3A_498 = vector.broadcast %mul3A_497 : f32 to vector<16xf32>
        %mul3A_499 = arith.mulf %get3A_496, %mul3A_498 : vector<16xf32>
        %swap3A_500 = arith.index_cast %scan3A_182 : i32 to index
        %swap3A_501 = arith.constant 416 : index
        %swap3A_502 = tpu.vector_load %arg7[%swap3A_500, %swap3A_501] {strides = array<i32>} : memref<40x512xf32, #tpu.memory_space<vmem>>, vector<1x16xf32>,
        %swap3A_503 = vector.shape_cast %swap3A_502 : vector<1x16xf32> to vector<16xf32>
        %swap3A_504 = vector.shape_cast %mul3A_499 : vector<16xf32> to vector<1x16xf32>
        tpu.vector_store %arg7[%swap3A_500, %swap3A_501], %swap3A_504 {strides = array<i32>} : memref<40x512xf32, #tpu.memory_space<vmem>>, vector<1x16xf32>,
        %get3A_505 = arith.index_cast %scan3A_182 : i32 to index
        %get3A_506 = arith.constant 432 : index
        %get3A_507 = tpu.vector_load %arg7[%get3A_505, %get3A_506] {strides = array<i32>} : memref<40x512xf32, #tpu.memory_space<vmem>>, vector<1x16xf32>,
        %get3A_508 = vector.shape_cast %get3A_507 : vector<1x16xf32> to vector<16xf32>
        %mul3A_509 = arith.constant 22.6274166 : f32
        %mul3A_510 = vector.broadcast %mul3A_509 : f32 to vector<16xf32>
        %mul3A_511 = arith.mulf %get3A_508, %mul3A_510 : vector<16xf32>
        %swap3A_512 = arith.index_cast %scan3A_182 : i32 to index
        %swap3A_513 = arith.constant 432 : index
        %swap3A_514 = tpu.vector_load %arg7[%swap3A_512, %swap3A_513] {strides = array<i32>} : memref<40x512xf32, #tpu.memory_space<vmem>>, vector<1x16xf32>,
        %swap3A_515 = vector.shape_cast %swap3A_514 : vector<1x16xf32> to vector<16xf32>
        %swap3A_516 = vector.shape_cast %mul3A_511 : vector<16xf32> to vector<1x16xf32>
        tpu.vector_store %arg7[%swap3A_512, %swap3A_513], %swap3A_516 {strides = array<i32>} : memref<40x512xf32, #tpu.memory_space<vmem>>, vector<1x16xf32>,
        %get3A_517 = arith.index_cast %scan3A_182 : i32 to index
        %get3A_518 = arith.constant 448 : index
        %get3A_519 = tpu.vector_load %arg7[%get3A_517, %get3A_518] {strides = array<i32>} : memref<40x512xf32, #tpu.memory_space<vmem>>, vector<1x16xf32>,
        %get3A_520 = vector.shape_cast %get3A_519 : vector<1x16xf32> to vector<16xf32>
        %mul3A_521 = arith.constant 22.6274166 : f32
        %mul3A_522 = vector.broadcast %mul3A_521 : f32 to vector<16xf32>
        %mul3A_523 = arith.mulf %get3A_520, %mul3A_522 : vector<16xf32>
        %swap3A_524 = arith.index_cast %scan3A_182 : i32 to index
        %swap3A_525 = arith.constant 448 : index
        %swap3A_526 = tpu.vector_load %arg7[%swap3A_524, %swap3A_525] {strides = array<i32>} : memref<40x512xf32, #tpu.memory_space<vmem>>, vector<1x16xf32>,
        %swap3A_527 = vector.shape_cast %swap3A_526 : vector<1x16xf32> to vector<16xf32>
        %swap3A_528 = vector.shape_cast %mul3A_523 : vector<16xf32> to vector<1x16xf32>
        tpu.vector_store %arg7[%swap3A_524, %swap3A_525], %swap3A_528 {strides = array<i32>} : memref<40x512xf32, #tpu.memory_space<vmem>>, vector<1x16xf32>,
        %get3A_529 = arith.index_cast %scan3A_182 : i32 to index
        %get3A_530 = arith.constant 464 : index
        %get3A_531 = tpu.vector_load %arg7[%get3A_529, %get3A_530] {strides = array<i32>} : memref<40x512xf32, #tpu.memory_space<vmem>>, vector<1x16xf32>,
        %get3A_532 = vector.shape_cast %get3A_531 : vector<1x16xf32> to vector<16xf32>
        %mul3A_533 = arith.constant 22.6274166 : f32
        %mul3A_534 = vector.broadcast %mul3A_533 : f32 to vector<16xf32>
        %mul3A_535 = arith.mulf %get3A_532, %mul3A_534 : vector<16xf32>
        %swap3A_536 = arith.index_cast %scan3A_182 : i32 to index
        %swap3A_537 = arith.constant 464 : index
        %swap3A_538 = tpu.vector_load %arg7[%swap3A_536, %swap3A_537] {strides = array<i32>} : memref<40x512xf32, #tpu.memory_space<vmem>>, vector<1x16xf32>,
        %swap3A_539 = vector.shape_cast %swap3A_538 : vector<1x16xf32> to vector<16xf32>
        %swap3A_540 = vector.shape_cast %mul3A_535 : vector<16xf32> to vector<1x16xf32>
        tpu.vector_store %arg7[%swap3A_536, %swap3A_537], %swap3A_540 {strides = array<i32>} : memref<40x512xf32, #tpu.memory_space<vmem>>, vector<1x16xf32>,
        %get3A_541 = arith.index_cast %scan3A_182 : i32 to index
        %get3A_542 = arith.constant 480 : index
        %get3A_543 = tpu.vector_load %arg7[%get3A_541, %get3A_542] {strides = array<i32>} : memref<40x512xf32, #tpu.memory_space<vmem>>, vector<1x16xf32>,
        %get3A_544 = vector.shape_cast %get3A_543 : vector<1x16xf32> to vector<16xf32>
        %mul3A_545 = arith.constant 22.6274166 : f32
        %mul3A_546 = vector.broadcast %mul3A_545 : f32 to vector<16xf32>
        %mul3A_547 = arith.mulf %get3A_544, %mul3A_546 : vector<16xf32>
        %swap3A_548 = arith.index_cast %scan3A_182 : i32 to index
        %swap3A_549 = arith.constant 480 : index
        %swap3A_550 = tpu.vector_load %arg7[%swap3A_548, %swap3A_549] {strides = array<i32>} : memref<40x512xf32, #tpu.memory_space<vmem>>, vector<1x16xf32>,
        %swap3A_551 = vector.shape_cast %swap3A_550 : vector<1x16xf32> to vector<16xf32>
        %swap3A_552 = vector.shape_cast %mul3A_547 : vector<16xf32> to vector<1x16xf32>
        tpu.vector_store %arg7[%swap3A_548, %swap3A_549], %swap3A_552 {strides = array<i32>} : memref<40x512xf32, #tpu.memory_space<vmem>>, vector<1x16xf32>,
        %get3A_553 = arith.index_cast %scan3A_182 : i32 to index
        %get3A_554 = arith.constant 496 : index
        %get3A_555 = tpu.vector_load %arg7[%get3A_553, %get3A_554] {strides = array<i32>} : memref<40x512xf32, #tpu.memory_space<vmem>>, vector<1x16xf32>,
        %get3A_556 = vector.shape_cast %get3A_555 : vector<1x16xf32> to vector<16xf32>
        %mul3A_557 = arith.constant 22.6274166 : f32
        %mul3A_558 = vector.broadcast %mul3A_557 : f32 to vector<16xf32>
        %mul3A_559 = arith.mulf %get3A_556, %mul3A_558 : vector<16xf32>
        %swap3A_560 = arith.index_cast %scan3A_182 : i32 to index
        %swap3A_561 = arith.constant 496 : index
        %swap3A_562 = tpu.vector_load %arg7[%swap3A_560, %swap3A_561] {strides = array<i32>} : memref<40x512xf32, #tpu.memory_space<vmem>>, vector<1x16xf32>,
        %swap3A_563 = vector.shape_cast %swap3A_562 : vector<1x16xf32> to vector<16xf32>
        %swap3A_564 = vector.shape_cast %mul3A_559 : vector<16xf32> to vector<1x16xf32>
        tpu.vector_store %arg7[%swap3A_560, %swap3A_561], %swap3A_564 {strides = array<i32>} : memref<40x512xf32, #tpu.memory_space<vmem>>, vector<1x16xf32>,
      }
      %scan3A_98 = arith.constant 40 : i32
      %mul3A_99 = arith.constant 40 : i32
      %mul3A_100 = arith.muli %add3A_86, %mul3A_99 : i32
      %multiple_of3A_101 = tpu.assume_multiple %mul3A_100, 40 : i32
      %add3A_102 = arith.addi %multiple_of3A, %multiple_of3A_101 : i32
      %dma_start3A_103 = arith.constant 0 : i32
      %dma_start3A_104 = tpu.memref_slice %arg4[%add3A_102, %dma_start3A_103] : memref<204800x512xf32, #tpu.memory_space<hbm>> -> memref<40x512xf32, #tpu.memory_space<hbm>>
      %dma_start3A_105 = arith.constant 0 : i32
      %dma_start3A_106 = tpu.memref_slice %arg4[%add3A_102, %dma_start3A_105] : memref<204800x512xf32, #tpu.memory_space<hbm>> -> memref<40x512xf32, #tpu.memory_space<hbm>>
      tpu.enqueue_dma source(%arg7 : memref<40x512xf32, #tpu.memory_space<vmem>>) target(%dma_start3A_106 : memref<40x512xf32, #tpu.memory_space<hbm>>) target_semaphore(%arg15 : memref<!tpu.dma_semaphore, #tpu.memory_space<semaphore_mem>>)
      %add3A_107 = arith.constant 4 : i32
      %add3A_108 = arith.addi %add3A_86, %add3A_107 : i32
      %sub3A_109 = arith.constant 1 : i32
      %sub3A_110 = arith.subi %add3A_108, %sub3A_109 : i32
      %lt3A_111 = arith.constant 160 : i32
      %lt3A_112 = arith.cmpi slt, %sub3A_110, %lt3A_111 : i32
      %convert_element_type3A_113 = arith.extui %lt3A_112 : i1 to i32
      %cond3A_114 = arith.constant 0 : i32
      %cond3A_115 = arith.cmpi ne, %convert_element_type3A_113, %cond3A_114 : i32
      scf.if %cond3A_115 {
        %dma_wait3A_182 = arith.constant 0 : i32
        %dma_wait3A_183 = arith.constant 0 : i32
        %dma_wait3A_184 = tpu.memref_slice %arg4[%dma_wait3A_182, %dma_wait3A_183] : memref<204800x512xf32, #tpu.memory_space<hbm>> -> memref<40x512xf32, #tpu.memory_space<hbm>>
        %dma_wait3A_185 = arith.constant 0 : i32
        %dma_wait3A_186 = arith.constant 0 : i32
        %dma_wait3A_187 = tpu.memref_slice %arg4[%dma_wait3A_185, %dma_wait3A_186] : memref<204800x512xf32, #tpu.memory_space<hbm>> -> memref<40x512xf32, #tpu.memory_space<hbm>>
        tpu.wait_dma2 semaphore(%arg14 : memref<!tpu.dma_semaphore, #tpu.memory_space<semaphore_mem>>) src(%arg6 : memref<40x512xf32, #tpu.memory_space<vmem>>) dst(%dma_wait3A_187 : memref<40x512xf32, #tpu.memory_space<hbm>>)
        %add3A_188 = arith.constant 4 : i32
        %add3A_189 = arith.addi %add3A_86, %add3A_188 : i32
        %sub3A_190 = arith.constant 1 : i32
        %sub3A_191 = arith.subi %add3A_189, %sub3A_190 : i32
        %mul3A_192 = arith.constant 40 : i32
        %mul3A_193 = arith.muli %sub3A_191, %mul3A_192 : i32
        %multiple_of3A_194 = tpu.assume_multiple %mul3A_193, 40 : i32
        %dma_start3A_195 = tpu.memref_slice %arg5[%multiple_of3A_194] : memref<6400xi32, #tpu.memory_space<vmem>> -> memref<40xi32, #tpu.memory_space<vmem>>
        %dma_start3A_196 = arith.constant 0 : i32
        %dma_start3A_197 = arith.constant 0 : i32
        %dma_start3A_198 = tpu.memref_slice %arg3[%dma_start3A_196, %dma_start3A_197] : memref<100000x512xf32, #tpu.memory_space<hbm>> -> memref<100000x512xf32, #tpu.memory_space<hbm>>
        tpu.enqueue_indirect_dma source(%dma_start3A_198 : memref<100000x512xf32, #tpu.memory_space<hbm>>) target(%arg6 : memref<40x512xf32, #tpu.memory_space<vmem>>) offsets(%dma_start3A_195 : memref<40xi32, #tpu.memory_space<vmem>>) semaphore(%arg10 : memref<!tpu.dma_semaphore, #tpu.memory_space<semaphore_mem>>)
      } else {
      }
      %mul3A_116 = arith.constant 4 : i32
      %mul3A_117 = arith.muli %scan3A_48, %mul3A_116 : i32
      %add3A_118 = arith.constant 2 : i32
      %add3A_119 = arith.addi %mul3A_117, %add3A_118 : i32
      %dma_wait3A_120 = arith.constant 0 : i32
      %dma_wait3A_121 = arith.constant 0 : i32
      %dma_wait3A_122 = tpu.memref_slice %arg4[%dma_wait3A_120, %dma_wait3A_121] : memref<204800x512xf32, #tpu.memory_space<hbm>> -> memref<40x512xf32, #tpu.memory_space<hbm>>
      %dma_wait3A_123 = arith.constant 0 : i32
      %dma_wait3A_124 = arith.constant 0 : i32
      %dma_wait3A_125 = tpu.memref_slice %arg4[%dma_wait3A_123, %dma_wait3A_124] : memref<204800x512xf32, #tpu.memory_space<hbm>> -> memref<40x512xf32, #tpu.memory_space<hbm>>
      tpu.wait_dma2 semaphore(%arg12 : memref<!tpu.dma_semaphore, #tpu.memory_space<semaphore_mem>>) src(%dma_wait3A_125 : memref<40x512xf32, #tpu.memory_space<hbm>>) dst(%arg8 : memref<40x512xf32, #tpu.memory_space<vmem>>)
      %scan3A_126 = arith.constant 0 : i32
      %scan3A_127 = arith.constant 0 : i32
      %scan3A_128 = arith.constant 40 : i32
      %scan3A_129 = arith.addi %scan3A_127, %scan3A_128 : i32
      %scan3A_130 = arith.constant 1 : i32
      scf.for %scan3A_182 = %scan3A_127 to %scan3A_129 step %scan3A_130  : i32 {
        %get3A = arith.index_cast %scan3A_182 : i32 to index
        %get3A_183 = arith.constant 0 : index
        %get3A_184 = tpu.vector_load %arg8[%get3A, %get3A_183] {strides = array<i32>} : memref<40x512xf32, #tpu.memory_space<vmem>>, vector<1x16xf32>,
        %get3A_185 = vector.shape_cast %get3A_184 : vector<1x16xf32> to vector<16xf32>
        %mul3A_186 = arith.constant 22.6274166 : f32
        %mul3A_187 = vector.broadcast %mul3A_186 : f32 to vector<16xf32>
        %mul3A_188 = arith.mulf %get3A_185, %mul3A_187 : vector<16xf32>
        %swap3A = arith.index_cast %scan3A_182 : i32 to index
        %swap3A_189 = arith.constant 0 : index
        %swap3A_190 = tpu.vector_load %arg8[%swap3A, %swap3A_189] {strides = array<i32>} : memref<40x512xf32, #tpu.memory_space<vmem>>, vector<1x16xf32>,
        %swap3A_191 = vector.shape_cast %swap3A_190 : vector<1x16xf32> to vector<16xf32>
        %swap3A_192 = vector.shape_cast %mul3A_188 : vector<16xf32> to vector<1x16xf32>
        tpu.vector_store %arg8[%swap3A, %swap3A_189], %swap3A_192 {strides = array<i32>} : memref<40x512xf32, #tpu.memory_space<vmem>>, vector<1x16xf32>,
        %get3A_193 = arith.index_cast %scan3A_182 : i32 to index
        %get3A_194 = arith.constant 16 : index
        %get3A_195 = tpu.vector_load %arg8[%get3A_193, %get3A_194] {strides = array<i32>} : memref<40x512xf32, #tpu.memory_space<vmem>>, vector<1x16xf32>,
        %get3A_196 = vector.shape_cast %get3A_195 : vector<1x16xf32> to vector<16xf32>
        %mul3A_197 = arith.constant 22.6274166 : f32
        %mul3A_198 = vector.broadcast %mul3A_197 : f32 to vector<16xf32>
        %mul3A_199 = arith.mulf %get3A_196, %mul3A_198 : vector<16xf32>
        %swap3A_200 = arith.index_cast %scan3A_182 : i32 to index
        %swap3A_201 = arith.constant 16 : index
        %swap3A_202 = tpu.vector_load %arg8[%swap3A_200, %swap3A_201] {strides = array<i32>} : memref<40x512xf32, #tpu.memory_space<vmem>>, vector<1x16xf32>,
        %swap3A_203 = vector.shape_cast %swap3A_202 : vector<1x16xf32> to vector<16xf32>
        %swap3A_204 = vector.shape_cast %mul3A_199 : vector<16xf32> to vector<1x16xf32>
        tpu.vector_store %arg8[%swap3A_200, %swap3A_201], %swap3A_204 {strides = array<i32>} : memref<40x512xf32, #tpu.memory_space<vmem>>, vector<1x16xf32>,
        %get3A_205 = arith.index_cast %scan3A_182 : i32 to index
        %get3A_206 = arith.constant 32 : index
        %get3A_207 = tpu.vector_load %arg8[%get3A_205, %get3A_206] {strides = array<i32>} : memref<40x512xf32, #tpu.memory_space<vmem>>, vector<1x16xf32>,
        %get3A_208 = vector.shape_cast %get3A_207 : vector<1x16xf32> to vector<16xf32>
        %mul3A_209 = arith.constant 22.6274166 : f32
        %mul3A_210 = vector.broadcast %mul3A_209 : f32 to vector<16xf32>
        %mul3A_211 = arith.mulf %get3A_208, %mul3A_210 : vector<16xf32>
        %swap3A_212 = arith.index_cast %scan3A_182 : i32 to index
        %swap3A_213 = arith.constant 32 : index
        %swap3A_214 = tpu.vector_load %arg8[%swap3A_212, %swap3A_213] {strides = array<i32>} : memref<40x512xf32, #tpu.memory_space<vmem>>, vector<1x16xf32>,
        %swap3A_215 = vector.shape_cast %swap3A_214 : vector<1x16xf32> to vector<16xf32>
        %swap3A_216 = vector.shape_cast %mul3A_211 : vector<16xf32> to vector<1x16xf32>
        tpu.vector_store %arg8[%swap3A_212, %swap3A_213], %swap3A_216 {strides = array<i32>} : memref<40x512xf32, #tpu.memory_space<vmem>>, vector<1x16xf32>,
        %get3A_217 = arith.index_cast %scan3A_182 : i32 to index
        %get3A_218 = arith.constant 48 : index
        %get3A_219 = tpu.vector_load %arg8[%get3A_217, %get3A_218] {strides = array<i32>} : memref<40x512xf32, #tpu.memory_space<vmem>>, vector<1x16xf32>,
        %get3A_220 = vector.shape_cast %get3A_219 : vector<1x16xf32> to vector<16xf32>
        %mul3A_221 = arith.constant 22.6274166 : f32
        %mul3A_222 = vector.broadcast %mul3A_221 : f32 to vector<16xf32>
        %mul3A_223 = arith.mulf %get3A_220, %mul3A_222 : vector<16xf32>
        %swap3A_224 = arith.index_cast %scan3A_182 : i32 to index
        %swap3A_225 = arith.constant 48 : index
        %swap3A_226 = tpu.vector_load %arg8[%swap3A_224, %swap3A_225] {strides = array<i32>} : memref<40x512xf32, #tpu.memory_space<vmem>>, vector<1x16xf32>,
        %swap3A_227 = vector.shape_cast %swap3A_226 : vector<1x16xf32> to vector<16xf32>
        %swap3A_228 = vector.shape_cast %mul3A_223 : vector<16xf32> to vector<1x16xf32>
        tpu.vector_store %arg8[%swap3A_224, %swap3A_225], %swap3A_228 {strides = array<i32>} : memref<40x512xf32, #tpu.memory_space<vmem>>, vector<1x16xf32>,
        %get3A_229 = arith.index_cast %scan3A_182 : i32 to index
        %get3A_230 = arith.constant 64 : index
        %get3A_231 = tpu.vector_load %arg8[%get3A_229, %get3A_230] {strides = array<i32>} : memref<40x512xf32, #tpu.memory_space<vmem>>, vector<1x16xf32>,
        %get3A_232 = vector.shape_cast %get3A_231 : vector<1x16xf32> to vector<16xf32>
        %mul3A_233 = arith.constant 22.6274166 : f32
        %mul3A_234 = vector.broadcast %mul3A_233 : f32 to vector<16xf32>
        %mul3A_235 = arith.mulf %get3A_232, %mul3A_234 : vector<16xf32>
        %swap3A_236 = arith.index_cast %scan3A_182 : i32 to index
        %swap3A_237 = arith.constant 64 : index
        %swap3A_238 = tpu.vector_load %arg8[%swap3A_236, %swap3A_237] {strides = array<i32>} : memref<40x512xf32, #tpu.memory_space<vmem>>, vector<1x16xf32>,
        %swap3A_239 = vector.shape_cast %swap3A_238 : vector<1x16xf32> to vector<16xf32>
        %swap3A_240 = vector.shape_cast %mul3A_235 : vector<16xf32> to vector<1x16xf32>
        tpu.vector_store %arg8[%swap3A_236, %swap3A_237], %swap3A_240 {strides = array<i32>} : memref<40x512xf32, #tpu.memory_space<vmem>>, vector<1x16xf32>,
        %get3A_241 = arith.index_cast %scan3A_182 : i32 to index
        %get3A_242 = arith.constant 80 : index
        %get3A_243 = tpu.vector_load %arg8[%get3A_241, %get3A_242] {strides = array<i32>} : memref<40x512xf32, #tpu.memory_space<vmem>>, vector<1x16xf32>,
        %get3A_244 = vector.shape_cast %get3A_243 : vector<1x16xf32> to vector<16xf32>
        %mul3A_245 = arith.constant 22.6274166 : f32
        %mul3A_246 = vector.broadcast %mul3A_245 : f32 to vector<16xf32>
        %mul3A_247 = arith.mulf %get3A_244, %mul3A_246 : vector<16xf32>
        %swap3A_248 = arith.index_cast %scan3A_182 : i32 to index
        %swap3A_249 = arith.constant 80 : index
        %swap3A_250 = tpu.vector_load %arg8[%swap3A_248, %swap3A_249] {strides = array<i32>} : memref<40x512xf32, #tpu.memory_space<vmem>>, vector<1x16xf32>,
        %swap3A_251 = vector.shape_cast %swap3A_250 : vector<1x16xf32> to vector<16xf32>
        %swap3A_252 = vector.shape_cast %mul3A_247 : vector<16xf32> to vector<1x16xf32>
        tpu.vector_store %arg8[%swap3A_248, %swap3A_249], %swap3A_252 {strides = array<i32>} : memref<40x512xf32, #tpu.memory_space<vmem>>, vector<1x16xf32>,
        %get3A_253 = arith.index_cast %scan3A_182 : i32 to index
        %get3A_254 = arith.constant 96 : index
        %get3A_255 = tpu.vector_load %arg8[%get3A_253, %get3A_254] {strides = array<i32>} : memref<40x512xf32, #tpu.memory_space<vmem>>, vector<1x16xf32>,
        %get3A_256 = vector.shape_cast %get3A_255 : vector<1x16xf32> to vector<16xf32>
        %mul3A_257 = arith.constant 22.6274166 : f32
        %mul3A_258 = vector.broadcast %mul3A_257 : f32 to vector<16xf32>
        %mul3A_259 = arith.mulf %get3A_256, %mul3A_258 : vector<16xf32>
        %swap3A_260 = arith.index_cast %scan3A_182 : i32 to index
        %swap3A_261 = arith.constant 96 : index
        %swap3A_262 = tpu.vector_load %arg8[%swap3A_260, %swap3A_261] {strides = array<i32>} : memref<40x512xf32, #tpu.memory_space<vmem>>, vector<1x16xf32>,
        %swap3A_263 = vector.shape_cast %swap3A_262 : vector<1x16xf32> to vector<16xf32>
        %swap3A_264 = vector.shape_cast %mul3A_259 : vector<16xf32> to vector<1x16xf32>
        tpu.vector_store %arg8[%swap3A_260, %swap3A_261], %swap3A_264 {strides = array<i32>} : memref<40x512xf32, #tpu.memory_space<vmem>>, vector<1x16xf32>,
        %get3A_265 = arith.index_cast %scan3A_182 : i32 to index
        %get3A_266 = arith.constant 112 : index
        %get3A_267 = tpu.vector_load %arg8[%get3A_265, %get3A_266] {strides = array<i32>} : memref<40x512xf32, #tpu.memory_space<vmem>>, vector<1x16xf32>,
        %get3A_268 = vector.shape_cast %get3A_267 : vector<1x16xf32> to vector<16xf32>
        %mul3A_269 = arith.constant 22.6274166 : f32
        %mul3A_270 = vector.broadcast %mul3A_269 : f32 to vector<16xf32>
        %mul3A_271 = arith.mulf %get3A_268, %mul3A_270 : vector<16xf32>
        %swap3A_272 = arith.index_cast %scan3A_182 : i32 to index
        %swap3A_273 = arith.constant 112 : index
        %swap3A_274 = tpu.vector_load %arg8[%swap3A_272, %swap3A_273] {strides = array<i32>} : memref<40x512xf32, #tpu.memory_space<vmem>>, vector<1x16xf32>,
        %swap3A_275 = vector.shape_cast %swap3A_274 : vector<1x16xf32> to vector<16xf32>
        %swap3A_276 = vector.shape_cast %mul3A_271 : vector<16xf32> to vector<1x16xf32>
        tpu.vector_store %arg8[%swap3A_272, %swap3A_273], %swap3A_276 {strides = array<i32>} : memref<40x512xf32, #tpu.memory_space<vmem>>, vector<1x16xf32>,
        %get3A_277 = arith.index_cast %scan3A_182 : i32 to index
        %get3A_278 = arith.constant 128 : index
        %get3A_279 = tpu.vector_load %arg8[%get3A_277, %get3A_278] {strides = array<i32>} : memref<40x512xf32, #tpu.memory_space<vmem>>, vector<1x16xf32>,
        %get3A_280 = vector.shape_cast %get3A_279 : vector<1x16xf32> to vector<16xf32>
        %mul3A_281 = arith.constant 22.6274166 : f32
        %mul3A_282 = vector.broadcast %mul3A_281 : f32 to vector<16xf32>
        %mul3A_283 = arith.mulf %get3A_280, %mul3A_282 : vector<16xf32>
        %swap3A_284 = arith.index_cast %scan3A_182 : i32 to index
        %swap3A_285 = arith.constant 128 : index
        %swap3A_286 = tpu.vector_load %arg8[%swap3A_284, %swap3A_285] {strides = array<i32>} : memref<40x512xf32, #tpu.memory_space<vmem>>, vector<1x16xf32>,
        %swap3A_287 = vector.shape_cast %swap3A_286 : vector<1x16xf32> to vector<16xf32>
        %swap3A_288 = vector.shape_cast %mul3A_283 : vector<16xf32> to vector<1x16xf32>
        tpu.vector_store %arg8[%swap3A_284, %swap3A_285], %swap3A_288 {strides = array<i32>} : memref<40x512xf32, #tpu.memory_space<vmem>>, vector<1x16xf32>,
        %get3A_289 = arith.index_cast %scan3A_182 : i32 to index
        %get3A_290 = arith.constant 144 : index
        %get3A_291 = tpu.vector_load %arg8[%get3A_289, %get3A_290] {strides = array<i32>} : memref<40x512xf32, #tpu.memory_space<vmem>>, vector<1x16xf32>,
        %get3A_292 = vector.shape_cast %get3A_291 : vector<1x16xf32> to vector<16xf32>
        %mul3A_293 = arith.constant 22.6274166 : f32
        %mul3A_294 = vector.broadcast %mul3A_293 : f32 to vector<16xf32>
        %mul3A_295 = arith.mulf %get3A_292, %mul3A_294 : vector<16xf32>
        %swap3A_296 = arith.index_cast %scan3A_182 : i32 to index
        %swap3A_297 = arith.constant 144 : index
        %swap3A_298 = tpu.vector_load %arg8[%swap3A_296, %swap3A_297] {strides = array<i32>} : memref<40x512xf32, #tpu.memory_space<vmem>>, vector<1x16xf32>,
        %swap3A_299 = vector.shape_cast %swap3A_298 : vector<1x16xf32> to vector<16xf32>
        %swap3A_300 = vector.shape_cast %mul3A_295 : vector<16xf32> to vector<1x16xf32>
        tpu.vector_store %arg8[%swap3A_296, %swap3A_297], %swap3A_300 {strides = array<i32>} : memref<40x512xf32, #tpu.memory_space<vmem>>, vector<1x16xf32>,
        %get3A_301 = arith.index_cast %scan3A_182 : i32 to index
        %get3A_302 = arith.constant 160 : index
        %get3A_303 = tpu.vector_load %arg8[%get3A_301, %get3A_302] {strides = array<i32>} : memref<40x512xf32, #tpu.memory_space<vmem>>, vector<1x16xf32>,
        %get3A_304 = vector.shape_cast %get3A_303 : vector<1x16xf32> to vector<16xf32>
        %mul3A_305 = arith.constant 22.6274166 : f32
        %mul3A_306 = vector.broadcast %mul3A_305 : f32 to vector<16xf32>
        %mul3A_307 = arith.mulf %get3A_304, %mul3A_306 : vector<16xf32>
        %swap3A_308 = arith.index_cast %scan3A_182 : i32 to index
        %swap3A_309 = arith.constant 160 : index
        %swap3A_310 = tpu.vector_load %arg8[%swap3A_308, %swap3A_309] {strides = array<i32>} : memref<40x512xf32, #tpu.memory_space<vmem>>, vector<1x16xf32>,
        %swap3A_311 = vector.shape_cast %swap3A_310 : vector<1x16xf32> to vector<16xf32>
        %swap3A_312 = vector.shape_cast %mul3A_307 : vector<16xf32> to vector<1x16xf32>
        tpu.vector_store %arg8[%swap3A_308, %swap3A_309], %swap3A_312 {strides = array<i32>} : memref<40x512xf32, #tpu.memory_space<vmem>>, vector<1x16xf32>,
        %get3A_313 = arith.index_cast %scan3A_182 : i32 to index
        %get3A_314 = arith.constant 176 : index
        %get3A_315 = tpu.vector_load %arg8[%get3A_313, %get3A_314] {strides = array<i32>} : memref<40x512xf32, #tpu.memory_space<vmem>>, vector<1x16xf32>,
        %get3A_316 = vector.shape_cast %get3A_315 : vector<1x16xf32> to vector<16xf32>
        %mul3A_317 = arith.constant 22.6274166 : f32
        %mul3A_318 = vector.broadcast %mul3A_317 : f32 to vector<16xf32>
        %mul3A_319 = arith.mulf %get3A_316, %mul3A_318 : vector<16xf32>
        %swap3A_320 = arith.index_cast %scan3A_182 : i32 to index
        %swap3A_321 = arith.constant 176 : index
        %swap3A_322 = tpu.vector_load %arg8[%swap3A_320, %swap3A_321] {strides = array<i32>} : memref<40x512xf32, #tpu.memory_space<vmem>>, vector<1x16xf32>,
        %swap3A_323 = vector.shape_cast %swap3A_322 : vector<1x16xf32> to vector<16xf32>
        %swap3A_324 = vector.shape_cast %mul3A_319 : vector<16xf32> to vector<1x16xf32>
        tpu.vector_store %arg8[%swap3A_320, %swap3A_321], %swap3A_324 {strides = array<i32>} : memref<40x512xf32, #tpu.memory_space<vmem>>, vector<1x16xf32>,
        %get3A_325 = arith.index_cast %scan3A_182 : i32 to index
        %get3A_326 = arith.constant 192 : index
        %get3A_327 = tpu.vector_load %arg8[%get3A_325, %get3A_326] {strides = array<i32>} : memref<40x512xf32, #tpu.memory_space<vmem>>, vector<1x16xf32>,
        %get3A_328 = vector.shape_cast %get3A_327 : vector<1x16xf32> to vector<16xf32>
        %mul3A_329 = arith.constant 22.6274166 : f32
        %mul3A_330 = vector.broadcast %mul3A_329 : f32 to vector<16xf32>
        %mul3A_331 = arith.mulf %get3A_328, %mul3A_330 : vector<16xf32>
        %swap3A_332 = arith.index_cast %scan3A_182 : i32 to index
        %swap3A_333 = arith.constant 192 : index
        %swap3A_334 = tpu.vector_load %arg8[%swap3A_332, %swap3A_333] {strides = array<i32>} : memref<40x512xf32, #tpu.memory_space<vmem>>, vector<1x16xf32>,
        %swap3A_335 = vector.shape_cast %swap3A_334 : vector<1x16xf32> to vector<16xf32>
        %swap3A_336 = vector.shape_cast %mul3A_331 : vector<16xf32> to vector<1x16xf32>
        tpu.vector_store %arg8[%swap3A_332, %swap3A_333], %swap3A_336 {strides = array<i32>} : memref<40x512xf32, #tpu.memory_space<vmem>>, vector<1x16xf32>,
        %get3A_337 = arith.index_cast %scan3A_182 : i32 to index
        %get3A_338 = arith.constant 208 : index
        %get3A_339 = tpu.vector_load %arg8[%get3A_337, %get3A_338] {strides = array<i32>} : memref<40x512xf32, #tpu.memory_space<vmem>>, vector<1x16xf32>,
        %get3A_340 = vector.shape_cast %get3A_339 : vector<1x16xf32> to vector<16xf32>
        %mul3A_341 = arith.constant 22.6274166 : f32
        %mul3A_342 = vector.broadcast %mul3A_341 : f32 to vector<16xf32>
        %mul3A_343 = arith.mulf %get3A_340, %mul3A_342 : vector<16xf32>
        %swap3A_344 = arith.index_cast %scan3A_182 : i32 to index
        %swap3A_345 = arith.constant 208 : index
        %swap3A_346 = tpu.vector_load %arg8[%swap3A_344, %swap3A_345] {strides = array<i32>} : memref<40x512xf32, #tpu.memory_space<vmem>>, vector<1x16xf32>,
        %swap3A_347 = vector.shape_cast %swap3A_346 : vector<1x16xf32> to vector<16xf32>
        %swap3A_348 = vector.shape_cast %mul3A_343 : vector<16xf32> to vector<1x16xf32>
        tpu.vector_store %arg8[%swap3A_344, %swap3A_345], %swap3A_348 {strides = array<i32>} : memref<40x512xf32, #tpu.memory_space<vmem>>, vector<1x16xf32>,
        %get3A_349 = arith.index_cast %scan3A_182 : i32 to index
        %get3A_350 = arith.constant 224 : index
        %get3A_351 = tpu.vector_load %arg8[%get3A_349, %get3A_350] {strides = array<i32>} : memref<40x512xf32, #tpu.memory_space<vmem>>, vector<1x16xf32>,
        %get3A_352 = vector.shape_cast %get3A_351 : vector<1x16xf32> to vector<16xf32>
        %mul3A_353 = arith.constant 22.6274166 : f32
        %mul3A_354 = vector.broadcast %mul3A_353 : f32 to vector<16xf32>
        %mul3A_355 = arith.mulf %get3A_352, %mul3A_354 : vector<16xf32>
        %swap3A_356 = arith.index_cast %scan3A_182 : i32 to index
        %swap3A_357 = arith.constant 224 : index
        %swap3A_358 = tpu.vector_load %arg8[%swap3A_356, %swap3A_357] {strides = array<i32>} : memref<40x512xf32, #tpu.memory_space<vmem>>, vector<1x16xf32>,
        %swap3A_359 = vector.shape_cast %swap3A_358 : vector<1x16xf32> to vector<16xf32>
        %swap3A_360 = vector.shape_cast %mul3A_355 : vector<16xf32> to vector<1x16xf32>
        tpu.vector_store %arg8[%swap3A_356, %swap3A_357], %swap3A_360 {strides = array<i32>} : memref<40x512xf32, #tpu.memory_space<vmem>>, vector<1x16xf32>,
        %get3A_361 = arith.index_cast %scan3A_182 : i32 to index
        %get3A_362 = arith.constant 240 : index
        %get3A_363 = tpu.vector_load %arg8[%get3A_361, %get3A_362] {strides = array<i32>} : memref<40x512xf32, #tpu.memory_space<vmem>>, vector<1x16xf32>,
        %get3A_364 = vector.shape_cast %get3A_363 : vector<1x16xf32> to vector<16xf32>
        %mul3A_365 = arith.constant 22.6274166 : f32
        %mul3A_366 = vector.broadcast %mul3A_365 : f32 to vector<16xf32>
        %mul3A_367 = arith.mulf %get3A_364, %mul3A_366 : vector<16xf32>
        %swap3A_368 = arith.index_cast %scan3A_182 : i32 to index
        %swap3A_369 = arith.constant 240 : index
        %swap3A_370 = tpu.vector_load %arg8[%swap3A_368, %swap3A_369] {strides = array<i32>} : memref<40x512xf32, #tpu.memory_space<vmem>>, vector<1x16xf32>,
        %swap3A_371 = vector.shape_cast %swap3A_370 : vector<1x16xf32> to vector<16xf32>
        %swap3A_372 = vector.shape_cast %mul3A_367 : vector<16xf32> to vector<1x16xf32>
        tpu.vector_store %arg8[%swap3A_368, %swap3A_369], %swap3A_372 {strides = array<i32>} : memref<40x512xf32, #tpu.memory_space<vmem>>, vector<1x16xf32>,
        %get3A_373 = arith.index_cast %scan3A_182 : i32 to index
        %get3A_374 = arith.constant 256 : index
        %get3A_375 = tpu.vector_load %arg8[%get3A_373, %get3A_374] {strides = array<i32>} : memref<40x512xf32, #tpu.memory_space<vmem>>, vector<1x16xf32>,
        %get3A_376 = vector.shape_cast %get3A_375 : vector<1x16xf32> to vector<16xf32>
        %mul3A_377 = arith.constant 22.6274166 : f32
        %mul3A_378 = vector.broadcast %mul3A_377 : f32 to vector<16xf32>
        %mul3A_379 = arith.mulf %get3A_376, %mul3A_378 : vector<16xf32>
        %swap3A_380 = arith.index_cast %scan3A_182 : i32 to index
        %swap3A_381 = arith.constant 256 : index
        %swap3A_382 = tpu.vector_load %arg8[%swap3A_380, %swap3A_381] {strides = array<i32>} : memref<40x512xf32, #tpu.memory_space<vmem>>, vector<1x16xf32>,
        %swap3A_383 = vector.shape_cast %swap3A_382 : vector<1x16xf32> to vector<16xf32>
        %swap3A_384 = vector.shape_cast %mul3A_379 : vector<16xf32> to vector<1x16xf32>
        tpu.vector_store %arg8[%swap3A_380, %swap3A_381], %swap3A_384 {strides = array<i32>} : memref<40x512xf32, #tpu.memory_space<vmem>>, vector<1x16xf32>,
        %get3A_385 = arith.index_cast %scan3A_182 : i32 to index
        %get3A_386 = arith.constant 272 : index
        %get3A_387 = tpu.vector_load %arg8[%get3A_385, %get3A_386] {strides = array<i32>} : memref<40x512xf32, #tpu.memory_space<vmem>>, vector<1x16xf32>,
        %get3A_388 = vector.shape_cast %get3A_387 : vector<1x16xf32> to vector<16xf32>
        %mul3A_389 = arith.constant 22.6274166 : f32
        %mul3A_390 = vector.broadcast %mul3A_389 : f32 to vector<16xf32>
        %mul3A_391 = arith.mulf %get3A_388, %mul3A_390 : vector<16xf32>
        %swap3A_392 = arith.index_cast %scan3A_182 : i32 to index
        %swap3A_393 = arith.constant 272 : index
        %swap3A_394 = tpu.vector_load %arg8[%swap3A_392, %swap3A_393] {strides = array<i32>} : memref<40x512xf32, #tpu.memory_space<vmem>>, vector<1x16xf32>,
        %swap3A_395 = vector.shape_cast %swap3A_394 : vector<1x16xf32> to vector<16xf32>
        %swap3A_396 = vector.shape_cast %mul3A_391 : vector<16xf32> to vector<1x16xf32>
        tpu.vector_store %arg8[%swap3A_392, %swap3A_393], %swap3A_396 {strides = array<i32>} : memref<40x512xf32, #tpu.memory_space<vmem>>, vector<1x16xf32>,
        %get3A_397 = arith.index_cast %scan3A_182 : i32 to index
        %get3A_398 = arith.constant 288 : index
        %get3A_399 = tpu.vector_load %arg8[%get3A_397, %get3A_398] {strides = array<i32>} : memref<40x512xf32, #tpu.memory_space<vmem>>, vector<1x16xf32>,
        %get3A_400 = vector.shape_cast %get3A_399 : vector<1x16xf32> to vector<16xf32>
        %mul3A_401 = arith.constant 22.6274166 : f32
        %mul3A_402 = vector.broadcast %mul3A_401 : f32 to vector<16xf32>
        %mul3A_403 = arith.mulf %get3A_400, %mul3A_402 : vector<16xf32>
        %swap3A_404 = arith.index_cast %scan3A_182 : i32 to index
        %swap3A_405 = arith.constant 288 : index
        %swap3A_406 = tpu.vector_load %arg8[%swap3A_404, %swap3A_405] {strides = array<i32>} : memref<40x512xf32, #tpu.memory_space<vmem>>, vector<1x16xf32>,
        %swap3A_407 = vector.shape_cast %swap3A_406 : vector<1x16xf32> to vector<16xf32>
        %swap3A_408 = vector.shape_cast %mul3A_403 : vector<16xf32> to vector<1x16xf32>
        tpu.vector_store %arg8[%swap3A_404, %swap3A_405], %swap3A_408 {strides = array<i32>} : memref<40x512xf32, #tpu.memory_space<vmem>>, vector<1x16xf32>,
        %get3A_409 = arith.index_cast %scan3A_182 : i32 to index
        %get3A_410 = arith.constant 304 : index
        %get3A_411 = tpu.vector_load %arg8[%get3A_409, %get3A_410] {strides = array<i32>} : memref<40x512xf32, #tpu.memory_space<vmem>>, vector<1x16xf32>,
        %get3A_412 = vector.shape_cast %get3A_411 : vector<1x16xf32> to vector<16xf32>
        %mul3A_413 = arith.constant 22.6274166 : f32
        %mul3A_414 = vector.broadcast %mul3A_413 : f32 to vector<16xf32>
        %mul3A_415 = arith.mulf %get3A_412, %mul3A_414 : vector<16xf32>
        %swap3A_416 = arith.index_cast %scan3A_182 : i32 to index
        %swap3A_417 = arith.constant 304 : index
        %swap3A_418 = tpu.vector_load %arg8[%swap3A_416, %swap3A_417] {strides = array<i32>} : memref<40x512xf32, #tpu.memory_space<vmem>>, vector<1x16xf32>,
        %swap3A_419 = vector.shape_cast %swap3A_418 : vector<1x16xf32> to vector<16xf32>
        %swap3A_420 = vector.shape_cast %mul3A_415 : vector<16xf32> to vector<1x16xf32>
        tpu.vector_store %arg8[%swap3A_416, %swap3A_417], %swap3A_420 {strides = array<i32>} : memref<40x512xf32, #tpu.memory_space<vmem>>, vector<1x16xf32>,
        %get3A_421 = arith.index_cast %scan3A_182 : i32 to index
        %get3A_422 = arith.constant 320 : index
        %get3A_423 = tpu.vector_load %arg8[%get3A_421, %get3A_422] {strides = array<i32>} : memref<40x512xf32, #tpu.memory_space<vmem>>, vector<1x16xf32>,
        %get3A_424 = vector.shape_cast %get3A_423 : vector<1x16xf32> to vector<16xf32>
        %mul3A_425 = arith.constant 22.6274166 : f32
        %mul3A_426 = vector.broadcast %mul3A_425 : f32 to vector<16xf32>
        %mul3A_427 = arith.mulf %get3A_424, %mul3A_426 : vector<16xf32>
        %swap3A_428 = arith.index_cast %scan3A_182 : i32 to index
        %swap3A_429 = arith.constant 320 : index
        %swap3A_430 = tpu.vector_load %arg8[%swap3A_428, %swap3A_429] {strides = array<i32>} : memref<40x512xf32, #tpu.memory_space<vmem>>, vector<1x16xf32>,
        %swap3A_431 = vector.shape_cast %swap3A_430 : vector<1x16xf32> to vector<16xf32>
        %swap3A_432 = vector.shape_cast %mul3A_427 : vector<16xf32> to vector<1x16xf32>
        tpu.vector_store %arg8[%swap3A_428, %swap3A_429], %swap3A_432 {strides = array<i32>} : memref<40x512xf32, #tpu.memory_space<vmem>>, vector<1x16xf32>,
        %get3A_433 = arith.index_cast %scan3A_182 : i32 to index
        %get3A_434 = arith.constant 336 : index
        %get3A_435 = tpu.vector_load %arg8[%get3A_433, %get3A_434] {strides = array<i32>} : memref<40x512xf32, #tpu.memory_space<vmem>>, vector<1x16xf32>,
        %get3A_436 = vector.shape_cast %get3A_435 : vector<1x16xf32> to vector<16xf32>
        %mul3A_437 = arith.constant 22.6274166 : f32
        %mul3A_438 = vector.broadcast %mul3A_437 : f32 to vector<16xf32>
        %mul3A_439 = arith.mulf %get3A_436, %mul3A_438 : vector<16xf32>
        %swap3A_440 = arith.index_cast %scan3A_182 : i32 to index
        %swap3A_441 = arith.constant 336 : index
        %swap3A_442 = tpu.vector_load %arg8[%swap3A_440, %swap3A_441] {strides = array<i32>} : memref<40x512xf32, #tpu.memory_space<vmem>>, vector<1x16xf32>,
        %swap3A_443 = vector.shape_cast %swap3A_442 : vector<1x16xf32> to vector<16xf32>
        %swap3A_444 = vector.shape_cast %mul3A_439 : vector<16xf32> to vector<1x16xf32>
        tpu.vector_store %arg8[%swap3A_440, %swap3A_441], %swap3A_444 {strides = array<i32>} : memref<40x512xf32, #tpu.memory_space<vmem>>, vector<1x16xf32>,
        %get3A_445 = arith.index_cast %scan3A_182 : i32 to index
        %get3A_446 = arith.constant 352 : index
        %get3A_447 = tpu.vector_load %arg8[%get3A_445, %get3A_446] {strides = array<i32>} : memref<40x512xf32, #tpu.memory_space<vmem>>, vector<1x16xf32>,
        %get3A_448 = vector.shape_cast %get3A_447 : vector<1x16xf32> to vector<16xf32>
        %mul3A_449 = arith.constant 22.6274166 : f32
        %mul3A_450 = vector.broadcast %mul3A_449 : f32 to vector<16xf32>
        %mul3A_451 = arith.mulf %get3A_448, %mul3A_450 : vector<16xf32>
        %swap3A_452 = arith.index_cast %scan3A_182 : i32 to index
        %swap3A_453 = arith.constant 352 : index
        %swap3A_454 = tpu.vector_load %arg8[%swap3A_452, %swap3A_453] {strides = array<i32>} : memref<40x512xf32, #tpu.memory_space<vmem>>, vector<1x16xf32>,
        %swap3A_455 = vector.shape_cast %swap3A_454 : vector<1x16xf32> to vector<16xf32>
        %swap3A_456 = vector.shape_cast %mul3A_451 : vector<16xf32> to vector<1x16xf32>
        tpu.vector_store %arg8[%swap3A_452, %swap3A_453], %swap3A_456 {strides = array<i32>} : memref<40x512xf32, #tpu.memory_space<vmem>>, vector<1x16xf32>,
        %get3A_457 = arith.index_cast %scan3A_182 : i32 to index
        %get3A_458 = arith.constant 368 : index
        %get3A_459 = tpu.vector_load %arg8[%get3A_457, %get3A_458] {strides = array<i32>} : memref<40x512xf32, #tpu.memory_space<vmem>>, vector<1x16xf32>,
        %get3A_460 = vector.shape_cast %get3A_459 : vector<1x16xf32> to vector<16xf32>
        %mul3A_461 = arith.constant 22.6274166 : f32
        %mul3A_462 = vector.broadcast %mul3A_461 : f32 to vector<16xf32>
        %mul3A_463 = arith.mulf %get3A_460, %mul3A_462 : vector<16xf32>
        %swap3A_464 = arith.index_cast %scan3A_182 : i32 to index
        %swap3A_465 = arith.constant 368 : index
        %swap3A_466 = tpu.vector_load %arg8[%swap3A_464, %swap3A_465] {strides = array<i32>} : memref<40x512xf32, #tpu.memory_space<vmem>>, vector<1x16xf32>,
        %swap3A_467 = vector.shape_cast %swap3A_466 : vector<1x16xf32> to vector<16xf32>
        %swap3A_468 = vector.shape_cast %mul3A_463 : vector<16xf32> to vector<1x16xf32>
        tpu.vector_store %arg8[%swap3A_464, %swap3A_465], %swap3A_468 {strides = array<i32>} : memref<40x512xf32, #tpu.memory_space<vmem>>, vector<1x16xf32>,
        %get3A_469 = arith.index_cast %scan3A_182 : i32 to index
        %get3A_470 = arith.constant 384 : index
        %get3A_471 = tpu.vector_load %arg8[%get3A_469, %get3A_470] {strides = array<i32>} : memref<40x512xf32, #tpu.memory_space<vmem>>, vector<1x16xf32>,
        %get3A_472 = vector.shape_cast %get3A_471 : vector<1x16xf32> to vector<16xf32>
        %mul3A_473 = arith.constant 22.6274166 : f32
        %mul3A_474 = vector.broadcast %mul3A_473 : f32 to vector<16xf32>
        %mul3A_475 = arith.mulf %get3A_472, %mul3A_474 : vector<16xf32>
        %swap3A_476 = arith.index_cast %scan3A_182 : i32 to index
        %swap3A_477 = arith.constant 384 : index
        %swap3A_478 = tpu.vector_load %arg8[%swap3A_476, %swap3A_477] {strides = array<i32>} : memref<40x512xf32, #tpu.memory_space<vmem>>, vector<1x16xf32>,
        %swap3A_479 = vector.shape_cast %swap3A_478 : vector<1x16xf32> to vector<16xf32>
        %swap3A_480 = vector.shape_cast %mul3A_475 : vector<16xf32> to vector<1x16xf32>
        tpu.vector_store %arg8[%swap3A_476, %swap3A_477], %swap3A_480 {strides = array<i32>} : memref<40x512xf32, #tpu.memory_space<vmem>>, vector<1x16xf32>,
        %get3A_481 = arith.index_cast %scan3A_182 : i32 to index
        %get3A_482 = arith.constant 400 : index
        %get3A_483 = tpu.vector_load %arg8[%get3A_481, %get3A_482] {strides = array<i32>} : memref<40x512xf32, #tpu.memory_space<vmem>>, vector<1x16xf32>,
        %get3A_484 = vector.shape_cast %get3A_483 : vector<1x16xf32> to vector<16xf32>
        %mul3A_485 = arith.constant 22.6274166 : f32
        %mul3A_486 = vector.broadcast %mul3A_485 : f32 to vector<16xf32>
        %mul3A_487 = arith.mulf %get3A_484, %mul3A_486 : vector<16xf32>
        %swap3A_488 = arith.index_cast %scan3A_182 : i32 to index
        %swap3A_489 = arith.constant 400 : index
        %swap3A_490 = tpu.vector_load %arg8[%swap3A_488, %swap3A_489] {strides = array<i32>} : memref<40x512xf32, #tpu.memory_space<vmem>>, vector<1x16xf32>,
        %swap3A_491 = vector.shape_cast %swap3A_490 : vector<1x16xf32> to vector<16xf32>
        %swap3A_492 = vector.shape_cast %mul3A_487 : vector<16xf32> to vector<1x16xf32>
        tpu.vector_store %arg8[%swap3A_488, %swap3A_489], %swap3A_492 {strides = array<i32>} : memref<40x512xf32, #tpu.memory_space<vmem>>, vector<1x16xf32>,
        %get3A_493 = arith.index_cast %scan3A_182 : i32 to index
        %get3A_494 = arith.constant 416 : index
        %get3A_495 = tpu.vector_load %arg8[%get3A_493, %get3A_494] {strides = array<i32>} : memref<40x512xf32, #tpu.memory_space<vmem>>, vector<1x16xf32>,
        %get3A_496 = vector.shape_cast %get3A_495 : vector<1x16xf32> to vector<16xf32>
        %mul3A_497 = arith.constant 22.6274166 : f32
        %mul3A_498 = vector.broadcast %mul3A_497 : f32 to vector<16xf32>
        %mul3A_499 = arith.mulf %get3A_496, %mul3A_498 : vector<16xf32>
        %swap3A_500 = arith.index_cast %scan3A_182 : i32 to index
        %swap3A_501 = arith.constant 416 : index
        %swap3A_502 = tpu.vector_load %arg8[%swap3A_500, %swap3A_501] {strides = array<i32>} : memref<40x512xf32, #tpu.memory_space<vmem>>, vector<1x16xf32>,
        %swap3A_503 = vector.shape_cast %swap3A_502 : vector<1x16xf32> to vector<16xf32>
        %swap3A_504 = vector.shape_cast %mul3A_499 : vector<16xf32> to vector<1x16xf32>
        tpu.vector_store %arg8[%swap3A_500, %swap3A_501], %swap3A_504 {strides = array<i32>} : memref<40x512xf32, #tpu.memory_space<vmem>>, vector<1x16xf32>,
        %get3A_505 = arith.index_cast %scan3A_182 : i32 to index
        %get3A_506 = arith.constant 432 : index
        %get3A_507 = tpu.vector_load %arg8[%get3A_505, %get3A_506] {strides = array<i32>} : memref<40x512xf32, #tpu.memory_space<vmem>>, vector<1x16xf32>,
        %get3A_508 = vector.shape_cast %get3A_507 : vector<1x16xf32> to vector<16xf32>
        %mul3A_509 = arith.constant 22.6274166 : f32
        %mul3A_510 = vector.broadcast %mul3A_509 : f32 to vector<16xf32>
        %mul3A_511 = arith.mulf %get3A_508, %mul3A_510 : vector<16xf32>
        %swap3A_512 = arith.index_cast %scan3A_182 : i32 to index
        %swap3A_513 = arith.constant 432 : index
        %swap3A_514 = tpu.vector_load %arg8[%swap3A_512, %swap3A_513] {strides = array<i32>} : memref<40x512xf32, #tpu.memory_space<vmem>>, vector<1x16xf32>,
        %swap3A_515 = vector.shape_cast %swap3A_514 : vector<1x16xf32> to vector<16xf32>
        %swap3A_516 = vector.shape_cast %mul3A_511 : vector<16xf32> to vector<1x16xf32>
        tpu.vector_store %arg8[%swap3A_512, %swap3A_513], %swap3A_516 {strides = array<i32>} : memref<40x512xf32, #tpu.memory_space<vmem>>, vector<1x16xf32>,
        %get3A_517 = arith.index_cast %scan3A_182 : i32 to index
        %get3A_518 = arith.constant 448 : index
        %get3A_519 = tpu.vector_load %arg8[%get3A_517, %get3A_518] {strides = array<i32>} : memref<40x512xf32, #tpu.memory_space<vmem>>, vector<1x16xf32>,
        %get3A_520 = vector.shape_cast %get3A_519 : vector<1x16xf32> to vector<16xf32>
        %mul3A_521 = arith.constant 22.6274166 : f32
        %mul3A_522 = vector.broadcast %mul3A_521 : f32 to vector<16xf32>
        %mul3A_523 = arith.mulf %get3A_520, %mul3A_522 : vector<16xf32>
        %swap3A_524 = arith.index_cast %scan3A_182 : i32 to index
        %swap3A_525 = arith.constant 448 : index
        %swap3A_526 = tpu.vector_load %arg8[%swap3A_524, %swap3A_525] {strides = array<i32>} : memref<40x512xf32, #tpu.memory_space<vmem>>, vector<1x16xf32>,
        %swap3A_527 = vector.shape_cast %swap3A_526 : vector<1x16xf32> to vector<16xf32>
        %swap3A_528 = vector.shape_cast %mul3A_523 : vector<16xf32> to vector<1x16xf32>
        tpu.vector_store %arg8[%swap3A_524, %swap3A_525], %swap3A_528 {strides = array<i32>} : memref<40x512xf32, #tpu.memory_space<vmem>>, vector<1x16xf32>,
        %get3A_529 = arith.index_cast %scan3A_182 : i32 to index
        %get3A_530 = arith.constant 464 : index
        %get3A_531 = tpu.vector_load %arg8[%get3A_529, %get3A_530] {strides = array<i32>} : memref<40x512xf32, #tpu.memory_space<vmem>>, vector<1x16xf32>,
        %get3A_532 = vector.shape_cast %get3A_531 : vector<1x16xf32> to vector<16xf32>
        %mul3A_533 = arith.constant 22.6274166 : f32
        %mul3A_534 = vector.broadcast %mul3A_533 : f32 to vector<16xf32>
        %mul3A_535 = arith.mulf %get3A_532, %mul3A_534 : vector<16xf32>
        %swap3A_536 = arith.index_cast %scan3A_182 : i32 to index
        %swap3A_537 = arith.constant 464 : index
        %swap3A_538 = tpu.vector_load %arg8[%swap3A_536, %swap3A_537] {strides = array<i32>} : memref<40x512xf32, #tpu.memory_space<vmem>>, vector<1x16xf32>,
        %swap3A_539 = vector.shape_cast %swap3A_538 : vector<1x16xf32> to vector<16xf32>
        %swap3A_540 = vector.shape_cast %mul3A_535 : vector<16xf32> to vector<1x16xf32>
        tpu.vector_store %arg8[%swap3A_536, %swap3A_537], %swap3A_540 {strides = array<i32>} : memref<40x512xf32, #tpu.memory_space<vmem>>, vector<1x16xf32>,
        %get3A_541 = arith.index_cast %scan3A_182 : i32 to index
        %get3A_542 = arith.constant 480 : index
        %get3A_543 = tpu.vector_load %arg8[%get3A_541, %get3A_542] {strides = array<i32>} : memref<40x512xf32, #tpu.memory_space<vmem>>, vector<1x16xf32>,
        %get3A_544 = vector.shape_cast %get3A_543 : vector<1x16xf32> to vector<16xf32>
        %mul3A_545 = arith.constant 22.6274166 : f32
        %mul3A_546 = vector.broadcast %mul3A_545 : f32 to vector<16xf32>
        %mul3A_547 = arith.mulf %get3A_544, %mul3A_546 : vector<16xf32>
        %swap3A_548 = arith.index_cast %scan3A_182 : i32 to index
        %swap3A_549 = arith.constant 480 : index
        %swap3A_550 = tpu.vector_load %arg8[%swap3A_548, %swap3A_549] {strides = array<i32>} : memref<40x512xf32, #tpu.memory_space<vmem>>, vector<1x16xf32>,
        %swap3A_551 = vector.shape_cast %swap3A_550 : vector<1x16xf32> to vector<16xf32>
        %swap3A_552 = vector.shape_cast %mul3A_547 : vector<16xf32> to vector<1x16xf32>
        tpu.vector_store %arg8[%swap3A_548, %swap3A_549], %swap3A_552 {strides = array<i32>} : memref<40x512xf32, #tpu.memory_space<vmem>>, vector<1x16xf32>,
        %get3A_553 = arith.index_cast %scan3A_182 : i32 to index
        %get3A_554 = arith.constant 496 : index
        %get3A_555 = tpu.vector_load %arg8[%get3A_553, %get3A_554] {strides = array<i32>} : memref<40x512xf32, #tpu.memory_space<vmem>>, vector<1x16xf32>,
        %get3A_556 = vector.shape_cast %get3A_555 : vector<1x16xf32> to vector<16xf32>
        %mul3A_557 = arith.constant 22.6274166 : f32
        %mul3A_558 = vector.broadcast %mul3A_557 : f32 to vector<16xf32>
        %mul3A_559 = arith.mulf %get3A_556, %mul3A_558 : vector<16xf32>
        %swap3A_560 = arith.index_cast %scan3A_182 : i32 to index
        %swap3A_561 = arith.constant 496 : index
        %swap3A_562 = tpu.vector_load %arg8[%swap3A_560, %swap3A_561] {strides = array<i32>} : memref<40x512xf32, #tpu.memory_space<vmem>>, vector<1x16xf32>,
        %swap3A_563 = vector.shape_cast %swap3A_562 : vector<1x16xf32> to vector<16xf32>
        %swap3A_564 = vector.shape_cast %mul3A_559 : vector<16xf32> to vector<1x16xf32>
        tpu.vector_store %arg8[%swap3A_560, %swap3A_561], %swap3A_564 {strides = array<i32>} : memref<40x512xf32, #tpu.memory_space<vmem>>, vector<1x16xf32>,
      }
      %scan3A_131 = arith.constant 40 : i32
      %mul3A_132 = arith.constant 40 : i32
      %mul3A_133 = arith.muli %add3A_119, %mul3A_132 : i32
      %multiple_of3A_134 = tpu.assume_multiple %mul3A_133, 40 : i32
      %add3A_135 = arith.addi %multiple_of3A, %multiple_of3A_134 : i32
      %dma_start3A_136 = arith.constant 0 : i32
      %dma_start3A_137 = tpu.memref_slice %arg4[%add3A_135, %dma_start3A_136] : memref<204800x512xf32, #tpu.memory_space<hbm>> -> memref<40x512xf32, #tpu.memory_space<hbm>>
      %dma_start3A_138 = arith.constant 0 : i32
      %dma_start3A_139 = tpu.memref_slice %arg4[%add3A_135, %dma_start3A_138] : memref<204800x512xf32, #tpu.memory_space<hbm>> -> memref<40x512xf32, #tpu.memory_space<hbm>>
      tpu.enqueue_dma source(%arg8 : memref<40x512xf32, #tpu.memory_space<vmem>>) target(%dma_start3A_139 : memref<40x512xf32, #tpu.memory_space<hbm>>) target_semaphore(%arg16 : memref<!tpu.dma_semaphore, #tpu.memory_space<semaphore_mem>>)
      %add3A_140 = arith.constant 4 : i32
      %add3A_141 = arith.addi %add3A_119, %add3A_140 : i32
      %sub3A_142 = arith.constant 1 : i32
      %sub3A_143 = arith.subi %add3A_141, %sub3A_142 : i32
      %lt3A_144 = arith.constant 160 : i32
      %lt3A_145 = arith.cmpi slt, %sub3A_143, %lt3A_144 : i32
      %convert_element_type3A_146 = arith.extui %lt3A_145 : i1 to i32
      %cond3A_147 = arith.constant 0 : i32
      %cond3A_148 = arith.cmpi ne, %convert_element_type3A_146, %cond3A_147 : i32
      scf.if %cond3A_148 {
        %dma_wait3A_182 = arith.constant 0 : i32
        %dma_wait3A_183 = arith.constant 0 : i32
        %dma_wait3A_184 = tpu.memref_slice %arg4[%dma_wait3A_182, %dma_wait3A_183] : memref<204800x512xf32, #tpu.memory_space<hbm>> -> memref<40x512xf32, #tpu.memory_space<hbm>>
        %dma_wait3A_185 = arith.constant 0 : i32
        %dma_wait3A_186 = arith.constant 0 : i32
        %dma_wait3A_187 = tpu.memref_slice %arg4[%dma_wait3A_185, %dma_wait3A_186] : memref<204800x512xf32, #tpu.memory_space<hbm>> -> memref<40x512xf32, #tpu.memory_space<hbm>>
        tpu.wait_dma2 semaphore(%arg15 : memref<!tpu.dma_semaphore, #tpu.memory_space<semaphore_mem>>) src(%arg7 : memref<40x512xf32, #tpu.memory_space<vmem>>) dst(%dma_wait3A_187 : memref<40x512xf32, #tpu.memory_space<hbm>>)
        %add3A_188 = arith.constant 4 : i32
        %add3A_189 = arith.addi %add3A_119, %add3A_188 : i32
        %sub3A_190 = arith.constant 1 : i32
        %sub3A_191 = arith.subi %add3A_189, %sub3A_190 : i32
        %mul3A_192 = arith.constant 40 : i32
        %mul3A_193 = arith.muli %sub3A_191, %mul3A_192 : i32
        %multiple_of3A_194 = tpu.assume_multiple %mul3A_193, 40 : i32
        %dma_start3A_195 = tpu.memref_slice %arg5[%multiple_of3A_194] : memref<6400xi32, #tpu.memory_space<vmem>> -> memref<40xi32, #tpu.memory_space<vmem>>
        %dma_start3A_196 = arith.constant 0 : i32
        %dma_start3A_197 = arith.constant 0 : i32
        %dma_start3A_198 = tpu.memref_slice %arg3[%dma_start3A_196, %dma_start3A_197] : memref<100000x512xf32, #tpu.memory_space<hbm>> -> memref<100000x512xf32, #tpu.memory_space<hbm>>
        tpu.enqueue_indirect_dma source(%dma_start3A_198 : memref<100000x512xf32, #tpu.memory_space<hbm>>) target(%arg7 : memref<40x512xf32, #tpu.memory_space<vmem>>) offsets(%dma_start3A_195 : memref<40xi32, #tpu.memory_space<vmem>>) semaphore(%arg11 : memref<!tpu.dma_semaphore, #tpu.memory_space<semaphore_mem>>)
      } else {
      }
      %mul3A_149 = arith.constant 4 : i32
      %mul3A_150 = arith.muli %scan3A_48, %mul3A_149 : i32
      %add3A_151 = arith.constant 3 : i32
      %add3A_152 = arith.addi %mul3A_150, %add3A_151 : i32
      %dma_wait3A_153 = arith.constant 0 : i32
      %dma_wait3A_154 = arith.constant 0 : i32
      %dma_wait3A_155 = tpu.memref_slice %arg4[%dma_wait3A_153, %dma_wait3A_154] : memref<204800x512xf32, #tpu.memory_space<hbm>> -> memref<40x512xf32, #tpu.memory_space<hbm>>
      %dma_wait3A_156 = arith.constant 0 : i32
      %dma_wait3A_157 = arith.constant 0 : i32
      %dma_wait3A_158 = tpu.memref_slice %arg4[%dma_wait3A_156, %dma_wait3A_157] : memref<204800x512xf32, #tpu.memory_space<hbm>> -> memref<40x512xf32, #tpu.memory_space<hbm>>
      tpu.wait_dma2 semaphore(%arg13 : memref<!tpu.dma_semaphore, #tpu.memory_space<semaphore_mem>>) src(%dma_wait3A_158 : memref<40x512xf32, #tpu.memory_space<hbm>>) dst(%arg9 : memref<40x512xf32, #tpu.memory_space<vmem>>)
      %scan3A_159 = arith.constant 0 : i32
      %scan3A_160 = arith.constant 0 : i32
      %scan3A_161 = arith.constant 40 : i32
      %scan3A_162 = arith.addi %scan3A_160, %scan3A_161 : i32
      %scan3A_163 = arith.constant 1 : i32
      scf.for %scan3A_182 = %scan3A_160 to %scan3A_162 step %scan3A_163  : i32 {
        %get3A = arith.index_cast %scan3A_182 : i32 to index
        %get3A_183 = arith.constant 0 : index
        %get3A_184 = tpu.vector_load %arg9[%get3A, %get3A_183] {strides = array<i32>} : memref<40x512xf32, #tpu.memory_space<vmem>>, vector<1x16xf32>,
        %get3A_185 = vector.shape_cast %get3A_184 : vector<1x16xf32> to vector<16xf32>
        %mul3A_186 = arith.constant 22.6274166 : f32
        %mul3A_187 = vector.broadcast %mul3A_186 : f32 to vector<16xf32>
        %mul3A_188 = arith.mulf %get3A_185, %mul3A_187 : vector<16xf32>
        %swap3A = arith.index_cast %scan3A_182 : i32 to index
        %swap3A_189 = arith.constant 0 : index
        %swap3A_190 = tpu.vector_load %arg9[%swap3A, %swap3A_189] {strides = array<i32>} : memref<40x512xf32, #tpu.memory_space<vmem>>, vector<1x16xf32>,
        %swap3A_191 = vector.shape_cast %swap3A_190 : vector<1x16xf32> to vector<16xf32>
        %swap3A_192 = vector.shape_cast %mul3A_188 : vector<16xf32> to vector<1x16xf32>
        tpu.vector_store %arg9[%swap3A, %swap3A_189], %swap3A_192 {strides = array<i32>} : memref<40x512xf32, #tpu.memory_space<vmem>>, vector<1x16xf32>,
        %get3A_193 = arith.index_cast %scan3A_182 : i32 to index
        %get3A_194 = arith.constant 16 : index
        %get3A_195 = tpu.vector_load %arg9[%get3A_193, %get3A_194] {strides = array<i32>} : memref<40x512xf32, #tpu.memory_space<vmem>>, vector<1x16xf32>,
        %get3A_196 = vector.shape_cast %get3A_195 : vector<1x16xf32> to vector<16xf32>
        %mul3A_197 = arith.constant 22.6274166 : f32
        %mul3A_198 = vector.broadcast %mul3A_197 : f32 to vector<16xf32>
        %mul3A_199 = arith.mulf %get3A_196, %mul3A_198 : vector<16xf32>
        %swap3A_200 = arith.index_cast %scan3A_182 : i32 to index
        %swap3A_201 = arith.constant 16 : index
        %swap3A_202 = tpu.vector_load %arg9[%swap3A_200, %swap3A_201] {strides = array<i32>} : memref<40x512xf32, #tpu.memory_space<vmem>>, vector<1x16xf32>,
        %swap3A_203 = vector.shape_cast %swap3A_202 : vector<1x16xf32> to vector<16xf32>
        %swap3A_204 = vector.shape_cast %mul3A_199 : vector<16xf32> to vector<1x16xf32>
        tpu.vector_store %arg9[%swap3A_200, %swap3A_201], %swap3A_204 {strides = array<i32>} : memref<40x512xf32, #tpu.memory_space<vmem>>, vector<1x16xf32>,
        %get3A_205 = arith.index_cast %scan3A_182 : i32 to index
        %get3A_206 = arith.constant 32 : index
        %get3A_207 = tpu.vector_load %arg9[%get3A_205, %get3A_206] {strides = array<i32>} : memref<40x512xf32, #tpu.memory_space<vmem>>, vector<1x16xf32>,
        %get3A_208 = vector.shape_cast %get3A_207 : vector<1x16xf32> to vector<16xf32>
        %mul3A_209 = arith.constant 22.6274166 : f32
        %mul3A_210 = vector.broadcast %mul3A_209 : f32 to vector<16xf32>
        %mul3A_211 = arith.mulf %get3A_208, %mul3A_210 : vector<16xf32>
        %swap3A_212 = arith.index_cast %scan3A_182 : i32 to index
        %swap3A_213 = arith.constant 32 : index
        %swap3A_214 = tpu.vector_load %arg9[%swap3A_212, %swap3A_213] {strides = array<i32>} : memref<40x512xf32, #tpu.memory_space<vmem>>, vector<1x16xf32>,
        %swap3A_215 = vector.shape_cast %swap3A_214 : vector<1x16xf32> to vector<16xf32>
        %swap3A_216 = vector.shape_cast %mul3A_211 : vector<16xf32> to vector<1x16xf32>
        tpu.vector_store %arg9[%swap3A_212, %swap3A_213], %swap3A_216 {strides = array<i32>} : memref<40x512xf32, #tpu.memory_space<vmem>>, vector<1x16xf32>,
        %get3A_217 = arith.index_cast %scan3A_182 : i32 to index
        %get3A_218 = arith.constant 48 : index
        %get3A_219 = tpu.vector_load %arg9[%get3A_217, %get3A_218] {strides = array<i32>} : memref<40x512xf32, #tpu.memory_space<vmem>>, vector<1x16xf32>,
        %get3A_220 = vector.shape_cast %get3A_219 : vector<1x16xf32> to vector<16xf32>
        %mul3A_221 = arith.constant 22.6274166 : f32
        %mul3A_222 = vector.broadcast %mul3A_221 : f32 to vector<16xf32>
        %mul3A_223 = arith.mulf %get3A_220, %mul3A_222 : vector<16xf32>
        %swap3A_224 = arith.index_cast %scan3A_182 : i32 to index
        %swap3A_225 = arith.constant 48 : index
        %swap3A_226 = tpu.vector_load %arg9[%swap3A_224, %swap3A_225] {strides = array<i32>} : memref<40x512xf32, #tpu.memory_space<vmem>>, vector<1x16xf32>,
        %swap3A_227 = vector.shape_cast %swap3A_226 : vector<1x16xf32> to vector<16xf32>
        %swap3A_228 = vector.shape_cast %mul3A_223 : vector<16xf32> to vector<1x16xf32>
        tpu.vector_store %arg9[%swap3A_224, %swap3A_225], %swap3A_228 {strides = array<i32>} : memref<40x512xf32, #tpu.memory_space<vmem>>, vector<1x16xf32>,
        %get3A_229 = arith.index_cast %scan3A_182 : i32 to index
        %get3A_230 = arith.constant 64 : index
        %get3A_231 = tpu.vector_load %arg9[%get3A_229, %get3A_230] {strides = array<i32>} : memref<40x512xf32, #tpu.memory_space<vmem>>, vector<1x16xf32>,
        %get3A_232 = vector.shape_cast %get3A_231 : vector<1x16xf32> to vector<16xf32>
        %mul3A_233 = arith.constant 22.6274166 : f32
        %mul3A_234 = vector.broadcast %mul3A_233 : f32 to vector<16xf32>
        %mul3A_235 = arith.mulf %get3A_232, %mul3A_234 : vector<16xf32>
        %swap3A_236 = arith.index_cast %scan3A_182 : i32 to index
        %swap3A_237 = arith.constant 64 : index
        %swap3A_238 = tpu.vector_load %arg9[%swap3A_236, %swap3A_237] {strides = array<i32>} : memref<40x512xf32, #tpu.memory_space<vmem>>, vector<1x16xf32>,
        %swap3A_239 = vector.shape_cast %swap3A_238 : vector<1x16xf32> to vector<16xf32>
        %swap3A_240 = vector.shape_cast %mul3A_235 : vector<16xf32> to vector<1x16xf32>
        tpu.vector_store %arg9[%swap3A_236, %swap3A_237], %swap3A_240 {strides = array<i32>} : memref<40x512xf32, #tpu.memory_space<vmem>>, vector<1x16xf32>,
        %get3A_241 = arith.index_cast %scan3A_182 : i32 to index
        %get3A_242 = arith.constant 80 : index
        %get3A_243 = tpu.vector_load %arg9[%get3A_241, %get3A_242] {strides = array<i32>} : memref<40x512xf32, #tpu.memory_space<vmem>>, vector<1x16xf32>,
        %get3A_244 = vector.shape_cast %get3A_243 : vector<1x16xf32> to vector<16xf32>
        %mul3A_245 = arith.constant 22.6274166 : f32
        %mul3A_246 = vector.broadcast %mul3A_245 : f32 to vector<16xf32>
        %mul3A_247 = arith.mulf %get3A_244, %mul3A_246 : vector<16xf32>
        %swap3A_248 = arith.index_cast %scan3A_182 : i32 to index
        %swap3A_249 = arith.constant 80 : index
        %swap3A_250 = tpu.vector_load %arg9[%swap3A_248, %swap3A_249] {strides = array<i32>} : memref<40x512xf32, #tpu.memory_space<vmem>>, vector<1x16xf32>,
        %swap3A_251 = vector.shape_cast %swap3A_250 : vector<1x16xf32> to vector<16xf32>
        %swap3A_252 = vector.shape_cast %mul3A_247 : vector<16xf32> to vector<1x16xf32>
        tpu.vector_store %arg9[%swap3A_248, %swap3A_249], %swap3A_252 {strides = array<i32>} : memref<40x512xf32, #tpu.memory_space<vmem>>, vector<1x16xf32>,
        %get3A_253 = arith.index_cast %scan3A_182 : i32 to index
        %get3A_254 = arith.constant 96 : index
        %get3A_255 = tpu.vector_load %arg9[%get3A_253, %get3A_254] {strides = array<i32>} : memref<40x512xf32, #tpu.memory_space<vmem>>, vector<1x16xf32>,
        %get3A_256 = vector.shape_cast %get3A_255 : vector<1x16xf32> to vector<16xf32>
        %mul3A_257 = arith.constant 22.6274166 : f32
        %mul3A_258 = vector.broadcast %mul3A_257 : f32 to vector<16xf32>
        %mul3A_259 = arith.mulf %get3A_256, %mul3A_258 : vector<16xf32>
        %swap3A_260 = arith.index_cast %scan3A_182 : i32 to index
        %swap3A_261 = arith.constant 96 : index
        %swap3A_262 = tpu.vector_load %arg9[%swap3A_260, %swap3A_261] {strides = array<i32>} : memref<40x512xf32, #tpu.memory_space<vmem>>, vector<1x16xf32>,
        %swap3A_263 = vector.shape_cast %swap3A_262 : vector<1x16xf32> to vector<16xf32>
        %swap3A_264 = vector.shape_cast %mul3A_259 : vector<16xf32> to vector<1x16xf32>
        tpu.vector_store %arg9[%swap3A_260, %swap3A_261], %swap3A_264 {strides = array<i32>} : memref<40x512xf32, #tpu.memory_space<vmem>>, vector<1x16xf32>,
        %get3A_265 = arith.index_cast %scan3A_182 : i32 to index
        %get3A_266 = arith.constant 112 : index
        %get3A_267 = tpu.vector_load %arg9[%get3A_265, %get3A_266] {strides = array<i32>} : memref<40x512xf32, #tpu.memory_space<vmem>>, vector<1x16xf32>,
        %get3A_268 = vector.shape_cast %get3A_267 : vector<1x16xf32> to vector<16xf32>
        %mul3A_269 = arith.constant 22.6274166 : f32
        %mul3A_270 = vector.broadcast %mul3A_269 : f32 to vector<16xf32>
        %mul3A_271 = arith.mulf %get3A_268, %mul3A_270 : vector<16xf32>
        %swap3A_272 = arith.index_cast %scan3A_182 : i32 to index
        %swap3A_273 = arith.constant 112 : index
        %swap3A_274 = tpu.vector_load %arg9[%swap3A_272, %swap3A_273] {strides = array<i32>} : memref<40x512xf32, #tpu.memory_space<vmem>>, vector<1x16xf32>,
        %swap3A_275 = vector.shape_cast %swap3A_274 : vector<1x16xf32> to vector<16xf32>
        %swap3A_276 = vector.shape_cast %mul3A_271 : vector<16xf32> to vector<1x16xf32>
        tpu.vector_store %arg9[%swap3A_272, %swap3A_273], %swap3A_276 {strides = array<i32>} : memref<40x512xf32, #tpu.memory_space<vmem>>, vector<1x16xf32>,
        %get3A_277 = arith.index_cast %scan3A_182 : i32 to index
        %get3A_278 = arith.constant 128 : index
        %get3A_279 = tpu.vector_load %arg9[%get3A_277, %get3A_278] {strides = array<i32>} : memref<40x512xf32, #tpu.memory_space<vmem>>, vector<1x16xf32>,
        %get3A_280 = vector.shape_cast %get3A_279 : vector<1x16xf32> to vector<16xf32>
        %mul3A_281 = arith.constant 22.6274166 : f32
        %mul3A_282 = vector.broadcast %mul3A_281 : f32 to vector<16xf32>
        %mul3A_283 = arith.mulf %get3A_280, %mul3A_282 : vector<16xf32>
        %swap3A_284 = arith.index_cast %scan3A_182 : i32 to index
        %swap3A_285 = arith.constant 128 : index
        %swap3A_286 = tpu.vector_load %arg9[%swap3A_284, %swap3A_285] {strides = array<i32>} : memref<40x512xf32, #tpu.memory_space<vmem>>, vector<1x16xf32>,
        %swap3A_287 = vector.shape_cast %swap3A_286 : vector<1x16xf32> to vector<16xf32>
        %swap3A_288 = vector.shape_cast %mul3A_283 : vector<16xf32> to vector<1x16xf32>
        tpu.vector_store %arg9[%swap3A_284, %swap3A_285], %swap3A_288 {strides = array<i32>} : memref<40x512xf32, #tpu.memory_space<vmem>>, vector<1x16xf32>,
        %get3A_289 = arith.index_cast %scan3A_182 : i32 to index
        %get3A_290 = arith.constant 144 : index
        %get3A_291 = tpu.vector_load %arg9[%get3A_289, %get3A_290] {strides = array<i32>} : memref<40x512xf32, #tpu.memory_space<vmem>>, vector<1x16xf32>,
        %get3A_292 = vector.shape_cast %get3A_291 : vector<1x16xf32> to vector<16xf32>
        %mul3A_293 = arith.constant 22.6274166 : f32
        %mul3A_294 = vector.broadcast %mul3A_293 : f32 to vector<16xf32>
        %mul3A_295 = arith.mulf %get3A_292, %mul3A_294 : vector<16xf32>
        %swap3A_296 = arith.index_cast %scan3A_182 : i32 to index
        %swap3A_297 = arith.constant 144 : index
        %swap3A_298 = tpu.vector_load %arg9[%swap3A_296, %swap3A_297] {strides = array<i32>} : memref<40x512xf32, #tpu.memory_space<vmem>>, vector<1x16xf32>,
        %swap3A_299 = vector.shape_cast %swap3A_298 : vector<1x16xf32> to vector<16xf32>
        %swap3A_300 = vector.shape_cast %mul3A_295 : vector<16xf32> to vector<1x16xf32>
        tpu.vector_store %arg9[%swap3A_296, %swap3A_297], %swap3A_300 {strides = array<i32>} : memref<40x512xf32, #tpu.memory_space<vmem>>, vector<1x16xf32>,
        %get3A_301 = arith.index_cast %scan3A_182 : i32 to index
        %get3A_302 = arith.constant 160 : index
        %get3A_303 = tpu.vector_load %arg9[%get3A_301, %get3A_302] {strides = array<i32>} : memref<40x512xf32, #tpu.memory_space<vmem>>, vector<1x16xf32>,
        %get3A_304 = vector.shape_cast %get3A_303 : vector<1x16xf32> to vector<16xf32>
        %mul3A_305 = arith.constant 22.6274166 : f32
        %mul3A_306 = vector.broadcast %mul3A_305 : f32 to vector<16xf32>
        %mul3A_307 = arith.mulf %get3A_304, %mul3A_306 : vector<16xf32>
        %swap3A_308 = arith.index_cast %scan3A_182 : i32 to index
        %swap3A_309 = arith.constant 160 : index
        %swap3A_310 = tpu.vector_load %arg9[%swap3A_308, %swap3A_309] {strides = array<i32>} : memref<40x512xf32, #tpu.memory_space<vmem>>, vector<1x16xf32>,
        %swap3A_311 = vector.shape_cast %swap3A_310 : vector<1x16xf32> to vector<16xf32>
        %swap3A_312 = vector.shape_cast %mul3A_307 : vector<16xf32> to vector<1x16xf32>
        tpu.vector_store %arg9[%swap3A_308, %swap3A_309], %swap3A_312 {strides = array<i32>} : memref<40x512xf32, #tpu.memory_space<vmem>>, vector<1x16xf32>,
        %get3A_313 = arith.index_cast %scan3A_182 : i32 to index
        %get3A_314 = arith.constant 176 : index
        %get3A_315 = tpu.vector_load %arg9[%get3A_313, %get3A_314] {strides = array<i32>} : memref<40x512xf32, #tpu.memory_space<vmem>>, vector<1x16xf32>,
        %get3A_316 = vector.shape_cast %get3A_315 : vector<1x16xf32> to vector<16xf32>
        %mul3A_317 = arith.constant 22.6274166 : f32
        %mul3A_318 = vector.broadcast %mul3A_317 : f32 to vector<16xf32>
        %mul3A_319 = arith.mulf %get3A_316, %mul3A_318 : vector<16xf32>
        %swap3A_320 = arith.index_cast %scan3A_182 : i32 to index
        %swap3A_321 = arith.constant 176 : index
        %swap3A_322 = tpu.vector_load %arg9[%swap3A_320, %swap3A_321] {strides = array<i32>} : memref<40x512xf32, #tpu.memory_space<vmem>>, vector<1x16xf32>,
        %swap3A_323 = vector.shape_cast %swap3A_322 : vector<1x16xf32> to vector<16xf32>
        %swap3A_324 = vector.shape_cast %mul3A_319 : vector<16xf32> to vector<1x16xf32>
        tpu.vector_store %arg9[%swap3A_320, %swap3A_321], %swap3A_324 {strides = array<i32>} : memref<40x512xf32, #tpu.memory_space<vmem>>, vector<1x16xf32>,
        %get3A_325 = arith.index_cast %scan3A_182 : i32 to index
        %get3A_326 = arith.constant 192 : index
        %get3A_327 = tpu.vector_load %arg9[%get3A_325, %get3A_326] {strides = array<i32>} : memref<40x512xf32, #tpu.memory_space<vmem>>, vector<1x16xf32>,
        %get3A_328 = vector.shape_cast %get3A_327 : vector<1x16xf32> to vector<16xf32>
        %mul3A_329 = arith.constant 22.6274166 : f32
        %mul3A_330 = vector.broadcast %mul3A_329 : f32 to vector<16xf32>
        %mul3A_331 = arith.mulf %get3A_328, %mul3A_330 : vector<16xf32>
        %swap3A_332 = arith.index_cast %scan3A_182 : i32 to index
        %swap3A_333 = arith.constant 192 : index
        %swap3A_334 = tpu.vector_load %arg9[%swap3A_332, %swap3A_333] {strides = array<i32>} : memref<40x512xf32, #tpu.memory_space<vmem>>, vector<1x16xf32>,
        %swap3A_335 = vector.shape_cast %swap3A_334 : vector<1x16xf32> to vector<16xf32>
        %swap3A_336 = vector.shape_cast %mul3A_331 : vector<16xf32> to vector<1x16xf32>
        tpu.vector_store %arg9[%swap3A_332, %swap3A_333], %swap3A_336 {strides = array<i32>} : memref<40x512xf32, #tpu.memory_space<vmem>>, vector<1x16xf32>,
        %get3A_337 = arith.index_cast %scan3A_182 : i32 to index
        %get3A_338 = arith.constant 208 : index
        %get3A_339 = tpu.vector_load %arg9[%get3A_337, %get3A_338] {strides = array<i32>} : memref<40x512xf32, #tpu.memory_space<vmem>>, vector<1x16xf32>,
        %get3A_340 = vector.shape_cast %get3A_339 : vector<1x16xf32> to vector<16xf32>
        %mul3A_341 = arith.constant 22.6274166 : f32
        %mul3A_342 = vector.broadcast %mul3A_341 : f32 to vector<16xf32>
        %mul3A_343 = arith.mulf %get3A_340, %mul3A_342 : vector<16xf32>
        %swap3A_344 = arith.index_cast %scan3A_182 : i32 to index
        %swap3A_345 = arith.constant 208 : index
        %swap3A_346 = tpu.vector_load %arg9[%swap3A_344, %swap3A_345] {strides = array<i32>} : memref<40x512xf32, #tpu.memory_space<vmem>>, vector<1x16xf32>,
        %swap3A_347 = vector.shape_cast %swap3A_346 : vector<1x16xf32> to vector<16xf32>
        %swap3A_348 = vector.shape_cast %mul3A_343 : vector<16xf32> to vector<1x16xf32>
        tpu.vector_store %arg9[%swap3A_344, %swap3A_345], %swap3A_348 {strides = array<i32>} : memref<40x512xf32, #tpu.memory_space<vmem>>, vector<1x16xf32>,
        %get3A_349 = arith.index_cast %scan3A_182 : i32 to index
        %get3A_350 = arith.constant 224 : index
        %get3A_351 = tpu.vector_load %arg9[%get3A_349, %get3A_350] {strides = array<i32>} : memref<40x512xf32, #tpu.memory_space<vmem>>, vector<1x16xf32>,
        %get3A_352 = vector.shape_cast %get3A_351 : vector<1x16xf32> to vector<16xf32>
        %mul3A_353 = arith.constant 22.6274166 : f32
        %mul3A_354 = vector.broadcast %mul3A_353 : f32 to vector<16xf32>
        %mul3A_355 = arith.mulf %get3A_352, %mul3A_354 : vector<16xf32>
        %swap3A_356 = arith.index_cast %scan3A_182 : i32 to index
        %swap3A_357 = arith.constant 224 : index
        %swap3A_358 = tpu.vector_load %arg9[%swap3A_356, %swap3A_357] {strides = array<i32>} : memref<40x512xf32, #tpu.memory_space<vmem>>, vector<1x16xf32>,
        %swap3A_359 = vector.shape_cast %swap3A_358 : vector<1x16xf32> to vector<16xf32>
        %swap3A_360 = vector.shape_cast %mul3A_355 : vector<16xf32> to vector<1x16xf32>
        tpu.vector_store %arg9[%swap3A_356, %swap3A_357], %swap3A_360 {strides = array<i32>} : memref<40x512xf32, #tpu.memory_space<vmem>>, vector<1x16xf32>,
        %get3A_361 = arith.index_cast %scan3A_182 : i32 to index
        %get3A_362 = arith.constant 240 : index
        %get3A_363 = tpu.vector_load %arg9[%get3A_361, %get3A_362] {strides = array<i32>} : memref<40x512xf32, #tpu.memory_space<vmem>>, vector<1x16xf32>,
        %get3A_364 = vector.shape_cast %get3A_363 : vector<1x16xf32> to vector<16xf32>
        %mul3A_365 = arith.constant 22.6274166 : f32
        %mul3A_366 = vector.broadcast %mul3A_365 : f32 to vector<16xf32>
        %mul3A_367 = arith.mulf %get3A_364, %mul3A_366 : vector<16xf32>
        %swap3A_368 = arith.index_cast %scan3A_182 : i32 to index
        %swap3A_369 = arith.constant 240 : index
        %swap3A_370 = tpu.vector_load %arg9[%swap3A_368, %swap3A_369] {strides = array<i32>} : memref<40x512xf32, #tpu.memory_space<vmem>>, vector<1x16xf32>,
        %swap3A_371 = vector.shape_cast %swap3A_370 : vector<1x16xf32> to vector<16xf32>
        %swap3A_372 = vector.shape_cast %mul3A_367 : vector<16xf32> to vector<1x16xf32>
        tpu.vector_store %arg9[%swap3A_368, %swap3A_369], %swap3A_372 {strides = array<i32>} : memref<40x512xf32, #tpu.memory_space<vmem>>, vector<1x16xf32>,
        %get3A_373 = arith.index_cast %scan3A_182 : i32 to index
        %get3A_374 = arith.constant 256 : index
        %get3A_375 = tpu.vector_load %arg9[%get3A_373, %get3A_374] {strides = array<i32>} : memref<40x512xf32, #tpu.memory_space<vmem>>, vector<1x16xf32>,
        %get3A_376 = vector.shape_cast %get3A_375 : vector<1x16xf32> to vector<16xf32>
        %mul3A_377 = arith.constant 22.6274166 : f32
        %mul3A_378 = vector.broadcast %mul3A_377 : f32 to vector<16xf32>
        %mul3A_379 = arith.mulf %get3A_376, %mul3A_378 : vector<16xf32>
        %swap3A_380 = arith.index_cast %scan3A_182 : i32 to index
        %swap3A_381 = arith.constant 256 : index
        %swap3A_382 = tpu.vector_load %arg9[%swap3A_380, %swap3A_381] {strides = array<i32>} : memref<40x512xf32, #tpu.memory_space<vmem>>, vector<1x16xf32>,
        %swap3A_383 = vector.shape_cast %swap3A_382 : vector<1x16xf32> to vector<16xf32>
        %swap3A_384 = vector.shape_cast %mul3A_379 : vector<16xf32> to vector<1x16xf32>
        tpu.vector_store %arg9[%swap3A_380, %swap3A_381], %swap3A_384 {strides = array<i32>} : memref<40x512xf32, #tpu.memory_space<vmem>>, vector<1x16xf32>,
        %get3A_385 = arith.index_cast %scan3A_182 : i32 to index
        %get3A_386 = arith.constant 272 : index
        %get3A_387 = tpu.vector_load %arg9[%get3A_385, %get3A_386] {strides = array<i32>} : memref<40x512xf32, #tpu.memory_space<vmem>>, vector<1x16xf32>,
        %get3A_388 = vector.shape_cast %get3A_387 : vector<1x16xf32> to vector<16xf32>
        %mul3A_389 = arith.constant 22.6274166 : f32
        %mul3A_390 = vector.broadcast %mul3A_389 : f32 to vector<16xf32>
        %mul3A_391 = arith.mulf %get3A_388, %mul3A_390 : vector<16xf32>
        %swap3A_392 = arith.index_cast %scan3A_182 : i32 to index
        %swap3A_393 = arith.constant 272 : index
        %swap3A_394 = tpu.vector_load %arg9[%swap3A_392, %swap3A_393] {strides = array<i32>} : memref<40x512xf32, #tpu.memory_space<vmem>>, vector<1x16xf32>,
        %swap3A_395 = vector.shape_cast %swap3A_394 : vector<1x16xf32> to vector<16xf32>
        %swap3A_396 = vector.shape_cast %mul3A_391 : vector<16xf32> to vector<1x16xf32>
        tpu.vector_store %arg9[%swap3A_392, %swap3A_393], %swap3A_396 {strides = array<i32>} : memref<40x512xf32, #tpu.memory_space<vmem>>, vector<1x16xf32>,
        %get3A_397 = arith.index_cast %scan3A_182 : i32 to index
        %get3A_398 = arith.constant 288 : index
        %get3A_399 = tpu.vector_load %arg9[%get3A_397, %get3A_398] {strides = array<i32>} : memref<40x512xf32, #tpu.memory_space<vmem>>, vector<1x16xf32>,
        %get3A_400 = vector.shape_cast %get3A_399 : vector<1x16xf32> to vector<16xf32>
        %mul3A_401 = arith.constant 22.6274166 : f32
        %mul3A_402 = vector.broadcast %mul3A_401 : f32 to vector<16xf32>
        %mul3A_403 = arith.mulf %get3A_400, %mul3A_402 : vector<16xf32>
        %swap3A_404 = arith.index_cast %scan3A_182 : i32 to index
        %swap3A_405 = arith.constant 288 : index
        %swap3A_406 = tpu.vector_load %arg9[%swap3A_404, %swap3A_405] {strides = array<i32>} : memref<40x512xf32, #tpu.memory_space<vmem>>, vector<1x16xf32>,
        %swap3A_407 = vector.shape_cast %swap3A_406 : vector<1x16xf32> to vector<16xf32>
        %swap3A_408 = vector.shape_cast %mul3A_403 : vector<16xf32> to vector<1x16xf32>
        tpu.vector_store %arg9[%swap3A_404, %swap3A_405], %swap3A_408 {strides = array<i32>} : memref<40x512xf32, #tpu.memory_space<vmem>>, vector<1x16xf32>,
        %get3A_409 = arith.index_cast %scan3A_182 : i32 to index
        %get3A_410 = arith.constant 304 : index
        %get3A_411 = tpu.vector_load %arg9[%get3A_409, %get3A_410] {strides = array<i32>} : memref<40x512xf32, #tpu.memory_space<vmem>>, vector<1x16xf32>,
        %get3A_412 = vector.shape_cast %get3A_411 : vector<1x16xf32> to vector<16xf32>
        %mul3A_413 = arith.constant 22.6274166 : f32
        %mul3A_414 = vector.broadcast %mul3A_413 : f32 to vector<16xf32>
        %mul3A_415 = arith.mulf %get3A_412, %mul3A_414 : vector<16xf32>
        %swap3A_416 = arith.index_cast %scan3A_182 : i32 to index
        %swap3A_417 = arith.constant 304 : index
        %swap3A_418 = tpu.vector_load %arg9[%swap3A_416, %swap3A_417] {strides = array<i32>} : memref<40x512xf32, #tpu.memory_space<vmem>>, vector<1x16xf32>,
        %swap3A_419 = vector.shape_cast %swap3A_418 : vector<1x16xf32> to vector<16xf32>
        %swap3A_420 = vector.shape_cast %mul3A_415 : vector<16xf32> to vector<1x16xf32>
        tpu.vector_store %arg9[%swap3A_416, %swap3A_417], %swap3A_420 {strides = array<i32>} : memref<40x512xf32, #tpu.memory_space<vmem>>, vector<1x16xf32>,
        %get3A_421 = arith.index_cast %scan3A_182 : i32 to index
        %get3A_422 = arith.constant 320 : index
        %get3A_423 = tpu.vector_load %arg9[%get3A_421, %get3A_422] {strides = array<i32>} : memref<40x512xf32, #tpu.memory_space<vmem>>, vector<1x16xf32>,
        %get3A_424 = vector.shape_cast %get3A_423 : vector<1x16xf32> to vector<16xf32>
        %mul3A_425 = arith.constant 22.6274166 : f32
        %mul3A_426 = vector.broadcast %mul3A_425 : f32 to vector<16xf32>
        %mul3A_427 = arith.mulf %get3A_424, %mul3A_426 : vector<16xf32>
        %swap3A_428 = arith.index_cast %scan3A_182 : i32 to index
        %swap3A_429 = arith.constant 320 : index
        %swap3A_430 = tpu.vector_load %arg9[%swap3A_428, %swap3A_429] {strides = array<i32>} : memref<40x512xf32, #tpu.memory_space<vmem>>, vector<1x16xf32>,
        %swap3A_431 = vector.shape_cast %swap3A_430 : vector<1x16xf32> to vector<16xf32>
        %swap3A_432 = vector.shape_cast %mul3A_427 : vector<16xf32> to vector<1x16xf32>
        tpu.vector_store %arg9[%swap3A_428, %swap3A_429], %swap3A_432 {strides = array<i32>} : memref<40x512xf32, #tpu.memory_space<vmem>>, vector<1x16xf32>,
        %get3A_433 = arith.index_cast %scan3A_182 : i32 to index
        %get3A_434 = arith.constant 336 : index
        %get3A_435 = tpu.vector_load %arg9[%get3A_433, %get3A_434] {strides = array<i32>} : memref<40x512xf32, #tpu.memory_space<vmem>>, vector<1x16xf32>,
        %get3A_436 = vector.shape_cast %get3A_435 : vector<1x16xf32> to vector<16xf32>
        %mul3A_437 = arith.constant 22.6274166 : f32
        %mul3A_438 = vector.broadcast %mul3A_437 : f32 to vector<16xf32>
        %mul3A_439 = arith.mulf %get3A_436, %mul3A_438 : vector<16xf32>
        %swap3A_440 = arith.index_cast %scan3A_182 : i32 to index
        %swap3A_441 = arith.constant 336 : index
        %swap3A_442 = tpu.vector_load %arg9[%swap3A_440, %swap3A_441] {strides = array<i32>} : memref<40x512xf32, #tpu.memory_space<vmem>>, vector<1x16xf32>,
        %swap3A_443 = vector.shape_cast %swap3A_442 : vector<1x16xf32> to vector<16xf32>
        %swap3A_444 = vector.shape_cast %mul3A_439 : vector<16xf32> to vector<1x16xf32>
        tpu.vector_store %arg9[%swap3A_440, %swap3A_441], %swap3A_444 {strides = array<i32>} : memref<40x512xf32, #tpu.memory_space<vmem>>, vector<1x16xf32>,
        %get3A_445 = arith.index_cast %scan3A_182 : i32 to index
        %get3A_446 = arith.constant 352 : index
        %get3A_447 = tpu.vector_load %arg9[%get3A_445, %get3A_446] {strides = array<i32>} : memref<40x512xf32, #tpu.memory_space<vmem>>, vector<1x16xf32>,
        %get3A_448 = vector.shape_cast %get3A_447 : vector<1x16xf32> to vector<16xf32>
        %mul3A_449 = arith.constant 22.6274166 : f32
        %mul3A_450 = vector.broadcast %mul3A_449 : f32 to vector<16xf32>
        %mul3A_451 = arith.mulf %get3A_448, %mul3A_450 : vector<16xf32>
        %swap3A_452 = arith.index_cast %scan3A_182 : i32 to index
        %swap3A_453 = arith.constant 352 : index
        %swap3A_454 = tpu.vector_load %arg9[%swap3A_452, %swap3A_453] {strides = array<i32>} : memref<40x512xf32, #tpu.memory_space<vmem>>, vector<1x16xf32>,
        %swap3A_455 = vector.shape_cast %swap3A_454 : vector<1x16xf32> to vector<16xf32>
        %swap3A_456 = vector.shape_cast %mul3A_451 : vector<16xf32> to vector<1x16xf32>
        tpu.vector_store %arg9[%swap3A_452, %swap3A_453], %swap3A_456 {strides = array<i32>} : memref<40x512xf32, #tpu.memory_space<vmem>>, vector<1x16xf32>,
        %get3A_457 = arith.index_cast %scan3A_182 : i32 to index
        %get3A_458 = arith.constant 368 : index
        %get3A_459 = tpu.vector_load %arg9[%get3A_457, %get3A_458] {strides = array<i32>} : memref<40x512xf32, #tpu.memory_space<vmem>>, vector<1x16xf32>,
        %get3A_460 = vector.shape_cast %get3A_459 : vector<1x16xf32> to vector<16xf32>
        %mul3A_461 = arith.constant 22.6274166 : f32
        %mul3A_462 = vector.broadcast %mul3A_461 : f32 to vector<16xf32>
        %mul3A_463 = arith.mulf %get3A_460, %mul3A_462 : vector<16xf32>
        %swap3A_464 = arith.index_cast %scan3A_182 : i32 to index
        %swap3A_465 = arith.constant 368 : index
        %swap3A_466 = tpu.vector_load %arg9[%swap3A_464, %swap3A_465] {strides = array<i32>} : memref<40x512xf32, #tpu.memory_space<vmem>>, vector<1x16xf32>,
        %swap3A_467 = vector.shape_cast %swap3A_466 : vector<1x16xf32> to vector<16xf32>
        %swap3A_468 = vector.shape_cast %mul3A_463 : vector<16xf32> to vector<1x16xf32>
        tpu.vector_store %arg9[%swap3A_464, %swap3A_465], %swap3A_468 {strides = array<i32>} : memref<40x512xf32, #tpu.memory_space<vmem>>, vector<1x16xf32>,
        %get3A_469 = arith.index_cast %scan3A_182 : i32 to index
        %get3A_470 = arith.constant 384 : index
        %get3A_471 = tpu.vector_load %arg9[%get3A_469, %get3A_470] {strides = array<i32>} : memref<40x512xf32, #tpu.memory_space<vmem>>, vector<1x16xf32>,
        %get3A_472 = vector.shape_cast %get3A_471 : vector<1x16xf32> to vector<16xf32>
        %mul3A_473 = arith.constant 22.6274166 : f32
        %mul3A_474 = vector.broadcast %mul3A_473 : f32 to vector<16xf32>
        %mul3A_475 = arith.mulf %get3A_472, %mul3A_474 : vector<16xf32>
        %swap3A_476 = arith.index_cast %scan3A_182 : i32 to index
        %swap3A_477 = arith.constant 384 : index
        %swap3A_478 = tpu.vector_load %arg9[%swap3A_476, %swap3A_477] {strides = array<i32>} : memref<40x512xf32, #tpu.memory_space<vmem>>, vector<1x16xf32>,
        %swap3A_479 = vector.shape_cast %swap3A_478 : vector<1x16xf32> to vector<16xf32>
        %swap3A_480 = vector.shape_cast %mul3A_475 : vector<16xf32> to vector<1x16xf32>
        tpu.vector_store %arg9[%swap3A_476, %swap3A_477], %swap3A_480 {strides = array<i32>} : memref<40x512xf32, #tpu.memory_space<vmem>>, vector<1x16xf32>,
        %get3A_481 = arith.index_cast %scan3A_182 : i32 to index
        %get3A_482 = arith.constant 400 : index
        %get3A_483 = tpu.vector_load %arg9[%get3A_481, %get3A_482] {strides = array<i32>} : memref<40x512xf32, #tpu.memory_space<vmem>>, vector<1x16xf32>,
        %get3A_484 = vector.shape_cast %get3A_483 : vector<1x16xf32> to vector<16xf32>
        %mul3A_485 = arith.constant 22.6274166 : f32
        %mul3A_486 = vector.broadcast %mul3A_485 : f32 to vector<16xf32>
        %mul3A_487 = arith.mulf %get3A_484, %mul3A_486 : vector<16xf32>
        %swap3A_488 = arith.index_cast %scan3A_182 : i32 to index
        %swap3A_489 = arith.constant 400 : index
        %swap3A_490 = tpu.vector_load %arg9[%swap3A_488, %swap3A_489] {strides = array<i32>} : memref<40x512xf32, #tpu.memory_space<vmem>>, vector<1x16xf32>,
        %swap3A_491 = vector.shape_cast %swap3A_490 : vector<1x16xf32> to vector<16xf32>
        %swap3A_492 = vector.shape_cast %mul3A_487 : vector<16xf32> to vector<1x16xf32>
        tpu.vector_store %arg9[%swap3A_488, %swap3A_489], %swap3A_492 {strides = array<i32>} : memref<40x512xf32, #tpu.memory_space<vmem>>, vector<1x16xf32>,
        %get3A_493 = arith.index_cast %scan3A_182 : i32 to index
        %get3A_494 = arith.constant 416 : index
        %get3A_495 = tpu.vector_load %arg9[%get3A_493, %get3A_494] {strides = array<i32>} : memref<40x512xf32, #tpu.memory_space<vmem>>, vector<1x16xf32>,
        %get3A_496 = vector.shape_cast %get3A_495 : vector<1x16xf32> to vector<16xf32>
        %mul3A_497 = arith.constant 22.6274166 : f32
        %mul3A_498 = vector.broadcast %mul3A_497 : f32 to vector<16xf32>
        %mul3A_499 = arith.mulf %get3A_496, %mul3A_498 : vector<16xf32>
        %swap3A_500 = arith.index_cast %scan3A_182 : i32 to index
        %swap3A_501 = arith.constant 416 : index
        %swap3A_502 = tpu.vector_load %arg9[%swap3A_500, %swap3A_501] {strides = array<i32>} : memref<40x512xf32, #tpu.memory_space<vmem>>, vector<1x16xf32>,
        %swap3A_503 = vector.shape_cast %swap3A_502 : vector<1x16xf32> to vector<16xf32>
        %swap3A_504 = vector.shape_cast %mul3A_499 : vector<16xf32> to vector<1x16xf32>
        tpu.vector_store %arg9[%swap3A_500, %swap3A_501], %swap3A_504 {strides = array<i32>} : memref<40x512xf32, #tpu.memory_space<vmem>>, vector<1x16xf32>,
        %get3A_505 = arith.index_cast %scan3A_182 : i32 to index
        %get3A_506 = arith.constant 432 : index
        %get3A_507 = tpu.vector_load %arg9[%get3A_505, %get3A_506] {strides = array<i32>} : memref<40x512xf32, #tpu.memory_space<vmem>>, vector<1x16xf32>,
        %get3A_508 = vector.shape_cast %get3A_507 : vector<1x16xf32> to vector<16xf32>
        %mul3A_509 = arith.constant 22.6274166 : f32
        %mul3A_510 = vector.broadcast %mul3A_509 : f32 to vector<16xf32>
        %mul3A_511 = arith.mulf %get3A_508, %mul3A_510 : vector<16xf32>
        %swap3A_512 = arith.index_cast %scan3A_182 : i32 to index
        %swap3A_513 = arith.constant 432 : index
        %swap3A_514 = tpu.vector_load %arg9[%swap3A_512, %swap3A_513] {strides = array<i32>} : memref<40x512xf32, #tpu.memory_space<vmem>>, vector<1x16xf32>,
        %swap3A_515 = vector.shape_cast %swap3A_514 : vector<1x16xf32> to vector<16xf32>
        %swap3A_516 = vector.shape_cast %mul3A_511 : vector<16xf32> to vector<1x16xf32>
        tpu.vector_store %arg9[%swap3A_512, %swap3A_513], %swap3A_516 {strides = array<i32>} : memref<40x512xf32, #tpu.memory_space<vmem>>, vector<1x16xf32>,
        %get3A_517 = arith.index_cast %scan3A_182 : i32 to index
        %get3A_518 = arith.constant 448 : index
        %get3A_519 = tpu.vector_load %arg9[%get3A_517, %get3A_518] {strides = array<i32>} : memref<40x512xf32, #tpu.memory_space<vmem>>, vector<1x16xf32>,
        %get3A_520 = vector.shape_cast %get3A_519 : vector<1x16xf32> to vector<16xf32>
        %mul3A_521 = arith.constant 22.6274166 : f32
        %mul3A_522 = vector.broadcast %mul3A_521 : f32 to vector<16xf32>
        %mul3A_523 = arith.mulf %get3A_520, %mul3A_522 : vector<16xf32>
        %swap3A_524 = arith.index_cast %scan3A_182 : i32 to index
        %swap3A_525 = arith.constant 448 : index
        %swap3A_526 = tpu.vector_load %arg9[%swap3A_524, %swap3A_525] {strides = array<i32>} : memref<40x512xf32, #tpu.memory_space<vmem>>, vector<1x16xf32>,
        %swap3A_527 = vector.shape_cast %swap3A_526 : vector<1x16xf32> to vector<16xf32>
        %swap3A_528 = vector.shape_cast %mul3A_523 : vector<16xf32> to vector<1x16xf32>
        tpu.vector_store %arg9[%swap3A_524, %swap3A_525], %swap3A_528 {strides = array<i32>} : memref<40x512xf32, #tpu.memory_space<vmem>>, vector<1x16xf32>,
        %get3A_529 = arith.index_cast %scan3A_182 : i32 to index
        %get3A_530 = arith.constant 464 : index
        %get3A_531 = tpu.vector_load %arg9[%get3A_529, %get3A_530] {strides = array<i32>} : memref<40x512xf32, #tpu.memory_space<vmem>>, vector<1x16xf32>,
        %get3A_532 = vector.shape_cast %get3A_531 : vector<1x16xf32> to vector<16xf32>
        %mul3A_533 = arith.constant 22.6274166 : f32
        %mul3A_534 = vector.broadcast %mul3A_533 : f32 to vector<16xf32>
        %mul3A_535 = arith.mulf %get3A_532, %mul3A_534 : vector<16xf32>
        %swap3A_536 = arith.index_cast %scan3A_182 : i32 to index
        %swap3A_537 = arith.constant 464 : index
        %swap3A_538 = tpu.vector_load %arg9[%swap3A_536, %swap3A_537] {strides = array<i32>} : memref<40x512xf32, #tpu.memory_space<vmem>>, vector<1x16xf32>,
        %swap3A_539 = vector.shape_cast %swap3A_538 : vector<1x16xf32> to vector<16xf32>
        %swap3A_540 = vector.shape_cast %mul3A_535 : vector<16xf32> to vector<1x16xf32>
        tpu.vector_store %arg9[%swap3A_536, %swap3A_537], %swap3A_540 {strides = array<i32>} : memref<40x512xf32, #tpu.memory_space<vmem>>, vector<1x16xf32>,
        %get3A_541 = arith.index_cast %scan3A_182 : i32 to index
        %get3A_542 = arith.constant 480 : index
        %get3A_543 = tpu.vector_load %arg9[%get3A_541, %get3A_542] {strides = array<i32>} : memref<40x512xf32, #tpu.memory_space<vmem>>, vector<1x16xf32>,
        %get3A_544 = vector.shape_cast %get3A_543 : vector<1x16xf32> to vector<16xf32>
        %mul3A_545 = arith.constant 22.6274166 : f32
        %mul3A_546 = vector.broadcast %mul3A_545 : f32 to vector<16xf32>
        %mul3A_547 = arith.mulf %get3A_544, %mul3A_546 : vector<16xf32>
        %swap3A_548 = arith.index_cast %scan3A_182 : i32 to index
        %swap3A_549 = arith.constant 480 : index
        %swap3A_550 = tpu.vector_load %arg9[%swap3A_548, %swap3A_549] {strides = array<i32>} : memref<40x512xf32, #tpu.memory_space<vmem>>, vector<1x16xf32>,
        %swap3A_551 = vector.shape_cast %swap3A_550 : vector<1x16xf32> to vector<16xf32>
        %swap3A_552 = vector.shape_cast %mul3A_547 : vector<16xf32> to vector<1x16xf32>
        tpu.vector_store %arg9[%swap3A_548, %swap3A_549], %swap3A_552 {strides = array<i32>} : memref<40x512xf32, #tpu.memory_space<vmem>>, vector<1x16xf32>,
        %get3A_553 = arith.index_cast %scan3A_182 : i32 to index
        %get3A_554 = arith.constant 496 : index
        %get3A_555 = tpu.vector_load %arg9[%get3A_553, %get3A_554] {strides = array<i32>} : memref<40x512xf32, #tpu.memory_space<vmem>>, vector<1x16xf32>,
        %get3A_556 = vector.shape_cast %get3A_555 : vector<1x16xf32> to vector<16xf32>
        %mul3A_557 = arith.constant 22.6274166 : f32
        %mul3A_558 = vector.broadcast %mul3A_557 : f32 to vector<16xf32>
        %mul3A_559 = arith.mulf %get3A_556, %mul3A_558 : vector<16xf32>
        %swap3A_560 = arith.index_cast %scan3A_182 : i32 to index
        %swap3A_561 = arith.constant 496 : index
        %swap3A_562 = tpu.vector_load %arg9[%swap3A_560, %swap3A_561] {strides = array<i32>} : memref<40x512xf32, #tpu.memory_space<vmem>>, vector<1x16xf32>,
        %swap3A_563 = vector.shape_cast %swap3A_562 : vector<1x16xf32> to vector<16xf32>
        %swap3A_564 = vector.shape_cast %mul3A_559 : vector<16xf32> to vector<1x16xf32>
        tpu.vector_store %arg9[%swap3A_560, %swap3A_561], %swap3A_564 {strides = array<i32>} : memref<40x512xf32, #tpu.memory_space<vmem>>, vector<1x16xf32>,
      }
      %scan3A_164 = arith.constant 40 : i32
      %mul3A_165 = arith.constant 40 : i32
      %mul3A_166 = arith.muli %add3A_152, %mul3A_165 : i32
      %multiple_of3A_167 = tpu.assume_multiple %mul3A_166, 40 : i32
      %add3A_168 = arith.addi %multiple_of3A, %multiple_of3A_167 : i32
      %dma_start3A_169 = arith.constant 0 : i32
      %dma_start3A_170 = tpu.memref_slice %arg4[%add3A_168, %dma_start3A_169] : memref<204800x512xf32, #tpu.memory_space<hbm>> -> memref<40x512xf32, #tpu.memory_space<hbm>>
      %dma_start3A_171 = arith.constant 0 : i32
      %dma_start3A_172 = tpu.memref_slice %arg4[%add3A_168, %dma_start3A_171] : memref<204800x512xf32, #tpu.memory_space<hbm>> -> memref<40x512xf32, #tpu.memory_space<hbm>>
      tpu.enqueue_dma source(%arg9 : memref<40x512xf32, #tpu.memory_space<vmem>>) target(%dma_start3A_172 : memref<40x512xf32, #tpu.memory_space<hbm>>) target_semaphore(%arg17 : memref<!tpu.dma_semaphore, #tpu.memory_space<semaphore_mem>>)
      %add3A_173 = arith.constant 4 : i32
      %add3A_174 = arith.addi %add3A_152, %add3A_173 : i32
      %sub3A_175 = arith.constant 1 : i32
      %sub3A_176 = arith.subi %add3A_174, %sub3A_175 : i32
      %lt3A_177 = arith.constant 160 : i32
      %lt3A_178 = arith.cmpi slt, %sub3A_176, %lt3A_177 : i32
      %convert_element_type3A_179 = arith.extui %lt3A_178 : i1 to i32
      %cond3A_180 = arith.constant 0 : i32
      %cond3A_181 = arith.cmpi ne, %convert_element_type3A_179, %cond3A_180 : i32
      scf.if %cond3A_181 {
        %dma_wait3A_182 = arith.constant 0 : i32
        %dma_wait3A_183 = arith.constant 0 : i32
        %dma_wait3A_184 = tpu.memref_slice %arg4[%dma_wait3A_182, %dma_wait3A_183] : memref<204800x512xf32, #tpu.memory_space<hbm>> -> memref<40x512xf32, #tpu.memory_space<hbm>>
        %dma_wait3A_185 = arith.constant 0 : i32
        %dma_wait3A_186 = arith.constant 0 : i32
        %dma_wait3A_187 = tpu.memref_slice %arg4[%dma_wait3A_185, %dma_wait3A_186] : memref<204800x512xf32, #tpu.memory_space<hbm>> -> memref<40x512xf32, #tpu.memory_space<hbm>>
        tpu.wait_dma2 semaphore(%arg16 : memref<!tpu.dma_semaphore, #tpu.memory_space<semaphore_mem>>) src(%arg8 : memref<40x512xf32, #tpu.memory_space<vmem>>) dst(%dma_wait3A_187 : memref<40x512xf32, #tpu.memory_space<hbm>>)
        %add3A_188 = arith.constant 4 : i32
        %add3A_189 = arith.addi %add3A_152, %add3A_188 : i32
        %sub3A_190 = arith.constant 1 : i32
        %sub3A_191 = arith.subi %add3A_189, %sub3A_190 : i32
        %mul3A_192 = arith.constant 40 : i32
        %mul3A_193 = arith.muli %sub3A_191, %mul3A_192 : i32
        %multiple_of3A_194 = tpu.assume_multiple %mul3A_193, 40 : i32
        %dma_start3A_195 = tpu.memref_slice %arg5[%multiple_of3A_194] : memref<6400xi32, #tpu.memory_space<vmem>> -> memref<40xi32, #tpu.memory_space<vmem>>
        %dma_start3A_196 = arith.constant 0 : i32
        %dma_start3A_197 = arith.constant 0 : i32
        %dma_start3A_198 = tpu.memref_slice %arg3[%dma_start3A_196, %dma_start3A_197] : memref<100000x512xf32, #tpu.memory_space<hbm>> -> memref<100000x512xf32, #tpu.memory_space<hbm>>
        tpu.enqueue_indirect_dma source(%dma_start3A_198 : memref<100000x512xf32, #tpu.memory_space<hbm>>) target(%arg8 : memref<40x512xf32, #tpu.memory_space<vmem>>) offsets(%dma_start3A_195 : memref<40xi32, #tpu.memory_space<vmem>>) semaphore(%arg12 : memref<!tpu.dma_semaphore, #tpu.memory_space<semaphore_mem>>)
      } else {
      }
    }
    %scan3A_24 = arith.constant 40 : i32
    %dma_wait3A = arith.constant 0 : i32
    %dma_wait3A_25 = arith.constant 0 : i32
    %dma_wait3A_26 = tpu.memref_slice %arg4[%dma_wait3A, %dma_wait3A_25] : memref<204800x512xf32, #tpu.memory_space<hbm>> -> memref<40x512xf32, #tpu.memory_space<hbm>>
    %dma_wait3A_27 = arith.constant 0 : i32
    %dma_wait3A_28 = arith.constant 0 : i32
    %dma_wait3A_29 = tpu.memref_slice %arg4[%dma_wait3A_27, %dma_wait3A_28] : memref<204800x512xf32, #tpu.memory_space<hbm>> -> memref<40x512xf32, #tpu.memory_space<hbm>>
    tpu.wait_dma2 semaphore(%arg14 : memref<!tpu.dma_semaphore, #tpu.memory_space<semaphore_mem>>) src(%arg6 : memref<40x512xf32, #tpu.memory_space<vmem>>) dst(%dma_wait3A_29 : memref<40x512xf32, #tpu.memory_space<hbm>>)
    %dma_wait3A_30 = arith.constant 0 : i32
    %dma_wait3A_31 = arith.constant 0 : i32
    %dma_wait3A_32 = tpu.memref_slice %arg4[%dma_wait3A_30, %dma_wait3A_31] : memref<204800x512xf32, #tpu.memory_space<hbm>> -> memref<40x512xf32, #tpu.memory_space<hbm>>
    %dma_wait3A_33 = arith.constant 0 : i32
    %dma_wait3A_34 = arith.constant 0 : i32
    %dma_wait3A_35 = tpu.memref_slice %arg4[%dma_wait3A_33, %dma_wait3A_34] : memref<204800x512xf32, #tpu.memory_space<hbm>> -> memref<40x512xf32, #tpu.memory_space<hbm>>
    tpu.wait_dma2 semaphore(%arg15 : memref<!tpu.dma_semaphore, #tpu.memory_space<semaphore_mem>>) src(%arg7 : memref<40x512xf32, #tpu.memory_space<vmem>>) dst(%dma_wait3A_35 : memref<40x512xf32, #tpu.memory_space<hbm>>)
    %dma_wait3A_36 = arith.constant 0 : i32
    %dma_wait3A_37 = arith.constant 0 : i32
    %dma_wait3A_38 = tpu.memref_slice %arg4[%dma_wait3A_36, %dma_wait3A_37] : memref<204800x512xf32, #tpu.memory_space<hbm>> -> memref<40x512xf32, #tpu.memory_space<hbm>>
    %dma_wait3A_39 = arith.constant 0 : i32
    %dma_wait3A_40 = arith.constant 0 : i32
    %dma_wait3A_41 = tpu.memref_slice %arg4[%dma_wait3A_39, %dma_wait3A_40] : memref<204800x512xf32, #tpu.memory_space<hbm>> -> memref<40x512xf32, #tpu.memory_space<hbm>>
    tpu.wait_dma2 semaphore(%arg16 : memref<!tpu.dma_semaphore, #tpu.memory_space<semaphore_mem>>) src(%arg8 : memref<40x512xf32, #tpu.memory_space<vmem>>) dst(%dma_wait3A_41 : memref<40x512xf32, #tpu.memory_space<hbm>>)
    %dma_wait3A_42 = arith.constant 0 : i32
    %dma_wait3A_43 = arith.constant 0 : i32
    %dma_wait3A_44 = tpu.memref_slice %arg4[%dma_wait3A_42, %dma_wait3A_43] : memref<204800x512xf32, #tpu.memory_space<hbm>> -> memref<40x512xf32, #tpu.memory_space<hbm>>
    %dma_wait3A_45 = arith.constant 0 : i32
    %dma_wait3A_46 = arith.constant 0 : i32
    %dma_wait3A_47 = tpu.memref_slice %arg4[%dma_wait3A_45, %dma_wait3A_46] : memref<204800x512xf32, #tpu.memory_space<hbm>> -> memref<40x512xf32, #tpu.memory_space<hbm>>
    tpu.wait_dma2 semaphore(%arg17 : memref<!tpu.dma_semaphore, #tpu.memory_space<semaphore_mem>>) src(%arg9 : memref<40x512xf32, #tpu.memory_space<vmem>>) dst(%dma_wait3A_47 : memref<40x512xf32, #tpu.memory_space<hbm>>)
    return
  }
}

</mosaic_0001>

<sc_bundles>
// kernel: _emb.3.cloned.1.call-start
scs
__scs_entry_jumppad:
0x0: {  	(pc) =	sbr.rel $0x88, $3  }
0x1: {  	(tag) =	ssettag $0x0;
	lr =	simm.s32 $0x1  }
0x2: {  	[smem:$0x3F9F] =	sst lr;
	_ =	strace $0xD0000000  }
0x3: {  	_ = 	snop  }
0x4: {  	_ = 	snop  }
0x5: {  	_ = 	snop  }
0x6: {  	_ = 	snop  }
0x7: {  	_ = 	snop  }
__scs_overlays_trampoline_lowered:
0x8: {  	[smem:$0x3FAE] =	sst s0  }
0x9: {  	[smem:$0x3FAF] =	sst s1  }
0xa: {  	[smem:$0x3FB0] =	sst s2  }
0xb: {  	[smem:$0x3FB1] =	sst s3  }
0xc: {  	[smem:$0x3FB2] =	sst s4  }
0xd: {  	[smem:$0x3FB3] =	sst s5  }
0xe: {  	[smem:$0x3FB4] =	sst s6  }
0xf: {  	[smem:$0x3FB5] =	sst s7  }
0x10: {  	[smem:$0x3FB6] =	sst s8  }
0x11: {  	[smem:$0x3FB7] =	sst s9;
	s0 =	simm.s32 @!p0 $0x0  }
0x12: {  	s1 =	sld [smem:$0x3F9D];
	s0 =	simm.s32 @p0 $0x1  }
0x13: {  	[smem:$0x3FB8] =	sst s0;
	s0 =	simm.s32 @!p1 $0x0  }
0x14: {  	s2 =	sld [smem:$0x3F9C];
	s0 =	simm.s32 @p1 $0x1  }
0x15: {  	[smem:$0x3FB9] =	sst s0;
	s0 =	simm.s32 @!p2 $0x0  }
0x16: {  	s3 =	sld [smem:$0x3FDB];
	s0 =	simm.s32 @p2 $0x1  }
0x17: {  	s4 =	simm.s32 $0x1BF5;
	[smem:$0x3FBB] =	sst s0  }
0x18: {  	s0 =	sld [smem:$0x3F9E];
	_ =	swait.ge [sflag:s4], $0x0  }
0x19: {  	s7 =	sld [smem:$0x3F9F]  }
0x1a: {  	s8 =	sadd.s32 $0xFFFFE003, lr  }
0x1b: {  	s9 =	sadd.s32 $0xFFFFFEF7, lr;
	s5 =	simm.s32 $0xFFFFFFFF;
	p2 =	slt.u32 s8, $0xFFFFF086  }
0x1c: {  	p1 =	slt.u32 s9, $0xF7A;
	s5 =	simm.s32 @!p2 $0x0  }
0x1d: {  	s5 =	simm.s32 @p1 $0x1;
	p0 =	seq.s32 s7, s2  }
0x1e: {  	s7 =	smul.u32 @!p0 $0xF7A, s2;
	p2 =	seq.s32 @!p0 s5, $0x0  }
0x1f: {  	s9 =	smul.u32 $0xF7A, s1;
	s8 =	simm.s32 @!p0 $0x1BF5;
	p2 =	por !p2, p0  }
0x20: {  	[sflag:s8] =	ssyncset.s32 @!p0 $0xFFFFF086;
	s6 =	sadd.s32 @!p0 s3, s7;
	s7 =	simm.s32 @!p0 $0x108  }
0x21: {  	s3 =	sadd.s32 s3, s9;
	s6 =	sadd.s32 @!p0 $0x88, s6;
	s7 =	simm.s32 @p2 $0x1082  }
0x22: {  	[simem:s7], [sflag:s8] =	dma.local @!p0 [hbm:s6], $0xF7A  }
0x23: {  	s9 =	sor.u32 $0xD0000000, s2;
	s6 =	simm.s32 $0x108;
	_ =	swait.ge @!p0 [sflag:s8], $0x0  }
0x24: {  	s3 =	sadd.s32 $0x88, s3;
	s6 =	simm.s32 @!p1 $0x1082;
	[sflag:s4] =	ssyncset.s32 $0xFFFFF086  }
0x25: {  	[simem:s6], [sflag:s4] =	dma.local [hbm:s3], $0xF7A  }
0x26: {  	[smem:$0x3F9F] =	sst s1;
	(tag) =	ssettag s2;
	_ =	strace s9  }
0x27: {  	s1 =	sld [smem:$0x3FAF]  }
0x28: {  	s2 =	sld [smem:$0x3FB0]  }
0x29: {  	s4 =	sld [smem:$0x3FB2]  }
0x2a: {  	p0 =	seq.s32 s5, $0x0;
	s5 =	sld [smem:$0x3FB3]  }
0x2b: {  	s6 =	sld [smem:$0x3FB4]  }
0x2c: {  	s7 =	sld [smem:$0x3FB5]  }
0x2d: {  	s3 =	simm.s32 $0x108;
	s8 =	sld [smem:$0x3FB6]  }
0x2e: {  	s3 =	simm.s32 @!p0 $0x1082;
	s9 =	sld [smem:$0x3FB7]  }
0x2f: {  	lr =	sadd.s32 s0, s3;
	s0 =	sld [smem:$0x3FAE]  }
0x30: {  	s3 =	sld [smem:$0x3FB1]  }
0x31: {  	[smem:$0x3FBA] =	sst s10  }
0x32: {  	s10 =	sld [smem:$0x3FB8];
	_ =	sdelay $0x3  }
0x33: {  	p0 =	seq.s32 s10, $0x1;
	s10 =	sld [smem:$0x3FBA];
	_ =	sdelay $0x3  }
0x34: {  	[smem:$0x3FBA] =	sst s10  }
0x35: {  	s10 =	sld [smem:$0x3FB9];
	_ =	sdelay $0x3  }
0x36: {  	p1 =	seq.s32 s10, $0x1;
	s10 =	sld [smem:$0x3FBA];
	_ =	sdelay $0x3  }
0x37: {  	[smem:$0x3FBA] =	sst s10  }
0x38: {  	s10 =	sld [smem:$0x3FBB]  }
0x39: {  	_ = 	snop;
	(pc) =	sbr.ind lr, $3  }
0x3a: {  	_ = 	snop  }
0x3b: {  	_ = 	snop  }
0x3c: {  	p2 =	seq.s32 s10, $0x1;
	s10 =	sld [smem:$0x3FBA]  }
0x3d: {  	_ =	shalt  }
0x3e: {  	_ =	shalt  }
0x3f: {  	_ =	shalt  }
0x40: {  	_ =	shalt  }
0x41: {  	_ =	shalt  }
0x42: {  	_ =	shalt  }
0x43: {  	_ =	shalt  }
0x44: {  	_ =	shalt  }
0x45: {  	_ =	shalt  }
0x46: {  	_ =	shalt  }
0x47: {  	_ =	shalt  }
0x48: {  	_ =	shalt  }
0x49: {  	_ =	shalt  }
0x4a: {  	_ =	shalt  }
0x4b: {  	_ =	shalt  }
0x4c: {  	_ =	shalt  }
0x4d: {  	_ =	shalt  }
0x4e: {  	_ =	shalt  }
0x4f: {  	_ =	shalt  }
0x50: {  	_ =	shalt  }
0x51: {  	_ =	shalt  }
0x52: {  	_ =	shalt  }
0x53: {  	_ =	shalt  }
0x54: {  	_ =	shalt  }
0x55: {  	_ =	shalt  }
0x56: {  	_ =	shalt  }
0x57: {  	_ =	shalt  }
0x58: {  	_ =	shalt  }
0x59: {  	_ =	shalt  }
0x5a: {  	_ =	shalt  }
0x5b: {  	_ =	shalt  }
0x5c: {  	_ =	shalt  }
0x5d: {  	_ =	shalt  }
0x5e: {  	_ =	shalt  }
0x5f: {  	_ =	shalt  }
0x60: {  	_ =	shalt  }
0x61: {  	_ =	shalt  }
0x62: {  	_ =	shalt  }
0x63: {  	_ =	shalt  }
0x64: {  	_ =	shalt  }
0x65: {  	_ =	shalt  }
0x66: {  	_ =	shalt  }
0x67: {  	_ =	shalt  }
0x68: {  	_ =	shalt  }
0x69: {  	_ =	shalt  }
0x6a: {  	_ =	shalt  }
0x6b: {  	_ =	shalt  }
0x6c: {  	_ =	shalt  }
0x6d: {  	_ =	shalt  }
0x6e: {  	_ =	shalt  }
0x6f: {  	_ =	shalt  }
0x70: {  	_ =	shalt  }
0x71: {  	_ =	shalt  }
0x72: {  	_ =	shalt  }
0x73: {  	_ =	shalt  }
0x74: {  	_ =	shalt  }
0x75: {  	_ =	shalt  }
0x76: {  	_ =	shalt  }
0x77: {  	_ =	shalt  }
0x78: {  	_ =	shalt  }
0x79: {  	_ =	shalt  }
0x7a: {  	_ =	shalt  }
0x7b: {  	_ =	shalt  }
0x7c: {  	_ =	shalt  }
0x7d: {  	_ =	shalt  }
0x7e: {  	_ =	shalt  }
0x7f: {  	_ =	shalt  }
0x80: {  	_ =	shalt  }
0x81: {  	_ =	shalt  }
0x82: {  	_ =	shalt  }
0x83: {  	_ =	shalt  }
0x84: {  	_ =	shalt  }
0x85: {  	_ =	shalt  }
0x86: {  	_ =	shalt  }
0x87: {  	_ =	shalt  }
.Lfunc_end0:
.L_simem_size_0:
called_computation_lowered:
.L_overlay_start_0:
0x88: {  	s2 =	sld [smem:$0x3FD9]  }
0x89: {  	s3 =	sld [smem:$0x3FFE];
	_ =	sdelay $0x1  }
0x8a: {  	s1 =	srdreg.scid  }
0x8b: {  	s0 =	sand.u32 $0x1, s1  }
0x8c: {  	s18 =	sshll.u32 s0, $0xA;
	s2 =	sadd.s32 s3, s2  }
0x8d: {  	s2 =	sadd.s32 s2, s18  }
0x8e: {  	[smem:$0x3FC6] =	sst s2  }
0x8f: {  	_ = 	snop  }
0x90: {  	s2 =	sld [smem:$0x3FC9]  }
0x91: {  	s19 =	sld [smem:$0x3FC8]  }
0x92: {  	s4 =	sld [smem:$0x3FD0];
	(tm) =	ssettm $0x1  }
0x93: {  	s5 =	sld [smem:$0x3FFB];
	_ =	sdelay $0x3  }
0x94: {  	_ =	strace s5  }
0x95: {  	s5 =	sld [smem:$0x3FFC];
	_ =	sdelay $0x3  }
0x96: {  	_ =	strace s5  }
0x97: {  	s5 =	sld [smem:$0x3FFD];
	_ =	sdelay $0x3  }
0x98: {  	_ =	strace s5  }
0x99: {  	_ =	strace $0x8FFFFFFF  }
0x9a: {  	s20 =	sld [smem:$0x3FDB];
	_ =	sdelay $0x1  }
0x9b: {  	s6 =	simm.s32 $_scs_section_size  }
0x9c: {  	s7 =	simm.s32 $_size__tile_overlayer_lowered;
	s8 =	simm.s32 $_tile_overlayer_lowered  }
0x9d: {  	s23 =	simm.s32 $0x1BFF;
	s22 =	sshll.u32 s8, $0x1;
	s5 =	sadd.s32 s6, s20  }
0x9e: {  	s9 =	simm.s32 $0x0;
	s21 =	sshll.u32 s7, $0x1;
	s7 =	sadd.s32 s22, s5  }
0x9f: {  	[timem:s9], [sflag:s23] =	dma.local [hbm:s7], s21  }
0xa0: {  	_ =	swait.ge [sflag:s23], s21  }
0xa1: {  	s6 =	ssub.s32 $0x0, s21;
	[sflag:s23] =	ssyncset.done $0x0  }
0xa2: {  	[sflag:s23] =	ssyncadd.s32 s6;
	_ =	sdelay $0x1  }
0xa3: {  	s24 =	simm.s32 $0x1B8B  }
0xa4: {  	_ =	swait.ge [sflag:s24], $0x1  }
0xa5: {  	[sflag:s24] =	ssyncset.done $0x0  }
0xa6: {  	s25 =	simm.s32 $0x1B8E;
	[sflag:s24] =	ssyncadd.s32 $0xFFFFFFFF  }
0xa7: {  	s26 =	simm.s32 $execute0_lowered;
	[smem:$0x3FD2] =	sst s25  }
0xa8: {  	s6 =	sshll.u32 s26, $0x1;
	_ =	strace $0x80000046;
	[dreg:$0x1] =	wrdreg $0xFFFFFFFF  }
0xa9: {  	s28 =	simm.s32 $_size_execute0_lowered;
	s5 =	sadd.s32 s5, s6;
	[dreg:$0x0] =	wrdreg $0x0  }
0xaa: {  	s6 =	sshll.u32 s28, $0x1;
	[dreg:$0x2] =	wrdreg s5  }
0xab: {  	[dreg:$0x3] =	wrdreg s6  }
0xac: {  	[dreg:$0x4] =	wrdreg $0xC0  }
0xad: {  	_ =	task [dreg:s9], $0x5FFFF  }
0xae: {  	[dreg:$0x1] =	wrdreg $0xFFFFFFFF  }
0xaf: {  	[dreg:$0x0] =	wrdreg $0x60  }
0xb0: {  	[dreg:$0x2] =	wrdreg s2  }
0xb1: {  	[dreg:$0x3] =	wrdreg s19  }
0xb2: {  	[dreg:$0x4] =	wrdreg s4  }
0xb3: {  	[dreg:$0x5] =	wrdreg $0x9  }
0xb4: {  	_ =	task.clear_ibuf [dreg:s9], $0x6FFFF;
	_ =	strace $0x90000046  }
0xb5: {  	s29 =	simm.s32 $0x9;
	_ =	strace $0x80000048  }
0xb6: {  	_ =	swait.ge [sflag:s29], $0x1  }
0xb7: {  	[sflag:s29] =	ssyncadd.s32 $0xFFFFFFFF  }
0xb8: {  	_ =	strace $0x90000048  }
0xb9: {  	_ =	sfence  }
0xba: {  	s30 =	sld [smem:$0x0];
	_ =	sdelay $0x2  }
0xbb: {  	s31 =	sshll.u32 s1, $0xD;
	s1 =	sshrl.u32 s1, $0x2  }
0xbc: {  	s3 =	sand.u32 $0x4000, s31;
	s1 =	sadd.s32 s1, s30  }
0xbd: {  	s0 =	sor.u32 s3, s0;
	s1 =	sshll.u32 s1, $0x11  }
0xbe: {  	s0 =	sor.u32 s1, s0  }
0xbf: {  	s0 =	sadd.s32 $0x8F2B, s0  }
0xc0: {  	[sflag:s0] =	ssyncadd.remote.s32 $0x1  }
0xc1: {  	_ =	sfence.sel $0xFFFF  }
0xc2: {  	[dreg:$0x0] =	wrdreg $0xFFFFFFFF;
	(pc) =	sbr.abs _section_cstart, $3  }
0xc3: {  	[dreg:$0x1] =	wrdreg $0xFFFFFFFF  }
0xc4: {  	_ =	task.clear_ibuf [dreg:s9], $0x2FFFF;
	_ =	strace $0x9FFFFFFF  }
0xc5: {  	(tm) =	ssettm $0x7FFFFFFF  }
tec
execute0_lowered:
.L_overlay_start_1:
0x0: {  	(tag) =	ssettag $0x1  }
0x1: {  	s0 =	srdreg.scid;
	s2 =	stileid.u32  }
0x2: {  	s1 =	rddreg [dreg:$0x0];
	s5 =	simm.s32 $0x0;
	s12 =	simm.s32 $0x1900  }
0x3: {  	s22 =	simm.s32 $0x6900;
	s15 =	simm.s32 $0xD100;
	s16 =	simm.s32 $0xD900  }
0x4: {  	s17 =	simm.s32 $0xE100;
	s18 =	simm.s32 $0xE900;
	s19 =	simm.s32 $0xF100  }
0x5: {  	s20 =	simm.s32 $0xF900;
	s21 =	simm.s32 $0x10100;
	s23 =	simm.s32 $0x1  }
0x6: {  	s24 =	simm.s32 $0x2;
	s25 =	simm.s32 $0x3;
	s26 =	simm.s32 $0x4  }
0x7: {  	s28 =	simm.s32 $0x10900;
	s0 =	sand.u32 $0x1, s0;
	s3 =	sshll.u32 s2, $0x1  }
0x8: {  	s31 =	simm.s32 $0x7;
	s8 =	simm.s32 $0x0;
	s4 =	sor.u32 s0, s3  }
0x9: {  	s2 =	rddreg [dreg:$0x1];
	s0 =	ssub.s32 $0x2, s0;
	s4 =	smul.u32 $0x1900, s4  }
.Ltmp0:
0xa: {  	[smem:$0x7FF] =	sst s5;
	s6 =	sshrl.u32 s0, $0x1;
	(pc) =	sbr.rel .LBB2_1-.Ltmp0, $4  }
0xb: {  	s3 =	rddreg [dreg:$0x2];
	_ =	strace $0x80000047;
	s0 =	ssub.s32 s0, s6  }
0xc: {  	v2 =	vlaneseq.u32;
	s7 =	sshrl.u32 s4, $0x3;
	s0 =	smax.u32 s0, $0x1;
	s9 =	sor.u32 $0x28, s4  }
0xd: {  	vm0 =	vmmov $0xffff;
	v1 =	vshrl.u32 v2, $0x3;
	s10 =	sor.u32 $0x50, s4;
	s1 =	sadd.s32 s1, s7;
	[dreg:$0x5] =	wrdreg s0  }
0xe: {  	v0 =	vand.u32 $0x7, v2;
	v2 =	vor.u32 $0x8, v2;
	v1 =	vmul.u32 $0x8, v1;
	s7 =	sadd.s32 $0x100, s2;
	s0 =	simm.s32 $0xB900;
	[dreg:$0x4] =	wrdreg s1  }
.LBB2_12:
0xf: {  	s1 =	simm.s32 $0x5  }
0x10: {  	_ =	swait.ge [sflag:s1], $0x5000  }
0x11: {  	[sflag:s1] =	ssyncset.done $0x0  }
0x12: {  	s29 =	simm.s32 $0x6;
	[sflag:s1] =	ssyncadd.s32 $0xFFFFB000  }
0x13: {  	_ =	swait.ge [sflag:s29], $0x5000  }
0x14: {  	[sflag:s29] =	ssyncset.done $0x0  }
0x15: {  	[sflag:s29] =	ssyncadd.s32 $0xFFFFB000  }
0x16: {  	_ =	swait.ge [sflag:s31], $0x5000  }
0x17: {  	[sflag:s31] =	ssyncset.done $0x0  }
0x18: {  	s6 =	simm.s32 $0x8;
	[sflag:s31] =	ssyncadd.s32 $0xFFFFB000  }
0x19: {  	_ =	swait.ge [sflag:s6], $0x5000  }
0x1a: {  	s8 =	rddreg [dreg:$0x6]  }
0x1b: {  	s30 =	rddreg [dreg:$0x5];
	s8 =	sadd.s32 $0x1, s8  }
0x1c: {  	p0 =	sne.s32 s8, s30  }
.Ltmp1:
0x1d: {  	_ = 	snop;
	(pc) =	sbr.rel @!p0 .LBB2_13-.Ltmp1, $3  }
0x1e: {  	_ =	sdelay $0x1  }
0x1f: {  	[sflag:s6] =	ssyncset.done $0x0  }
0x20: {  	[sflag:s6] =	ssyncadd.s32 $0xFFFFB000  }
.LBB2_1:
0x21: {  	[dreg:$0x6] =	wrdreg s8  }
0x22: {  	s1 =	rddreg [dreg:$0x4];
	s6 =	simm.s32 $0x9  }
0x23: {  	[tilespmem:s5], [sflag:$0x9] =	stream.linear.gather [hbm4b:s1+s5], $0x1900, $0x38;
	[tilespmem:$0x15900] =	vst v63  }
0x24: {  	_ =	swait.ge [sflag:s6], $0x1900  }
0x25: {  	[sflag:s6] =	ssyncset.done $0x0  }
0x26: {  	[sflag:s6] =	ssyncadd.s32 $0xFFFFE700  }
0x27: {  	v3 =	vld [tilespmem:$0x0];
	_ =	sdelay $0x4  }
0x28: {  	v4 =	vshll.u32 v3, $0x2  }
0x29: {  	v3 =	vand.u32 $0x7, v3;
	v4 =	vand.u32 $0xFFFFFFE0, v4  }
0x2a: {  	v3 =	vor.u32 v3, v4  }
0x2b: {  	v4 =	vperm.xlane v3, v0;
	_ =	sdelay $0x1  }
0x2c: {  	v4 =	vadd.s32 v1, v4;
	_ =	sdelay $0x1  }
0x2d: {  	v3 =	vperm.xlane v3, v2;
	_ =	sdelay $0x1  }
0x2e: {  	v3 =	vadd.s32 v1, v3  }
0x2f: {  	[tilespmem:s12], [sflag:$0x1] =	stream.indirect_vreg.gather [hbm4b:s2+s5], $0x80, v4, vm0, $0xb8;
	[tilespmem:$0x15900] =	vst v63  }
0x30: {  	s8 =	simm.s32 $0x2100  }
0x31: {  	[tilespmem:s8], [sflag:$0x1] =	stream.indirect_vreg.gather [hbm4b:s7+s5], $0x80, v4, vm0, $0xb8;
	[tilespmem:$0x15900] =	vst v63  }
0x32: {  	s11 =	simm.s32 $0x2900  }
0x33: {  	[tilespmem:s11], [sflag:$0x1] =	stream.indirect_vreg.gather [hbm4b:s2+s5], $0x80, v3, vm0, $0xb8;
	[tilespmem:$0x15900] =	vst v63  }
0x34: {  	s13 =	simm.s32 $0x3100  }
0x35: {  	[tilespmem:s13], [sflag:$0x1] =	stream.indirect_vreg.gather [hbm4b:s7+s5], $0x80, v3, vm0, $0xb8;
	[tilespmem:$0x15900] =	vst v63  }
0x36: {  	v3 =	vld [tilespmem:$0x10];
	_ =	sdelay $0x4  }
0x37: {  	v56 =	vshll.u32 v3, $0x2  }
0x38: {  	v3 =	vand.u32 $0x7, v3;
	v4 =	vand.u32 $0xFFFFFFE0, v56  }
0x39: {  	v3 =	vor.u32 v3, v4  }
0x3a: {  	v4 =	vperm.xlane v3, v0;
	_ =	sdelay $0x1  }
0x3b: {  	v4 =	vadd.s32 v1, v4;
	_ =	sdelay $0x1  }
0x3c: {  	v3 =	vperm.xlane v3, v2;
	_ =	sdelay $0x1  }
0x3d: {  	s14 =	simm.s32 $0x3900;
	v3 =	vadd.s32 v1, v3  }
0x3e: {  	[tilespmem:s14], [sflag:$0x1] =	stream.indirect_vreg.gather [hbm4b:s2+s5], $0x80, v4, vm0, $0xb8;
	[tilespmem:$0x15900] =	vst v63  }
0x3f: {  	s29 =	simm.s32 $0x4100  }
0x40: {  	[tilespmem:s29], [sflag:$0x1] =	stream.indirect_vreg.gather [hbm4b:s7+s5], $0x80, v4, vm0, $0xb8;
	[tilespmem:$0x15900] =	vst v63  }
0x41: {  	s30 =	simm.s32 $0x4900  }
0x42: {  	[tilespmem:s30], [sflag:$0x1] =	stream.indirect_vreg.gather [hbm4b:s2+s5], $0x80, v3, vm0, $0xb8;
	[tilespmem:$0x15900] =	vst v63  }
0x43: {  	s6 =	simm.s32 $0x5100  }
0x44: {  	[tilespmem:s6], [sflag:$0x1] =	stream.indirect_vreg.gather [hbm4b:s7+s5], $0x80, v3, vm0, $0xb8;
	[tilespmem:$0x15900] =	vst v63  }
0x45: {  	v3 =	vld.msk [tilespmem:$0x20], $0xff;
	_ =	sdelay $0x4  }
0x46: {  	v57 =	vshll.u32 v3, $0x2  }
0x47: {  	v3 =	vand.u32 $0x7, v3;
	v4 =	vand.u32 $0xFFFFFFE0, v57  }
0x48: {  	v3 =	vor.u32 v3, v4  }
0x49: {  	v3 =	vperm.xlane v3, v0;
	_ =	sdelay $0x1  }
0x4a: {  	v3 =	vadd.s32 v1, v3;
	_ =	sdelay $0x3  }
0x4b: {  	s8 =	simm.s32 $0x5900  }
0x4c: {  	[tilespmem:s8], [sflag:$0x1] =	stream.indirect_vreg.gather [hbm4b:s2+s5], $0x80, v3, vm0, $0xb8;
	[tilespmem:$0x15900] =	vst v63  }
0x4d: {  	s11 =	simm.s32 $0x6100  }
0x4e: {  	[tilespmem:s11], [sflag:$0x1] =	stream.indirect_vreg.gather [hbm4b:s7+s5], $0x80, v3, vm0, $0xb8;
	[tilespmem:$0x15900] =	vst v63  }
0x4f: {  	v3 =	vld [tilespmem:$0x28];
	_ =	sdelay $0x4  }
0x50: {  	v58 =	vshll.u32 v3, $0x2  }
0x51: {  	v3 =	vand.u32 $0x7, v3;
	v4 =	vand.u32 $0xFFFFFFE0, v58  }
0x52: {  	v3 =	vor.u32 v3, v4  }
0x53: {  	v4 =	vperm.xlane v3, v0;
	_ =	sdelay $0x1  }
0x54: {  	v4 =	vadd.s32 v1, v4;
	_ =	sdelay $0x1  }
0x55: {  	v3 =	vperm.xlane v3, v2;
	_ =	sdelay $0x1  }
0x56: {  	v3 =	vadd.s32 v1, v3  }
0x57: {  	[tilespmem:s22], [sflag:$0x2] =	stream.indirect_vreg.gather [hbm4b:s2+s5], $0x80, v4, vm0, $0xb8;
	[tilespmem:$0x15900] =	vst v63  }
0x58: {  	s13 =	simm.s32 $0x7100  }
0x59: {  	[tilespmem:s13], [sflag:$0x2] =	stream.indirect_vreg.gather [hbm4b:s7+s5], $0x80, v4, vm0, $0xb8;
	[tilespmem:$0x15900] =	vst v63  }
0x5a: {  	s14 =	simm.s32 $0x7900  }
0x5b: {  	[tilespmem:s14], [sflag:$0x2] =	stream.indirect_vreg.gather [hbm4b:s2+s5], $0x80, v3, vm0, $0xb8;
	[tilespmem:$0x15900] =	vst v63  }
0x5c: {  	s29 =	simm.s32 $0x8100  }
0x5d: {  	[tilespmem:s29], [sflag:$0x2] =	stream.indirect_vreg.gather [hbm4b:s7+s5], $0x80, v3, vm0, $0xb8;
	[tilespmem:$0x15900] =	vst v63  }
0x5e: {  	v3 =	vld [tilespmem:$0x38];
	_ =	sdelay $0x4  }
0x5f: {  	v59 =	vshll.u32 v3, $0x2  }
0x60: {  	v3 =	vand.u32 $0x7, v3;
	v4 =	vand.u32 $0xFFFFFFE0, v59  }
0x61: {  	v3 =	vor.u32 v3, v4  }
0x62: {  	v4 =	vperm.xlane v3, v0;
	_ =	sdelay $0x1  }
0x63: {  	v4 =	vadd.s32 v1, v4;
	_ =	sdelay $0x1  }
0x64: {  	v3 =	vperm.xlane v3, v2;
	_ =	sdelay $0x1  }
0x65: {  	s30 =	simm.s32 $0x8900;
	v3 =	vadd.s32 v1, v3  }
0x66: {  	[tilespmem:s30], [sflag:$0x2] =	stream.indirect_vreg.gather [hbm4b:s2+s5], $0x80, v4, vm0, $0xb8;
	[tilespmem:$0x15900] =	vst v63  }
0x67: {  	s6 =	simm.s32 $0x9100  }
0x68: {  	[tilespmem:s6], [sflag:$0x2] =	stream.indirect_vreg.gather [hbm4b:s7+s5], $0x80, v4, vm0, $0xb8;
	[tilespmem:$0x15900] =	vst v63  }
0x69: {  	s8 =	simm.s32 $0x9900  }
0x6a: {  	[tilespmem:s8], [sflag:$0x2] =	stream.indirect_vreg.gather [hbm4b:s2+s5], $0x80, v3, vm0, $0xb8;
	[tilespmem:$0x15900] =	vst v63  }
0x6b: {  	s11 =	simm.s32 $0xA100  }
0x6c: {  	[tilespmem:s11], [sflag:$0x2] =	stream.indirect_vreg.gather [hbm4b:s7+s5], $0x80, v3, vm0, $0xb8;
	[tilespmem:$0x15900] =	vst v63  }
0x6d: {  	v3 =	vld.msk [tilespmem:$0x48], $0xff;
	_ =	sdelay $0x4  }
0x6e: {  	v60 =	vshll.u32 v3, $0x2  }
0x6f: {  	v3 =	vand.u32 $0x7, v3;
	v4 =	vand.u32 $0xFFFFFFE0, v60  }
0x70: {  	v3 =	vor.u32 v3, v4  }
0x71: {  	v3 =	vperm.xlane v3, v0;
	_ =	sdelay $0x1  }
0x72: {  	v3 =	vadd.s32 v1, v3;
	_ =	sdelay $0x3  }
0x73: {  	s13 =	simm.s32 $0xA900  }
0x74: {  	[tilespmem:s13], [sflag:$0x2] =	stream.indirect_vreg.gather [hbm4b:s2+s5], $0x80, v3, vm0, $0xb8;
	[tilespmem:$0x15900] =	vst v63  }
0x75: {  	s14 =	simm.s32 $0xB100  }
0x76: {  	[tilespmem:s14], [sflag:$0x2] =	stream.indirect_vreg.gather [hbm4b:s7+s5], $0x80, v3, vm0, $0xb8;
	[tilespmem:$0x15900] =	vst v63  }
0x77: {  	v3 =	vld [tilespmem:$0x50];
	_ =	sdelay $0x4  }
0x78: {  	v61 =	vshll.u32 v3, $0x2  }
0x79: {  	v3 =	vand.u32 $0x7, v3;
	v4 =	vand.u32 $0xFFFFFFE0, v61  }
0x7a: {  	v3 =	vor.u32 v3, v4  }
0x7b: {  	v4 =	vperm.xlane v3, v0;
	_ =	sdelay $0x1  }
0x7c: {  	v4 =	vadd.s32 v1, v4;
	_ =	sdelay $0x1  }
0x7d: {  	v3 =	vperm.xlane v3, v2;
	_ =	sdelay $0x1  }
0x7e: {  	v3 =	vadd.s32 v1, v3  }
0x7f: {  	[tilespmem:s0], [sflag:$0x3] =	stream.indirect_vreg.gather [hbm4b:s2+s5], $0x80, v4, vm0, $0xb8;
	[tilespmem:$0x15900] =	vst v63  }
0x80: {  	s29 =	simm.s32 $0xC100  }
0x81: {  	[tilespmem:s29], [sflag:$0x3] =	stream.indirect_vreg.gather [hbm4b:s7+s5], $0x80, v4, vm0, $0xb8;
	[tilespmem:$0x15900] =	vst v63  }
0x82: {  	s30 =	simm.s32 $0xC900  }
0x83: {  	[tilespmem:s30], [sflag:$0x3] =	stream.indirect_vreg.gather [hbm4b:s2+s5], $0x80, v3, vm0, $0xb8;
	[tilespmem:$0x15900] =	vst v63  }
0x84: {  	_ = 	snop  }
0x85: {  	[tilespmem:s15], [sflag:$0x3] =	stream.indirect_vreg.gather [hbm4b:s7+s5], $0x80, v3, vm0, $0xb8;
	[tilespmem:$0x15900] =	vst v63  }
0x86: {  	v3 =	vld [tilespmem:$0x60];
	_ =	sdelay $0x4  }
0x87: {  	v62 =	vshll.u32 v3, $0x2  }
0x88: {  	v3 =	vand.u32 $0x7, v3;
	v4 =	vand.u32 $0xFFFFFFE0, v62  }
0x89: {  	v3 =	vor.u32 v3, v4  }
0x8a: {  	v4 =	vperm.xlane v3, v0;
	_ =	sdelay $0x1  }
0x8b: {  	v4 =	vadd.s32 v1, v4;
	_ =	sdelay $0x1  }
0x8c: {  	v3 =	vperm.xlane v3, v2;
	_ =	sdelay $0x1  }
0x8d: {  	v3 =	vadd.s32 v1, v3  }
0x8e: {  	[tilespmem:s16], [sflag:$0x3] =	stream.indirect_vreg.gather [hbm4b:s2+s5], $0x80, v4, vm0, $0xb8;
	[tilespmem:$0x15900] =	vst v63  }
0x8f: {  	_ = 	snop  }
0x90: {  	[tilespmem:s17], [sflag:$0x3] =	stream.indirect_vreg.gather [hbm4b:s7+s5], $0x80, v4, vm0, $0xb8;
	[tilespmem:$0x15900] =	vst v63  }
0x91: {  	_ = 	snop  }
0x92: {  	[tilespmem:s18], [sflag:$0x3] =	stream.indirect_vreg.gather [hbm4b:s2+s5], $0x80, v3, vm0, $0xb8;
	[tilespmem:$0x15900] =	vst v63  }
0x93: {  	_ = 	snop  }
0x94: {  	[tilespmem:s19], [sflag:$0x3] =	stream.indirect_vreg.gather [hbm4b:s7+s5], $0x80, v3, vm0, $0xb8;
	[tilespmem:$0x15900] =	vst v63  }
0x95: {  	v3 =	vld.msk [tilespmem:$0x70], $0xff;
	_ =	sdelay $0x4  }
0x96: {  	v63 =	vshll.u32 v3, $0x2  }
0x97: {  	v3 =	vand.u32 $0x7, v3;
	v4 =	vand.u32 $0xFFFFFFE0, v63  }
0x98: {  	v3 =	vor.u32 v3, v4  }
0x99: {  	v3 =	vperm.xlane v3, v0;
	_ =	sdelay $0x1  }
0x9a: {  	v3 =	vadd.s32 v1, v3;
	_ =	sdelay $0x4  }
0x9b: {  	[tilespmem:s20], [sflag:$0x3] =	stream.indirect_vreg.gather [hbm4b:s2+s5], $0x80, v3, vm0, $0xb8;
	[tilespmem:$0x15900] =	vst v63  }
0x9c: {  	s8 =	simm.s32 $0x0  }
0x9d: {  	[tilespmem:s21], [sflag:$0x3] =	stream.indirect_vreg.gather [hbm4b:s7+s5], $0x80, v3, vm0, $0xb8;
	[tilespmem:$0x15900] =	vst v63  }
.LBB2_2:
0x9e: {  	_ =	swait.ge [sflag:s23], $0x5000;
	s1 =	simm.s32 $0x0  }
0x9f: {  	[sflag:s23] =	ssyncset.done $0x0;
	s6 =	sand.u32 $0x7000, s1;
	s1 =	sand.u32 $0x380, s1  }
0xa0: {  	[sflag:s23] =	ssyncadd.s32 $0xFFFFB000;
	s29 =	sor.u32 s1, s6  }
0xa1: {  	v3 =	vld [tilespmem:s29+$0x1D70]  }
0xa2: {  	v4 =	vld [tilespmem:s29+$0x2100]  }
0xa3: {  	v5 =	vld [tilespmem:s29+$0x2110]  }
0xa4: {  	v6 =	vld [tilespmem:s29+$0x1D60]  }
0xa5: {  	v7 =	vld [tilespmem:s29+$0x1D50]  }
0xa6: {  	v8 =	vld [tilespmem:s29+$0x2120]  }
0xa7: {  	v9 =	vld [tilespmem:s29+$0x1D40]  }
0xa8: {  	v10 =	vld [tilespmem:s29+$0x2570]  }
0xa9: {  	v11 =	vld [tilespmem:s29+$0x2510]  }
0xaa: {  	v12 =	vld [tilespmem:s29+$0x2550]  }
0xab: {  	v16 =	vld [tilespmem:s29+$0x2130]  }
0xac: {  	v17 =	vld [tilespmem:s29+$0x2140]  }
0xad: {  	v14 =	vld [tilespmem:s29+$0x2500]  }
0xae: {  	v13 =	vld [tilespmem:s29+$0x2540]  }
0xaf: {  	v15 =	vld [tilespmem:s29+$0x1D30];
	v11 =	vmul.f32 $2.262741660e+01, v11  }
0xb0: {  	v18 =	vld [tilespmem:s29+$0x1D20];
	v10 =	vmul.f32 $2.262741660e+01, v10  }
0xb1: {  	v19 =	vld [tilespmem:s29+$0x1D10];
	v12 =	vmul.f32 $2.262741660e+01, v12;
	[tilespmem:s29+$0x2510] =	vst v11  }
0xb2: {  	v20 =	vld [tilespmem:s29+$0x1960];
	v14 =	vmul.f32 $2.262741660e+01, v14;
	[tilespmem:s29+$0x2570] =	vst v10  }
0xb3: {  	v24 =	vld [tilespmem:s29+$0x1900];
	v11 =	vmul.f32 $2.262741660e+01, v13;
	[tilespmem:s29+$0x2550] =	vst v12  }
0xb4: {  	v15 =	vmul.f32 $2.262741660e+01, v15;
	v10 =	vld [tilespmem:s29+$0x2520];
	[tilespmem:s29+$0x2500] =	vst v14  }
0xb5: {  	v13 =	vld [tilespmem:s29+$0x1D00];
	[tilespmem:s29+$0x2540] =	vst v11;
	v11 =	vmul.f32 $2.262741660e+01, v18  }
0xb6: {  	v12 =	vld [tilespmem:s29+$0x1970];
	[tilespmem:s29+$0x1D30] =	vst v15;
	v18 =	vmul.f32 $2.262741660e+01, v9;
	v9 =	vmul.f32 $2.262741660e+01, v19  }
0xb7: {  	v22 =	vld [tilespmem:s29+$0x2160];
	v21 =	vmul.f32 $2.262741660e+01, v7;
	v20 =	vmul.f32 $2.262741660e+01, v20;
	[tilespmem:s29+$0x1D20] =	vst v11  }
0xb8: {  	v19 =	vld [tilespmem:s29+$0x2150];
	v11 =	vmul.f32 $2.262741660e+01, v6;
	[tilespmem:s29+$0x1D10] =	vst v9;
	v9 =	vmul.f32 $2.262741660e+01, v8  }
0xb9: {  	v23 =	vld [tilespmem:s29+$0x2170];
	[tilespmem:s29+$0x1960] =	vst v20;
	v8 =	vmul.f32 $2.262741660e+01, v24;
	v7 =	vmul.f32 $2.262741660e+01, v10  }
0xba: {  	v14 =	vld [tilespmem:s29+$0x1910];
	[tilespmem:s29+$0x1D50] =	vst v21;
	v6 =	vmul.f32 $2.262741660e+01, v13;
	v10 =	vmul.f32 $2.262741660e+01, v3  }
0xbb: {  	v15 =	vld [tilespmem:s29+$0x1940];
	[tilespmem:s29+$0x1D40] =	vst v18;
	v3 =	vmul.f32 $2.262741660e+01, v12;
	v12 =	vmul.f32 $2.262741660e+01, v4  }
0xbc: {  	v13 =	vmul.f32 $2.262741660e+01, v5;
	v4 =	vmul.f32 $2.262741660e+01, v16;
	v16 =	vld [tilespmem:s29+$0x1920];
	[tilespmem:s29+$0x2520] =	vst v7  }
0xbd: {  	[tilespmem:s29+$0x1D00] =	vst v6;
	v7 =	vmul.f32 $2.262741660e+01, v17;
	v5 =	vmul.f32 $2.262741660e+01, v19;
	v17 =	vld [tilespmem:s29+$0x1930]  }
0xbe: {  	s1 =	simm.s32 $0x200;
	s6 =	simm.s32 $0x80;
	v18 =	vld [tilespmem:s29+$0x2530];
	[tilespmem:s29+$0x1970] =	vst v3;
	v6 =	vmul.f32 $2.262741660e+01, v22;
	v3 =	vmul.f32 $2.262741660e+01, v23  }
.LBB2_3:
0xbf: {  	s11 =	sand.u32 $0x7000, s1;
	s30 =	sand.u32 $0x380, s6;
	v14 =	vmul.f32 $2.262741660e+01, v14;
	[tilespmem:s29+$0x1D60] =	vst v11;
	v11 =	vld [tilespmem:s29+$0x2560]  }
0xc0: {  	p0 =	sne.s32 s1, $0x4E00;
	s1 =	sadd.s32 $0x200, s1;
	s11 =	sor.u32 s30, s11;
	v15 =	vmul.f32 $2.262741660e+01, v15;
	v19 =	vld [tilespmem:s29+$0x1950];
	[tilespmem:s29+$0x1D70] =	vst v10  }
0xc1: {  	v10 =	vld [tilespmem:s11+$0x1D70];
	v16 =	vmul.f32 $2.262741660e+01, v16;
	[tilespmem:s29+$0x2100] =	vst v12  }
0xc2: {  	v12 =	vld [tilespmem:s11+$0x2100];
	v17 =	vmul.f32 $2.262741660e+01, v17;
	[tilespmem:s29+$0x2110] =	vst v13  }
0xc3: {  	v13 =	vld [tilespmem:s11+$0x2110];
	[tilespmem:s29+$0x1920] =	vst v16;
	v16 =	vmul.f32 $2.262741660e+01, v18  }
0xc4: {  	v18 =	vld [tilespmem:s11+$0x1D60];
	[tilespmem:s29+$0x1930] =	vst v17;
	v11 =	vmul.f32 $2.262741660e+01, v11  }
0xc5: {  	v17 =	vld [tilespmem:s11+$0x1D50];
	v19 =	vmul.f32 $2.262741660e+01, v19;
	[tilespmem:s29+$0x2120] =	vst v9  }
0xc6: {  	v9 =	vld [tilespmem:s11+$0x2120];
	[tilespmem:s29+$0x2530] =	vst v16  }
0xc7: {  	v16 =	vld [tilespmem:s11+$0x1D40];
	[tilespmem:s29+$0x1950] =	vst v19  }
0xc8: {  	v19 =	vld [tilespmem:s11+$0x2570];
	[tilespmem:s29+$0x1940] =	vst v15  }
0xc9: {  	v15 =	vld [tilespmem:s11+$0x2510];
	[tilespmem:s29+$0x2560] =	vst v11  }
0xca: {  	v11 =	vld [tilespmem:s11+$0x2550];
	[tilespmem:s29+$0x2130] =	vst v4  }
0xcb: {  	v4 =	vld [tilespmem:s11+$0x2130];
	[tilespmem:s29+$0x2140] =	vst v7  }
0xcc: {  	v7 =	vld [tilespmem:s11+$0x2140];
	[tilespmem:s29+$0x1910] =	vst v14  }
0xcd: {  	v14 =	vld [tilespmem:s11+$0x2540];
	[tilespmem:s29+$0x2150] =	vst v5  }
0xce: {  	v19 =	vmul.f32 $2.262741660e+01, v19;
	v5 =	vld [tilespmem:s11+$0x2500];
	[tilespmem:s29+$0x2160] =	vst v6  }
0xcf: {  	v6 =	vld [tilespmem:s11+$0x1D30];
	[tilespmem:s29+$0x1900] =	vst v8  }
0xd0: {  	v15 =	vmul.f32 $2.262741660e+01, v15;
	v8 =	vld [tilespmem:s11+$0x1D20];
	[tilespmem:s29+$0x2170] =	vst v3;
	s29 =	smov.u32 s11  }
0xd1: {  	v11 =	vmul.f32 $2.262741660e+01, v11;
	v3 =	vld [tilespmem:s29+$0x1D10];
	[tilespmem:s29+$0x2570] =	vst v19  }
0xd2: {  	v19 =	vmul.f32 $2.262741660e+01, v16;
	[tilespmem:s29+$0x2510] =	vst v15;
	v15 =	vld [tilespmem:s29+$0x2520];
	v14 =	vmul.f32 $2.262741660e+01, v14  }
0xd3: {  	v20 =	vmul.f32 $2.262741660e+01, v17;
	v16 =	vld [tilespmem:s29+$0x1D00];
	v5 =	vmul.f32 $2.262741660e+01, v5;
	[tilespmem:s29+$0x2550] =	vst v11  }
0xd4: {  	v11 =	vmul.f32 $2.262741660e+01, v18;
	v17 =	vld [tilespmem:s29+$0x1970];
	v6 =	vmul.f32 $2.262741660e+01, v6;
	[tilespmem:s29+$0x2540] =	vst v14  }
0xd5: {  	v10 =	vmul.f32 $2.262741660e+01, v10;
	v18 =	vld [tilespmem:s29+$0x1960];
	v8 =	vmul.f32 $2.262741660e+01, v8;
	[tilespmem:s29+$0x2500] =	vst v5  }
0xd6: {  	v12 =	vmul.f32 $2.262741660e+01, v12;
	v3 =	vmul.f32 $2.262741660e+01, v3;
	[tilespmem:s29+$0x1D30] =	vst v6;
	v5 =	vld [tilespmem:s29+$0x2150]  }
0xd7: {  	v13 =	vmul.f32 $2.262741660e+01, v13;
	[tilespmem:s29+$0x1D20] =	vst v8;
	v6 =	vld [tilespmem:s29+$0x2160];
	v8 =	vmul.f32 $2.262741660e+01, v15  }
0xd8: {  	v9 =	vmul.f32 $2.262741660e+01, v9;
	v15 =	vmul.f32 $2.262741660e+01, v16;
	[tilespmem:s29+$0x1D10] =	vst v3;
	v3 =	vld [tilespmem:s29+$0x2170]  }
0xd9: {  	v4 =	vmul.f32 $2.262741660e+01, v4;
	v21 =	vld [tilespmem:s29+$0x1900];
	v16 =	vmul.f32 $2.262741660e+01, v17;
	[tilespmem:s29+$0x2520] =	vst v8  }
.Ltmp2:
0xda: {  	v7 =	vmul.f32 $2.262741660e+01, v7;
	v14 =	vld [tilespmem:s29+$0x1910];
	v8 =	vmul.f32 $2.262741660e+01, v18;
	[tilespmem:s29+$0x1D00] =	vst v15;
	(pc) =	sbr.rel @p0 .LBB2_3-.Ltmp2, $4  }
0xdb: {  	v15 =	vld [tilespmem:s29+$0x1940];
	[tilespmem:s29+$0x1970] =	vst v16;
	v5 =	vmul.f32 $2.262741660e+01, v5  }
0xdc: {  	v16 =	vld [tilespmem:s29+$0x1920];
	[tilespmem:s29+$0x1960] =	vst v8;
	v6 =	vmul.f32 $2.262741660e+01, v6  }
0xdd: {  	v17 =	vld [tilespmem:s29+$0x1930];
	[tilespmem:s29+$0x1D40] =	vst v19;
	v3 =	vmul.f32 $2.262741660e+01, v3  }
0xde: {  	s6 =	sadd.s32 $0x80, s6;
	v8 =	vmul.f32 $2.262741660e+01, v21;
	[tilespmem:s29+$0x1D50] =	vst v20;
	v18 =	vld [tilespmem:s29+$0x2530]  }
0xdf: {  	[tilespmem:s29+$0x1D60] =	vst v11  }
0xe0: {  	[tilespmem:s29+$0x1D70] =	vst v10  }
0xe1: {  	[tilespmem:s29+$0x2100] =	vst v12  }
0xe2: {  	[tilespmem:s29+$0x2110] =	vst v13  }
0xe3: {  	[tilespmem:s29+$0x2120] =	vst v9  }
0xe4: {  	[tilespmem:s29+$0x2130] =	vst v4  }
0xe5: {  	[tilespmem:s29+$0x2140] =	vst v7  }
0xe6: {  	[tilespmem:s29+$0x2150] =	vst v5  }
0xe7: {  	[tilespmem:s29+$0x2160] =	vst v6  }
0xe8: {  	v11 =	vld [tilespmem:s29+$0x1950];
	[tilespmem:s29+$0x2170] =	vst v3;
	v9 =	vmul.f32 $2.262741660e+01, v15  }
0xe9: {  	v12 =	vld [tilespmem:s29+$0x2560];
	[tilespmem:s29+$0x1900] =	vst v8;
	v10 =	vmul.f32 $2.262741660e+01, v16  }
0xea: {  	v16 =	vmul.f32 $2.262741660e+01, v17;
	[tilespmem:s29+$0x1940] =	vst v9  }
0xeb: {  	v9 =	vmul.f32 $2.262741660e+01, v14;
	[tilespmem:s29+$0x1920] =	vst v10  }
0xec: {  	s11 =	smul.u32 $0xA0, s8;
	v10 =	vmul.f32 $2.262741660e+01, v18;
	[tilespmem:s29+$0x1930] =	vst v16  }
0xed: {  	v11 =	vmul.f32 $2.262741660e+01, v11;
	[tilespmem:s29+$0x1910] =	vst v9  }
0xee: {  	s1 =	sadd.s32 s4, s11;
	[tilespmem:s29+$0x2530] =	vst v10;
	v10 =	vmul.f32 $2.262741660e+01, v12  }
0xef: {  	s1 =	sshll.u32 s1, $0x6;
	[tilespmem:s29+$0x1950] =	vst v11  }
0xf0: {  	p0 =	sne.s32 s8, $0x0;
	s1 =	sadd.s32 s3, s1;
	[tilespmem:s29+$0x2560] =	vst v10  }
0xf1: {  	[hbm4b:s1+s5] =	stream.linear.scatter [tilespmem:s12], [sflag:$0x5], $0x5000, $0x38;
	[tilespmem:$0x15900] =	vst v63  }
0xf2: {  	s29 =	sshllo.u32 @p0 s8, $0x2;
	s1 =	simm.s32 @p0 $0x8  }
0xf3: {  	s6 =	smul.u32 @p0 $0xA0, s29;
	_ =	swait.ge @p0 [sflag:s1], $0x5000  }
0xf4: {  	[sflag:s1] =	ssyncset.done @p0 $0x0  }
0xf5: {  	[sflag:s1] =	ssyncadd.s32 @p0 $0xFFFFB000;
	s1 =	sshra.s32 @p0 s6, $0x2  }
0xf6: {  	v3 =	vld @p0 [tilespmem:s1+$0x0];
	_ =	sdelay $0x4  }
0xf7: {  	v4 =	vshll.u32 @p0 v3, $0x2  }
0xf8: {  	v5 =	vlaneseq.u32 @p0;
	v3 =	vand.u32 @p0 $0x7, v3;
	v4 =	vand.u32 @p0 $0xFFFFFFE0, v4  }
0xf9: {  	v6 =	vshrl.u32 @p0 v5, $0x3;
	v3 =	vor.u32 @p0 v3, v4;
	v4 =	vand.u32 @p0 $0x7, v5  }
0xfa: {  	v6 =	vmul.u32 @p0 $0x8, v6;
	v7 =	vperm.xlane @p0 v3, v4;
	_ =	sdelay $0x1  }
0xfb: {  	v7 =	vadd.s32 @p0 v6, v7  }
0xfc: {  	v5 =	vor.u32 @p0 $0x8, v5  }
0xfd: {  	v3 =	vperm.xlane @p0 v3, v5;
	_ =	sdelay $0x1  }
0xfe: {  	vm1 =	vmmov @p0 $0xffff;
	s30 =	simm.s32 @p0 $0x10900;
	s6 =	simm.s32 @p0 $0x0;
	v3 =	vadd.s32 @p0 v6, v3  }
0xff: {  	[tilespmem:s30], [sflag:$0x4] =	stream.indirect_vreg.gather @p0 [hbm4b:s2+s6], $0x80, v7, vm1, $0xb8;
	[tilespmem:$0x15900] =	vst v63  }
0x100: {  	s30 =	simm.s32 @p0 $0x11100  }
0x101: {  	[tilespmem:s30], [sflag:$0x4] =	stream.indirect_vreg.gather @p0 [hbm4b:s7+s6], $0x80, v7, vm1, $0xb8;
	[tilespmem:$0x15900] =	vst v63  }
0x102: {  	s30 =	simm.s32 @p0 $0x11900  }
0x103: {  	[tilespmem:s30], [sflag:$0x4] =	stream.indirect_vreg.gather @p0 [hbm4b:s2+s6], $0x80, v3, vm1, $0xb8;
	[tilespmem:$0x15900] =	vst v63  }
0x104: {  	s30 =	simm.s32 @p0 $0x12100  }
0x105: {  	[tilespmem:s30], [sflag:$0x4] =	stream.indirect_vreg.gather @p0 [hbm4b:s7+s6], $0x80, v3, vm1, $0xb8;
	[tilespmem:$0x15900] =	vst v63  }
0x106: {  	v3 =	vld @p0 [tilespmem:s1+$0x10];
	_ =	sdelay $0x4  }
0x107: {  	v7 =	vshll.u32 @p0 v3, $0x2  }
0x108: {  	v3 =	vand.u32 @p0 $0x7, v3;
	v7 =	vand.u32 @p0 $0xFFFFFFE0, v7  }
0x109: {  	v3 =	vor.u32 @p0 v3, v7  }
0x10a: {  	v7 =	vperm.xlane @p0 v3, v4;
	_ =	sdelay $0x1  }
0x10b: {  	v7 =	vadd.s32 @p0 v6, v7;
	_ =	sdelay $0x1  }
0x10c: {  	v3 =	vperm.xlane @p0 v3, v5;
	_ =	sdelay $0x1  }
0x10d: {  	s30 =	simm.s32 @p0 $0x12900;
	v3 =	vadd.s32 @p0 v6, v3  }
0x10e: {  	[tilespmem:s30], [sflag:$0x4] =	stream.indirect_vreg.gather @p0 [hbm4b:s2+s6], $0x80, v7, vm1, $0xb8;
	[tilespmem:$0x15900] =	vst v63  }
0x10f: {  	s30 =	simm.s32 @p0 $0x13100  }
0x110: {  	[tilespmem:s30], [sflag:$0x4] =	stream.indirect_vreg.gather @p0 [hbm4b:s7+s6], $0x80, v7, vm1, $0xb8;
	[tilespmem:$0x15900] =	vst v63  }
0x111: {  	s30 =	simm.s32 @p0 $0x13900  }
0x112: {  	[tilespmem:s30], [sflag:$0x4] =	stream.indirect_vreg.gather @p0 [hbm4b:s2+s6], $0x80, v3, vm1, $0xb8;
	[tilespmem:$0x15900] =	vst v63  }
0x113: {  	s30 =	simm.s32 @p0 $0x14100  }
0x114: {  	[tilespmem:s30], [sflag:$0x4] =	stream.indirect_vreg.gather @p0 [hbm4b:s7+s6], $0x80, v3, vm1, $0xb8;
	[tilespmem:$0x15900] =	vst v63  }
0x115: {  	v3 =	vld.msk @p0 [tilespmem:s1+$0x20], $0xff;
	_ =	sdelay $0x4  }
0x116: {  	v5 =	vshll.u32 @p0 v3, $0x2  }
0x117: {  	v3 =	vand.u32 @p0 $0x7, v3;
	v5 =	vand.u32 @p0 $0xFFFFFFE0, v5  }
0x118: {  	v3 =	vor.u32 @p0 v3, v5  }
0x119: {  	v3 =	vperm.xlane @p0 v3, v4;
	_ =	sdelay $0x1  }
0x11a: {  	v3 =	vadd.s32 @p0 v6, v3;
	_ =	sdelay $0x3  }
0x11b: {  	s1 =	simm.s32 @p0 $0x14900  }
0x11c: {  	[tilespmem:s1], [sflag:$0x4] =	stream.indirect_vreg.gather @p0 [hbm4b:s2+s6], $0x80, v3, vm1, $0xb8;
	[tilespmem:$0x15900] =	vst v63  }
0x11d: {  	s1 =	simm.s32 @p0 $0x15100  }
0x11e: {  	[tilespmem:s1], [sflag:$0x4] =	stream.indirect_vreg.gather @p0 [hbm4b:s7+s6], $0x80, v3, vm1, $0xb8;
	[tilespmem:$0x15900] =	vst v63  }
0x11f: {  	v3 =	vld @!p0 [tilespmem:$0x78];
	_ =	sdelay $0x4  }
0x120: {  	v4 =	vshll.u32 @!p0 v3, $0x2  }
0x121: {  	v5 =	vlaneseq.u32 @!p0;
	v3 =	vand.u32 @!p0 $0x7, v3;
	v4 =	vand.u32 @!p0 $0xFFFFFFE0, v4  }
0x122: {  	v6 =	vshrl.u32 @!p0 v5, $0x3;
	v3 =	vor.u32 @!p0 v3, v4;
	v4 =	vand.u32 @!p0 $0x7, v5  }
0x123: {  	v6 =	vmul.u32 @!p0 $0x8, v6;
	v7 =	vperm.xlane @!p0 v3, v4;
	_ =	sdelay $0x1  }
0x124: {  	v7 =	vadd.s32 @!p0 v6, v7  }
0x125: {  	v5 =	vor.u32 @!p0 $0x8, v5  }
0x126: {  	v3 =	vperm.xlane @!p0 v3, v5;
	_ =	sdelay $0x1  }
0x127: {  	vm1 =	vmmov @!p0 $0xffff;
	s1 =	simm.s32 @!p0 $0x0;
	s6 =	simm.s32 @!p0 $0x10900;
	v3 =	vadd.s32 @!p0 v6, v3  }
0x128: {  	[tilespmem:s6], [sflag:$0x4] =	stream.indirect_vreg.gather @!p0 [hbm4b:s2+s1], $0x80, v7, vm1, $0xb8;
	[tilespmem:$0x15900] =	vst v63  }
0x129: {  	s6 =	simm.s32 @!p0 $0x11100  }
0x12a: {  	[tilespmem:s6], [sflag:$0x4] =	stream.indirect_vreg.gather @!p0 [hbm4b:s7+s1], $0x80, v7, vm1, $0xb8;
	[tilespmem:$0x15900] =	vst v63  }
0x12b: {  	s6 =	simm.s32 @!p0 $0x11900  }
0x12c: {  	[tilespmem:s6], [sflag:$0x4] =	stream.indirect_vreg.gather @!p0 [hbm4b:s2+s1], $0x80, v3, vm1, $0xb8;
	[tilespmem:$0x15900] =	vst v63  }
0x12d: {  	s6 =	simm.s32 @!p0 $0x12100  }
0x12e: {  	[tilespmem:s6], [sflag:$0x4] =	stream.indirect_vreg.gather @!p0 [hbm4b:s7+s1], $0x80, v3, vm1, $0xb8;
	[tilespmem:$0x15900] =	vst v63  }
0x12f: {  	v3 =	vld @!p0 [tilespmem:$0x88];
	_ =	sdelay $0x4  }
0x130: {  	v7 =	vshll.u32 @!p0 v3, $0x2  }
0x131: {  	v3 =	vand.u32 @!p0 $0x7, v3;
	v7 =	vand.u32 @!p0 $0xFFFFFFE0, v7  }
0x132: {  	v3 =	vor.u32 @!p0 v3, v7  }
0x133: {  	v7 =	vperm.xlane @!p0 v3, v4;
	_ =	sdelay $0x1  }
0x134: {  	v7 =	vadd.s32 @!p0 v6, v7;
	_ =	sdelay $0x1  }
0x135: {  	v3 =	vperm.xlane @!p0 v3, v5;
	_ =	sdelay $0x1  }
0x136: {  	s6 =	simm.s32 @!p0 $0x12900;
	v3 =	vadd.s32 @!p0 v6, v3  }
0x137: {  	[tilespmem:s6], [sflag:$0x4] =	stream.indirect_vreg.gather @!p0 [hbm4b:s2+s1], $0x80, v7, vm1, $0xb8;
	[tilespmem:$0x15900] =	vst v63  }
0x138: {  	s6 =	simm.s32 @!p0 $0x13100  }
0x139: {  	[tilespmem:s6], [sflag:$0x4] =	stream.indirect_vreg.gather @!p0 [hbm4b:s7+s1], $0x80, v7, vm1, $0xb8;
	[tilespmem:$0x15900] =	vst v63  }
0x13a: {  	s6 =	simm.s32 @!p0 $0x13900  }
0x13b: {  	[tilespmem:s6], [sflag:$0x4] =	stream.indirect_vreg.gather @!p0 [hbm4b:s2+s1], $0x80, v3, vm1, $0xb8;
	[tilespmem:$0x15900] =	vst v63  }
0x13c: {  	s6 =	simm.s32 @!p0 $0x14100  }
0x13d: {  	[tilespmem:s6], [sflag:$0x4] =	stream.indirect_vreg.gather @!p0 [hbm4b:s7+s1], $0x80, v3, vm1, $0xb8;
	[tilespmem:$0x15900] =	vst v63  }
0x13e: {  	v3 =	vld.msk @!p0 [tilespmem:$0x98], $0xff;
	_ =	sdelay $0x4  }
0x13f: {  	v5 =	vshll.u32 @!p0 v3, $0x2  }
0x140: {  	v3 =	vand.u32 @!p0 $0x7, v3;
	v5 =	vand.u32 @!p0 $0xFFFFFFE0, v5  }
0x141: {  	v3 =	vor.u32 @!p0 v3, v5  }
0x142: {  	v3 =	vperm.xlane @!p0 v3, v4;
	_ =	sdelay $0x1  }
0x143: {  	v3 =	vadd.s32 @!p0 v6, v3;
	_ =	sdelay $0x3  }
0x144: {  	s6 =	simm.s32 @!p0 $0x14900  }
0x145: {  	[tilespmem:s6], [sflag:$0x4] =	stream.indirect_vreg.gather @!p0 [hbm4b:s2+s1], $0x80, v3, vm1, $0xb8;
	[tilespmem:$0x15900] =	vst v63  }
0x146: {  	s6 =	simm.s32 @!p0 $0x15100  }
0x147: {  	[tilespmem:s6], [sflag:$0x4] =	stream.indirect_vreg.gather @!p0 [hbm4b:s7+s1], $0x80, v3, vm1, $0xb8;
	[tilespmem:$0x15900] =	vst v63  }
0x148: {  	s13 =	simm.s32 $0x0;
	_ =	swait.ge [sflag:s24], $0x5000  }
0x149: {  	s14 =	sand.u32 $0x7000, s13;
	s1 =	sand.u32 $0x380, s13;
	[sflag:s24] =	ssyncset.done $0x0  }
0x14a: {  	s30 =	sor.u32 s1, s14;
	[sflag:s24] =	ssyncadd.s32 $0xFFFFB000  }
0x14b: {  	v3 =	vld [tilespmem:s30+$0x6D70]  }
0x14c: {  	v4 =	vld [tilespmem:s30+$0x7100]  }
0x14d: {  	v5 =	vld [tilespmem:s30+$0x7110]  }
0x14e: {  	v6 =	vld [tilespmem:s30+$0x6D60]  }
0x14f: {  	v7 =	vld [tilespmem:s30+$0x6D50]  }
0x150: {  	v8 =	vld [tilespmem:s30+$0x7120]  }
0x151: {  	v9 =	vld [tilespmem:s30+$0x6D40]  }
0x152: {  	v10 =	vld [tilespmem:s30+$0x7570]  }
0x153: {  	v11 =	vld [tilespmem:s30+$0x7510]  }
0x154: {  	v12 =	vld [tilespmem:s30+$0x7550]  }
0x155: {  	v16 =	vld [tilespmem:s30+$0x7130]  }
0x156: {  	v17 =	vld [tilespmem:s30+$0x7140]  }
0x157: {  	v14 =	vld [tilespmem:s30+$0x7500]  }
0x158: {  	v13 =	vld [tilespmem:s30+$0x7540]  }
0x159: {  	v15 =	vld [tilespmem:s30+$0x6D30];
	v11 =	vmul.f32 $2.262741660e+01, v11  }
0x15a: {  	v18 =	vld [tilespmem:s30+$0x6D20];
	v10 =	vmul.f32 $2.262741660e+01, v10  }
0x15b: {  	v19 =	vld [tilespmem:s30+$0x6D10];
	v12 =	vmul.f32 $2.262741660e+01, v12;
	[tilespmem:s30+$0x7510] =	vst v11  }
0x15c: {  	v24 =	vld [tilespmem:s30+$0x6900];
	v14 =	vmul.f32 $2.262741660e+01, v14;
	[tilespmem:s30+$0x7570] =	vst v10  }
0x15d: {  	v10 =	vld [tilespmem:s30+$0x7520];
	v11 =	vmul.f32 $2.262741660e+01, v13;
	[tilespmem:s30+$0x7550] =	vst v12  }
0x15e: {  	v15 =	vmul.f32 $2.262741660e+01, v15;
	v13 =	vld [tilespmem:s30+$0x6D00];
	[tilespmem:s30+$0x7500] =	vst v14  }
0x15f: {  	v12 =	vld [tilespmem:s30+$0x6970];
	[tilespmem:s30+$0x7540] =	vst v11;
	v11 =	vmul.f32 $2.262741660e+01, v18  }
0x160: {  	v20 =	vld [tilespmem:s30+$0x6960];
	[tilespmem:s30+$0x6D30] =	vst v15;
	v18 =	vmul.f32 $2.262741660e+01, v9;
	v9 =	vmul.f32 $2.262741660e+01, v19  }
0x161: {  	v22 =	vld [tilespmem:s30+$0x7160];
	v21 =	vmul.f32 $2.262741660e+01, v7;
	[tilespmem:s30+$0x6D20] =	vst v11;
	v11 =	vmul.f32 $2.262741660e+01, v6  }
0x162: {  	v19 =	vld [tilespmem:s30+$0x7150];
	[tilespmem:s30+$0x6D10] =	vst v9;
	v9 =	vmul.f32 $2.262741660e+01, v8;
	v8 =	vmul.f32 $2.262741660e+01, v24  }
0x163: {  	v23 =	vld [tilespmem:s30+$0x7170];
	[tilespmem:s30+$0x6D50] =	vst v21;
	v7 =	vmul.f32 $2.262741660e+01, v10;
	v6 =	vmul.f32 $2.262741660e+01, v13  }
0x164: {  	v14 =	vld [tilespmem:s30+$0x6910];
	[tilespmem:s30+$0x6D40] =	vst v18;
	v10 =	vmul.f32 $2.262741660e+01, v3;
	v3 =	vmul.f32 $2.262741660e+01, v12  }
0x165: {  	v15 =	vld [tilespmem:s30+$0x6940];
	v12 =	vmul.f32 $2.262741660e+01, v4;
	v4 =	vmul.f32 $2.262741660e+01, v20;
	[tilespmem:s30+$0x7520] =	vst v7  }
0x166: {  	s29 =	smul.u32 @p0 $0x28, s29;
	v13 =	vmul.f32 $2.262741660e+01, v5;
	[tilespmem:s30+$0x6970] =	vst v3;
	v3 =	vmul.f32 $2.262741660e+01, v16;
	v16 =	vld [tilespmem:s30+$0x6920]  }
0x167: {  	[tilespmem:s30+$0x6D00] =	vst v6;
	v7 =	vmul.f32 $2.262741660e+01, v17;
	v5 =	vmul.f32 $2.262741660e+01, v19;
	v17 =	vld [tilespmem:s30+$0x6930]  }
0x168: {  	s29 =	simm.s32 @!p0 $0x78;
	s6 =	simm.s32 $0x80;
	s1 =	simm.s32 $0x200;
	v18 =	vld [tilespmem:s30+$0x7530];
	[tilespmem:s30+$0x6960] =	vst v4;
	v6 =	vmul.f32 $2.262741660e+01, v22;
	v4 =	vmul.f32 $2.262741660e+01, v23  }
.LBB2_5:
0x169: {  	s13 =	sand.u32 $0x7000, s1;
	s14 =	sand.u32 $0x380, s6;
	v14 =	vmul.f32 $2.262741660e+01, v14;
	[tilespmem:s30+$0x6D60] =	vst v11;
	v11 =	vld [tilespmem:s30+$0x7560]  }
0x16a: {  	p0 =	sne.s32 s1, $0x4E00;
	s1 =	sadd.s32 $0x200, s1;
	s13 =	sor.u32 s14, s13;
	v15 =	vmul.f32 $2.262741660e+01, v15;
	v19 =	vld [tilespmem:s30+$0x6950];
	[tilespmem:s30+$0x6D70] =	vst v10  }
0x16b: {  	v10 =	vld [tilespmem:s13+$0x6D70];
	v16 =	vmul.f32 $2.262741660e+01, v16;
	[tilespmem:s30+$0x7100] =	vst v12  }
0x16c: {  	v12 =	vld [tilespmem:s13+$0x7100];
	v17 =	vmul.f32 $2.262741660e+01, v17;
	[tilespmem:s30+$0x7110] =	vst v13  }
0x16d: {  	v13 =	vld [tilespmem:s13+$0x7110];
	[tilespmem:s30+$0x6920] =	vst v16;
	v16 =	vmul.f32 $2.262741660e+01, v18  }
0x16e: {  	v18 =	vld [tilespmem:s13+$0x6D60];
	[tilespmem:s30+$0x6930] =	vst v17;
	v11 =	vmul.f32 $2.262741660e+01, v11  }
0x16f: {  	v17 =	vld [tilespmem:s13+$0x6D50];
	v19 =	vmul.f32 $2.262741660e+01, v19;
	[tilespmem:s30+$0x7120] =	vst v9  }
0x170: {  	v9 =	vld [tilespmem:s13+$0x7120];
	[tilespmem:s30+$0x7530] =	vst v16  }
0x171: {  	v16 =	vld [tilespmem:s13+$0x6D40];
	[tilespmem:s30+$0x6950] =	vst v19  }
0x172: {  	v19 =	vld [tilespmem:s13+$0x7570];
	[tilespmem:s30+$0x6940] =	vst v15  }
0x173: {  	v15 =	vld [tilespmem:s13+$0x7510];
	[tilespmem:s30+$0x7560] =	vst v11  }
0x174: {  	v11 =	vld [tilespmem:s13+$0x7550];
	[tilespmem:s30+$0x7130] =	vst v3  }
0x175: {  	v3 =	vld [tilespmem:s13+$0x7130];
	[tilespmem:s30+$0x7140] =	vst v7  }
0x176: {  	v7 =	vld [tilespmem:s13+$0x7140];
	[tilespmem:s30+$0x6910] =	vst v14  }
0x177: {  	v14 =	vld [tilespmem:s13+$0x7540];
	[tilespmem:s30+$0x7150] =	vst v5  }
0x178: {  	v19 =	vmul.f32 $2.262741660e+01, v19;
	v5 =	vld [tilespmem:s13+$0x7500];
	[tilespmem:s30+$0x7160] =	vst v6  }
0x179: {  	v6 =	vld [tilespmem:s13+$0x6D30];
	[tilespmem:s30+$0x6900] =	vst v8  }
0x17a: {  	v15 =	vmul.f32 $2.262741660e+01, v15;
	v8 =	vld [tilespmem:s13+$0x6D20];
	[tilespmem:s30+$0x7170] =	vst v4;
	s30 =	smov.u32 s13  }
0x17b: {  	v11 =	vmul.f32 $2.262741660e+01, v11;
	v4 =	vld [tilespmem:s30+$0x6D10];
	[tilespmem:s30+$0x7570] =	vst v19  }
0x17c: {  	v19 =	vmul.f32 $2.262741660e+01, v16;
	[tilespmem:s30+$0x7510] =	vst v15;
	v15 =	vld [tilespmem:s30+$0x7520];
	v14 =	vmul.f32 $2.262741660e+01, v14  }
0x17d: {  	v20 =	vmul.f32 $2.262741660e+01, v17;
	v16 =	vld [tilespmem:s30+$0x6D00];
	v5 =	vmul.f32 $2.262741660e+01, v5;
	[tilespmem:s30+$0x7550] =	vst v11  }
0x17e: {  	v11 =	vmul.f32 $2.262741660e+01, v18;
	v17 =	vld [tilespmem:s30+$0x6970];
	v6 =	vmul.f32 $2.262741660e+01, v6;
	[tilespmem:s30+$0x7540] =	vst v14  }
0x17f: {  	v10 =	vmul.f32 $2.262741660e+01, v10;
	v18 =	vld [tilespmem:s30+$0x6960];
	v8 =	vmul.f32 $2.262741660e+01, v8;
	[tilespmem:s30+$0x7500] =	vst v5  }
0x180: {  	v12 =	vmul.f32 $2.262741660e+01, v12;
	v4 =	vmul.f32 $2.262741660e+01, v4;
	[tilespmem:s30+$0x6D30] =	vst v6;
	v5 =	vld [tilespmem:s30+$0x7150]  }
0x181: {  	v13 =	vmul.f32 $2.262741660e+01, v13;
	[tilespmem:s30+$0x6D20] =	vst v8;
	v6 =	vld [tilespmem:s30+$0x7160];
	v8 =	vmul.f32 $2.262741660e+01, v15  }
0x182: {  	v9 =	vmul.f32 $2.262741660e+01, v9;
	v15 =	vmul.f32 $2.262741660e+01, v16;
	[tilespmem:s30+$0x6D10] =	vst v4;
	v4 =	vld [tilespmem:s30+$0x7170]  }
0x183: {  	v3 =	vmul.f32 $2.262741660e+01, v3;
	v21 =	vld [tilespmem:s30+$0x6900];
	v16 =	vmul.f32 $2.262741660e+01, v17;
	[tilespmem:s30+$0x7520] =	vst v8  }
.Ltmp3:
0x184: {  	v7 =	vmul.f32 $2.262741660e+01, v7;
	v14 =	vld [tilespmem:s30+$0x6910];
	v8 =	vmul.f32 $2.262741660e+01, v18;
	[tilespmem:s30+$0x6D00] =	vst v15;
	(pc) =	sbr.rel @p0 .LBB2_5-.Ltmp3, $4  }
0x185: {  	v15 =	vld [tilespmem:s30+$0x6940];
	[tilespmem:s30+$0x6970] =	vst v16;
	v5 =	vmul.f32 $2.262741660e+01, v5  }
0x186: {  	v16 =	vld [tilespmem:s30+$0x6920];
	[tilespmem:s30+$0x6960] =	vst v8;
	v6 =	vmul.f32 $2.262741660e+01, v6  }
0x187: {  	v17 =	vld [tilespmem:s30+$0x6930];
	[tilespmem:s30+$0x6D40] =	vst v19;
	v4 =	vmul.f32 $2.262741660e+01, v4  }
0x188: {  	s6 =	sadd.s32 $0x80, s6;
	v8 =	vmul.f32 $2.262741660e+01, v21;
	[tilespmem:s30+$0x6D50] =	vst v20;
	v18 =	vld [tilespmem:s30+$0x7530]  }
0x189: {  	[tilespmem:s30+$0x6D60] =	vst v11  }
0x18a: {  	[tilespmem:s30+$0x6D70] =	vst v10  }
0x18b: {  	[tilespmem:s30+$0x7100] =	vst v12  }
0x18c: {  	[tilespmem:s30+$0x7110] =	vst v13  }
0x18d: {  	[tilespmem:s30+$0x7120] =	vst v9  }
0x18e: {  	[tilespmem:s30+$0x7130] =	vst v3  }
0x18f: {  	[tilespmem:s30+$0x7140] =	vst v7  }
0x190: {  	[tilespmem:s30+$0x7150] =	vst v5  }
0x191: {  	[tilespmem:s30+$0x7160] =	vst v6  }
0x192: {  	v11 =	vld [tilespmem:s30+$0x6950];
	[tilespmem:s30+$0x7170] =	vst v4;
	v9 =	vmul.f32 $2.262741660e+01, v15  }
0x193: {  	v12 =	vld [tilespmem:s30+$0x7560];
	[tilespmem:s30+$0x6900] =	vst v8;
	v10 =	vmul.f32 $2.262741660e+01, v16  }
0x194: {  	v16 =	vmul.f32 $2.262741660e+01, v17;
	[tilespmem:s30+$0x6940] =	vst v9  }
0x195: {  	v9 =	vmul.f32 $2.262741660e+01, v14;
	[tilespmem:s30+$0x6920] =	vst v10  }
0x196: {  	v10 =	vmul.f32 $2.262741660e+01, v18;
	[tilespmem:s30+$0x6930] =	vst v16  }
0x197: {  	v11 =	vmul.f32 $2.262741660e+01, v11;
	[tilespmem:s30+$0x6910] =	vst v9  }
0x198: {  	s1 =	sadd.s32 s9, s11;
	[tilespmem:s30+$0x7530] =	vst v10;
	v10 =	vmul.f32 $2.262741660e+01, v12  }
0x199: {  	s1 =	sshll.u32 s1, $0x6;
	[tilespmem:s30+$0x6950] =	vst v11  }
0x19a: {  	p0 =	seq.s32 s8, $0x27;
	s1 =	sadd.s32 s3, s1;
	[tilespmem:s30+$0x7560] =	vst v10  }
0x19b: {  	[hbm4b:s1+s5] =	stream.linear.scatter [tilespmem:s22], [sflag:$0x6], $0x5000, $0x38;
	[tilespmem:$0x15900] =	vst v63  }
0x19c: {  	s1 =	simm.s32 @!p0 $0x5  }
0x19d: {  	_ =	swait.ge @!p0 [sflag:s1], $0x5000  }
0x19e: {  	[sflag:s1] =	ssyncset.done @!p0 $0x0  }
0x19f: {  	[sflag:s1] =	ssyncadd.s32 @!p0 $0xFFFFB000  }
0x1a0: {  	v3 =	vld @!p0 [tilespmem:s11+$0xA0];
	_ =	sdelay $0x4  }
0x1a1: {  	v4 =	vshll.u32 @!p0 v3, $0x2  }
0x1a2: {  	v5 =	vlaneseq.u32 @!p0;
	v3 =	vand.u32 @!p0 $0x7, v3;
	v4 =	vand.u32 @!p0 $0xFFFFFFE0, v4  }
0x1a3: {  	v6 =	vshrl.u32 @!p0 v5, $0x3;
	v3 =	vor.u32 @!p0 v3, v4;
	v4 =	vand.u32 @!p0 $0x7, v5  }
0x1a4: {  	v6 =	vmul.u32 @!p0 $0x8, v6;
	v7 =	vperm.xlane @!p0 v3, v4;
	_ =	sdelay $0x1  }
0x1a5: {  	v7 =	vadd.s32 @!p0 v6, v7  }
0x1a6: {  	v5 =	vor.u32 @!p0 $0x8, v5  }
0x1a7: {  	v3 =	vperm.xlane @!p0 v3, v5;
	_ =	sdelay $0x1  }
0x1a8: {  	vm1 =	vmmov @!p0 $0xffff;
	s6 =	simm.s32 @!p0 $0x1900;
	s1 =	simm.s32 @!p0 $0x0;
	v3 =	vadd.s32 @!p0 v6, v3  }
0x1a9: {  	[tilespmem:s6], [sflag:$0x1] =	stream.indirect_vreg.gather @!p0 [hbm4b:s2+s1], $0x80, v7, vm1, $0xb8;
	[tilespmem:$0x15900] =	vst v63  }
0x1aa: {  	s6 =	simm.s32 @!p0 $0x2100  }
0x1ab: {  	[tilespmem:s6], [sflag:$0x1] =	stream.indirect_vreg.gather @!p0 [hbm4b:s7+s1], $0x80, v7, vm1, $0xb8;
	[tilespmem:$0x15900] =	vst v63  }
0x1ac: {  	s6 =	simm.s32 @!p0 $0x2900  }
0x1ad: {  	[tilespmem:s6], [sflag:$0x1] =	stream.indirect_vreg.gather @!p0 [hbm4b:s2+s1], $0x80, v3, vm1, $0xb8;
	[tilespmem:$0x15900] =	vst v63  }
0x1ae: {  	s6 =	simm.s32 @!p0 $0x3100  }
0x1af: {  	[tilespmem:s6], [sflag:$0x1] =	stream.indirect_vreg.gather @!p0 [hbm4b:s7+s1], $0x80, v3, vm1, $0xb8;
	[tilespmem:$0x15900] =	vst v63  }
0x1b0: {  	v3 =	vld @!p0 [tilespmem:s11+$0xB0];
	_ =	sdelay $0x4  }
0x1b1: {  	v7 =	vshll.u32 @!p0 v3, $0x2  }
0x1b2: {  	v3 =	vand.u32 @!p0 $0x7, v3;
	v7 =	vand.u32 @!p0 $0xFFFFFFE0, v7  }
0x1b3: {  	v3 =	vor.u32 @!p0 v3, v7  }
0x1b4: {  	v7 =	vperm.xlane @!p0 v3, v4;
	_ =	sdelay $0x1  }
0x1b5: {  	v7 =	vadd.s32 @!p0 v6, v7;
	_ =	sdelay $0x1  }
0x1b6: {  	v3 =	vperm.xlane @!p0 v3, v5;
	_ =	sdelay $0x1  }
0x1b7: {  	s6 =	simm.s32 @!p0 $0x3900;
	v3 =	vadd.s32 @!p0 v6, v3  }
0x1b8: {  	[tilespmem:s6], [sflag:$0x1] =	stream.indirect_vreg.gather @!p0 [hbm4b:s2+s1], $0x80, v7, vm1, $0xb8;
	[tilespmem:$0x15900] =	vst v63  }
0x1b9: {  	s6 =	simm.s32 @!p0 $0x4100  }
0x1ba: {  	[tilespmem:s6], [sflag:$0x1] =	stream.indirect_vreg.gather @!p0 [hbm4b:s7+s1], $0x80, v7, vm1, $0xb8;
	[tilespmem:$0x15900] =	vst v63  }
0x1bb: {  	s6 =	simm.s32 @!p0 $0x4900  }
0x1bc: {  	[tilespmem:s6], [sflag:$0x1] =	stream.indirect_vreg.gather @!p0 [hbm4b:s2+s1], $0x80, v3, vm1, $0xb8;
	[tilespmem:$0x15900] =	vst v63  }
0x1bd: {  	s6 =	simm.s32 @!p0 $0x5100  }
0x1be: {  	[tilespmem:s6], [sflag:$0x1] =	stream.indirect_vreg.gather @!p0 [hbm4b:s7+s1], $0x80, v3, vm1, $0xb8;
	[tilespmem:$0x15900] =	vst v63  }
0x1bf: {  	v3 =	vld.msk @!p0 [tilespmem:s11+$0xC0], $0xff;
	_ =	sdelay $0x4  }
0x1c0: {  	v5 =	vshll.u32 @!p0 v3, $0x2  }
0x1c1: {  	v3 =	vand.u32 @!p0 $0x7, v3;
	v5 =	vand.u32 @!p0 $0xFFFFFFE0, v5  }
0x1c2: {  	v3 =	vor.u32 @!p0 v3, v5  }
0x1c3: {  	v3 =	vperm.xlane @!p0 v3, v4;
	_ =	sdelay $0x1  }
0x1c4: {  	v3 =	vadd.s32 @!p0 v6, v3;
	_ =	sdelay $0x3  }
0x1c5: {  	s6 =	simm.s32 @!p0 $0x5900  }
0x1c6: {  	[tilespmem:s6], [sflag:$0x1] =	stream.indirect_vreg.gather @!p0 [hbm4b:s2+s1], $0x80, v3, vm1, $0xb8;
	[tilespmem:$0x15900] =	vst v63  }
0x1c7: {  	s6 =	simm.s32 @!p0 $0x6100  }
0x1c8: {  	[tilespmem:s6], [sflag:$0x1] =	stream.indirect_vreg.gather @!p0 [hbm4b:s7+s1], $0x80, v3, vm1, $0xb8;
	[tilespmem:$0x15900] =	vst v63  }
0x1c9: {  	s13 =	simm.s32 $0x0;
	_ =	swait.ge [sflag:s25], $0x5000  }
0x1ca: {  	s14 =	sand.u32 $0x7000, s13;
	s1 =	sand.u32 $0x380, s13;
	[sflag:s25] =	ssyncset.done $0x0  }
0x1cb: {  	s30 =	sor.u32 s1, s14;
	[sflag:s25] =	ssyncadd.s32 $0xFFFFB000  }
0x1cc: {  	v3 =	vld [tilespmem:s30+$0xBD70]  }
0x1cd: {  	v4 =	vld [tilespmem:s30+$0xC100]  }
0x1ce: {  	v5 =	vld [tilespmem:s30+$0xC110]  }
0x1cf: {  	v6 =	vld [tilespmem:s30+$0xBD60]  }
0x1d0: {  	v7 =	vld [tilespmem:s30+$0xBD50]  }
0x1d1: {  	v8 =	vld [tilespmem:s30+$0xC120]  }
0x1d2: {  	v9 =	vld [tilespmem:s30+$0xBD40]  }
0x1d3: {  	v10 =	vld [tilespmem:s30+$0xC570]  }
0x1d4: {  	v11 =	vld [tilespmem:s30+$0xC510]  }
0x1d5: {  	v12 =	vld [tilespmem:s30+$0xC550]  }
0x1d6: {  	v16 =	vld [tilespmem:s30+$0xC130]  }
0x1d7: {  	v17 =	vld [tilespmem:s30+$0xC140]  }
0x1d8: {  	v14 =	vld [tilespmem:s30+$0xC500]  }
0x1d9: {  	v13 =	vld [tilespmem:s30+$0xC540]  }
0x1da: {  	v15 =	vld [tilespmem:s30+$0xBD30];
	v11 =	vmul.f32 $2.262741660e+01, v11  }
0x1db: {  	v18 =	vld [tilespmem:s30+$0xBD20];
	v10 =	vmul.f32 $2.262741660e+01, v10  }
0x1dc: {  	v19 =	vld [tilespmem:s30+$0xBD10];
	v12 =	vmul.f32 $2.262741660e+01, v12;
	[tilespmem:s30+$0xC510] =	vst v11  }
0x1dd: {  	v20 =	vld [tilespmem:s30+$0xB960];
	v14 =	vmul.f32 $2.262741660e+01, v14;
	[tilespmem:s30+$0xC570] =	vst v10  }
0x1de: {  	v24 =	vld [tilespmem:s30+$0xB900];
	v11 =	vmul.f32 $2.262741660e+01, v13;
	[tilespmem:s30+$0xC550] =	vst v12  }
0x1df: {  	v15 =	vmul.f32 $2.262741660e+01, v15;
	v10 =	vld [tilespmem:s30+$0xC520];
	[tilespmem:s30+$0xC500] =	vst v14  }
0x1e0: {  	v13 =	vld [tilespmem:s30+$0xBD00];
	[tilespmem:s30+$0xC540] =	vst v11;
	v11 =	vmul.f32 $2.262741660e+01, v18  }
0x1e1: {  	v12 =	vld [tilespmem:s30+$0xB970];
	[tilespmem:s30+$0xBD30] =	vst v15;
	v18 =	vmul.f32 $2.262741660e+01, v9;
	v9 =	vmul.f32 $2.262741660e+01, v19  }
0x1e2: {  	v22 =	vld [tilespmem:s30+$0xC160];
	v21 =	vmul.f32 $2.262741660e+01, v7;
	v20 =	vmul.f32 $2.262741660e+01, v20;
	[tilespmem:s30+$0xBD20] =	vst v11  }
0x1e3: {  	v19 =	vld [tilespmem:s30+$0xC150];
	v11 =	vmul.f32 $2.262741660e+01, v6;
	[tilespmem:s30+$0xBD10] =	vst v9;
	v9 =	vmul.f32 $2.262741660e+01, v8  }
0x1e4: {  	v23 =	vld [tilespmem:s30+$0xC170];
	[tilespmem:s30+$0xB960] =	vst v20;
	v8 =	vmul.f32 $2.262741660e+01, v24;
	v7 =	vmul.f32 $2.262741660e+01, v10  }
0x1e5: {  	v14 =	vld [tilespmem:s30+$0xB910];
	[tilespmem:s30+$0xBD50] =	vst v21;
	v6 =	vmul.f32 $2.262741660e+01, v13;
	v10 =	vmul.f32 $2.262741660e+01, v3  }
0x1e6: {  	v15 =	vld [tilespmem:s30+$0xB940];
	[tilespmem:s30+$0xBD40] =	vst v18;
	v3 =	vmul.f32 $2.262741660e+01, v12;
	v12 =	vmul.f32 $2.262741660e+01, v4  }
0x1e7: {  	v13 =	vmul.f32 $2.262741660e+01, v5;
	v4 =	vmul.f32 $2.262741660e+01, v16;
	v16 =	vld [tilespmem:s30+$0xB920];
	[tilespmem:s30+$0xC520] =	vst v7  }
0x1e8: {  	[tilespmem:s30+$0xBD00] =	vst v6;
	v7 =	vmul.f32 $2.262741660e+01, v17;
	v5 =	vmul.f32 $2.262741660e+01, v19;
	v17 =	vld [tilespmem:s30+$0xB930]  }
0x1e9: {  	s6 =	simm.s32 $0x80;
	s1 =	simm.s32 $0x200;
	v18 =	vld [tilespmem:s30+$0xC530];
	[tilespmem:s30+$0xB970] =	vst v3;
	v6 =	vmul.f32 $2.262741660e+01, v22;
	v3 =	vmul.f32 $2.262741660e+01, v23  }
.LBB2_7:
0x1ea: {  	s13 =	sand.u32 $0x7000, s1;
	s14 =	sand.u32 $0x380, s6;
	v14 =	vmul.f32 $2.262741660e+01, v14;
	[tilespmem:s30+$0xBD60] =	vst v11;
	v11 =	vld [tilespmem:s30+$0xC560]  }
0x1eb: {  	p1 =	sne.s32 s1, $0x4E00;
	s1 =	sadd.s32 $0x200, s1;
	s13 =	sor.u32 s14, s13;
	v15 =	vmul.f32 $2.262741660e+01, v15;
	v19 =	vld [tilespmem:s30+$0xB950];
	[tilespmem:s30+$0xBD70] =	vst v10  }
0x1ec: {  	v10 =	vld [tilespmem:s13+$0xBD70];
	v16 =	vmul.f32 $2.262741660e+01, v16;
	[tilespmem:s30+$0xC100] =	vst v12  }
0x1ed: {  	v12 =	vld [tilespmem:s13+$0xC100];
	v17 =	vmul.f32 $2.262741660e+01, v17;
	[tilespmem:s30+$0xC110] =	vst v13  }
0x1ee: {  	v13 =	vld [tilespmem:s13+$0xC110];
	[tilespmem:s30+$0xB920] =	vst v16;
	v16 =	vmul.f32 $2.262741660e+01, v18  }
0x1ef: {  	v18 =	vld [tilespmem:s13+$0xBD60];
	[tilespmem:s30+$0xB930] =	vst v17;
	v11 =	vmul.f32 $2.262741660e+01, v11  }
0x1f0: {  	v17 =	vld [tilespmem:s13+$0xBD50];
	v19 =	vmul.f32 $2.262741660e+01, v19;
	[tilespmem:s30+$0xC120] =	vst v9  }
0x1f1: {  	v9 =	vld [tilespmem:s13+$0xC120];
	[tilespmem:s30+$0xC530] =	vst v16  }
0x1f2: {  	v16 =	vld [tilespmem:s13+$0xBD40];
	[tilespmem:s30+$0xB950] =	vst v19  }
0x1f3: {  	v19 =	vld [tilespmem:s13+$0xC570];
	[tilespmem:s30+$0xB940] =	vst v15  }
0x1f4: {  	v15 =	vld [tilespmem:s13+$0xC510];
	[tilespmem:s30+$0xC560] =	vst v11  }
0x1f5: {  	v11 =	vld [tilespmem:s13+$0xC550];
	[tilespmem:s30+$0xC130] =	vst v4  }
0x1f6: {  	v4 =	vld [tilespmem:s13+$0xC130];
	[tilespmem:s30+$0xC140] =	vst v7  }
0x1f7: {  	v7 =	vld [tilespmem:s13+$0xC140];
	[tilespmem:s30+$0xB910] =	vst v14  }
0x1f8: {  	v14 =	vld [tilespmem:s13+$0xC540];
	[tilespmem:s30+$0xC150] =	vst v5  }
0x1f9: {  	v19 =	vmul.f32 $2.262741660e+01, v19;
	v5 =	vld [tilespmem:s13+$0xC500];
	[tilespmem:s30+$0xC160] =	vst v6  }
0x1fa: {  	v6 =	vld [tilespmem:s13+$0xBD30];
	[tilespmem:s30+$0xB900] =	vst v8  }
0x1fb: {  	v15 =	vmul.f32 $2.262741660e+01, v15;
	v8 =	vld [tilespmem:s13+$0xBD20];
	[tilespmem:s30+$0xC170] =	vst v3;
	s30 =	smov.u32 s13  }
0x1fc: {  	v11 =	vmul.f32 $2.262741660e+01, v11;
	v3 =	vld [tilespmem:s30+$0xBD10];
	[tilespmem:s30+$0xC570] =	vst v19  }
0x1fd: {  	v19 =	vmul.f32 $2.262741660e+01, v16;
	[tilespmem:s30+$0xC510] =	vst v15;
	v15 =	vld [tilespmem:s30+$0xC520];
	v14 =	vmul.f32 $2.262741660e+01, v14  }
0x1fe: {  	v20 =	vmul.f32 $2.262741660e+01, v17;
	v16 =	vld [tilespmem:s30+$0xBD00];
	v5 =	vmul.f32 $2.262741660e+01, v5;
	[tilespmem:s30+$0xC550] =	vst v11  }
0x1ff: {  	v11 =	vmul.f32 $2.262741660e+01, v18;
	v17 =	vld [tilespmem:s30+$0xB970];
	v6 =	vmul.f32 $2.262741660e+01, v6;
	[tilespmem:s30+$0xC540] =	vst v14  }
0x200: {  	v10 =	vmul.f32 $2.262741660e+01, v10;
	v18 =	vld [tilespmem:s30+$0xB960];
	v8 =	vmul.f32 $2.262741660e+01, v8;
	[tilespmem:s30+$0xC500] =	vst v5  }
0x201: {  	v12 =	vmul.f32 $2.262741660e+01, v12;
	v3 =	vmul.f32 $2.262741660e+01, v3;
	[tilespmem:s30+$0xBD30] =	vst v6;
	v5 =	vld [tilespmem:s30+$0xC150]  }
0x202: {  	v13 =	vmul.f32 $2.262741660e+01, v13;
	[tilespmem:s30+$0xBD20] =	vst v8;
	v6 =	vld [tilespmem:s30+$0xC160];
	v8 =	vmul.f32 $2.262741660e+01, v15  }
0x203: {  	v9 =	vmul.f32 $2.262741660e+01, v9;
	v15 =	vmul.f32 $2.262741660e+01, v16;
	[tilespmem:s30+$0xBD10] =	vst v3;
	v3 =	vld [tilespmem:s30+$0xC170]  }
0x204: {  	v4 =	vmul.f32 $2.262741660e+01, v4;
	v21 =	vld [tilespmem:s30+$0xB900];
	v16 =	vmul.f32 $2.262741660e+01, v17;
	[tilespmem:s30+$0xC520] =	vst v8  }
.Ltmp4:
0x205: {  	v7 =	vmul.f32 $2.262741660e+01, v7;
	v14 =	vld [tilespmem:s30+$0xB910];
	v8 =	vmul.f32 $2.262741660e+01, v18;
	[tilespmem:s30+$0xBD00] =	vst v15;
	(pc) =	sbr.rel @p1 .LBB2_7-.Ltmp4, $4  }
0x206: {  	v15 =	vld [tilespmem:s30+$0xB940];
	[tilespmem:s30+$0xB970] =	vst v16;
	v5 =	vmul.f32 $2.262741660e+01, v5  }
0x207: {  	v16 =	vld [tilespmem:s30+$0xB920];
	[tilespmem:s30+$0xB960] =	vst v8;
	v6 =	vmul.f32 $2.262741660e+01, v6  }
0x208: {  	v17 =	vld [tilespmem:s30+$0xB930];
	[tilespmem:s30+$0xBD40] =	vst v19;
	v3 =	vmul.f32 $2.262741660e+01, v3  }
0x209: {  	s6 =	sadd.s32 $0x80, s6;
	v8 =	vmul.f32 $2.262741660e+01, v21;
	[tilespmem:s30+$0xBD50] =	vst v20;
	v18 =	vld [tilespmem:s30+$0xC530]  }
0x20a: {  	[tilespmem:s30+$0xBD60] =	vst v11  }
0x20b: {  	[tilespmem:s30+$0xBD70] =	vst v10  }
0x20c: {  	[tilespmem:s30+$0xC100] =	vst v12  }
0x20d: {  	[tilespmem:s30+$0xC110] =	vst v13  }
0x20e: {  	[tilespmem:s30+$0xC120] =	vst v9  }
0x20f: {  	[tilespmem:s30+$0xC130] =	vst v4  }
0x210: {  	[tilespmem:s30+$0xC140] =	vst v7  }
0x211: {  	[tilespmem:s30+$0xC150] =	vst v5  }
0x212: {  	[tilespmem:s30+$0xC160] =	vst v6  }
0x213: {  	v11 =	vld [tilespmem:s30+$0xB950];
	[tilespmem:s30+$0xC170] =	vst v3;
	v9 =	vmul.f32 $2.262741660e+01, v15  }
0x214: {  	v12 =	vld [tilespmem:s30+$0xC560];
	[tilespmem:s30+$0xB900] =	vst v8;
	v10 =	vmul.f32 $2.262741660e+01, v16  }
0x215: {  	v16 =	vmul.f32 $2.262741660e+01, v17;
	[tilespmem:s30+$0xB940] =	vst v9  }
0x216: {  	v9 =	vmul.f32 $2.262741660e+01, v14;
	[tilespmem:s30+$0xB920] =	vst v10  }
0x217: {  	v10 =	vmul.f32 $2.262741660e+01, v18;
	[tilespmem:s30+$0xB930] =	vst v16  }
0x218: {  	v11 =	vmul.f32 $2.262741660e+01, v11;
	[tilespmem:s30+$0xB910] =	vst v9  }
0x219: {  	s1 =	sadd.s32 s10, s11;
	[tilespmem:s30+$0xC530] =	vst v10;
	v10 =	vmul.f32 $2.262741660e+01, v12  }
0x21a: {  	s1 =	sshll.u32 s1, $0x6;
	[tilespmem:s30+$0xB950] =	vst v11  }
0x21b: {  	s1 =	sadd.s32 s3, s1;
	[tilespmem:s30+$0xC560] =	vst v10  }
0x21c: {  	[hbm4b:s1+s5] =	stream.linear.scatter [tilespmem:s0], [sflag:$0x7], $0x5000, $0x38;
	[tilespmem:$0x15900] =	vst v63  }
0x21d: {  	s1 =	simm.s32 @!p0 $0x6  }
0x21e: {  	_ =	swait.ge @!p0 [sflag:s1], $0x5000  }
0x21f: {  	[sflag:s1] =	ssyncset.done @!p0 $0x0  }
0x220: {  	[sflag:s1] =	ssyncadd.s32 @!p0 $0xFFFFB000  }
0x221: {  	v3 =	vld @!p0 [tilespmem:s11+$0xC8];
	_ =	sdelay $0x4  }
0x222: {  	v4 =	vshll.u32 @!p0 v3, $0x2  }
0x223: {  	v5 =	vlaneseq.u32 @!p0;
	v3 =	vand.u32 @!p0 $0x7, v3;
	v4 =	vand.u32 @!p0 $0xFFFFFFE0, v4  }
0x224: {  	v6 =	vshrl.u32 @!p0 v5, $0x3;
	v3 =	vor.u32 @!p0 v3, v4;
	v4 =	vand.u32 @!p0 $0x7, v5  }
0x225: {  	v6 =	vmul.u32 @!p0 $0x8, v6;
	v7 =	vperm.xlane @!p0 v3, v4;
	_ =	sdelay $0x1  }
0x226: {  	v7 =	vadd.s32 @!p0 v6, v7  }
0x227: {  	v5 =	vor.u32 @!p0 $0x8, v5  }
0x228: {  	v3 =	vperm.xlane @!p0 v3, v5;
	_ =	sdelay $0x1  }
0x229: {  	s6 =	simm.s32 @!p0 $0x6900;
	s1 =	simm.s32 @!p0 $0x0;
	v3 =	vadd.s32 @!p0 v6, v3  }
0x22a: {  	[tilespmem:s6], [sflag:$0x2] =	stream.indirect_vreg.gather @!p0 [hbm4b:s2+s1], $0x80, v7, vm1, $0xb8;
	[tilespmem:$0x15900] =	vst v63  }
0x22b: {  	s6 =	simm.s32 @!p0 $0x7100  }
0x22c: {  	[tilespmem:s6], [sflag:$0x2] =	stream.indirect_vreg.gather @!p0 [hbm4b:s7+s1], $0x80, v7, vm1, $0xb8;
	[tilespmem:$0x15900] =	vst v63  }
0x22d: {  	s6 =	simm.s32 @!p0 $0x7900  }
0x22e: {  	[tilespmem:s6], [sflag:$0x2] =	stream.indirect_vreg.gather @!p0 [hbm4b:s2+s1], $0x80, v3, vm1, $0xb8;
	[tilespmem:$0x15900] =	vst v63  }
0x22f: {  	s6 =	simm.s32 @!p0 $0x8100  }
0x230: {  	[tilespmem:s6], [sflag:$0x2] =	stream.indirect_vreg.gather @!p0 [hbm4b:s7+s1], $0x80, v3, vm1, $0xb8;
	[tilespmem:$0x15900] =	vst v63  }
0x231: {  	v3 =	vld @!p0 [tilespmem:s11+$0xD8];
	_ =	sdelay $0x4  }
0x232: {  	v7 =	vshll.u32 @!p0 v3, $0x2  }
0x233: {  	v3 =	vand.u32 @!p0 $0x7, v3;
	v7 =	vand.u32 @!p0 $0xFFFFFFE0, v7  }
0x234: {  	v3 =	vor.u32 @!p0 v3, v7  }
0x235: {  	v7 =	vperm.xlane @!p0 v3, v4;
	_ =	sdelay $0x1  }
0x236: {  	v7 =	vadd.s32 @!p0 v6, v7;
	_ =	sdelay $0x1  }
0x237: {  	v3 =	vperm.xlane @!p0 v3, v5;
	_ =	sdelay $0x1  }
0x238: {  	s6 =	simm.s32 @!p0 $0x8900;
	v3 =	vadd.s32 @!p0 v6, v3  }
0x239: {  	[tilespmem:s6], [sflag:$0x2] =	stream.indirect_vreg.gather @!p0 [hbm4b:s2+s1], $0x80, v7, vm1, $0xb8;
	[tilespmem:$0x15900] =	vst v63  }
0x23a: {  	s6 =	simm.s32 @!p0 $0x9100  }
0x23b: {  	[tilespmem:s6], [sflag:$0x2] =	stream.indirect_vreg.gather @!p0 [hbm4b:s7+s1], $0x80, v7, vm1, $0xb8;
	[tilespmem:$0x15900] =	vst v63  }
0x23c: {  	s6 =	simm.s32 @!p0 $0x9900  }
0x23d: {  	[tilespmem:s6], [sflag:$0x2] =	stream.indirect_vreg.gather @!p0 [hbm4b:s2+s1], $0x80, v3, vm1, $0xb8;
	[tilespmem:$0x15900] =	vst v63  }
0x23e: {  	s6 =	simm.s32 @!p0 $0xA100  }
0x23f: {  	[tilespmem:s6], [sflag:$0x2] =	stream.indirect_vreg.gather @!p0 [hbm4b:s7+s1], $0x80, v3, vm1, $0xb8;
	[tilespmem:$0x15900] =	vst v63  }
0x240: {  	v3 =	vld.msk @!p0 [tilespmem:s11+$0xE8], $0xff;
	_ =	sdelay $0x4  }
0x241: {  	v5 =	vshll.u32 @!p0 v3, $0x2  }
0x242: {  	v3 =	vand.u32 @!p0 $0x7, v3;
	v5 =	vand.u32 @!p0 $0xFFFFFFE0, v5  }
0x243: {  	v3 =	vor.u32 @!p0 v3, v5  }
0x244: {  	v3 =	vperm.xlane @!p0 v3, v4;
	_ =	sdelay $0x1  }
0x245: {  	v3 =	vadd.s32 @!p0 v6, v3;
	_ =	sdelay $0x3  }
0x246: {  	s6 =	simm.s32 @!p0 $0xA900  }
0x247: {  	[tilespmem:s6], [sflag:$0x2] =	stream.indirect_vreg.gather @!p0 [hbm4b:s2+s1], $0x80, v3, vm1, $0xb8;
	[tilespmem:$0x15900] =	vst v63  }
0x248: {  	s6 =	simm.s32 @!p0 $0xB100  }
0x249: {  	[tilespmem:s6], [sflag:$0x2] =	stream.indirect_vreg.gather @!p0 [hbm4b:s7+s1], $0x80, v3, vm1, $0xb8;
	[tilespmem:$0x15900] =	vst v63  }
0x24a: {  	s13 =	simm.s32 $0x0;
	_ =	swait.ge [sflag:s26], $0x5000  }
0x24b: {  	s14 =	sand.u32 $0x7000, s13;
	s1 =	sand.u32 $0x380, s13;
	[sflag:s26] =	ssyncset.done $0x0  }
0x24c: {  	s1 =	sor.u32 s1, s14;
	[sflag:s26] =	ssyncadd.s32 $0xFFFFB000  }
0x24d: {  	s30 =	sadd.s32 $0x10900, s1;
	v3 =	vld [tilespmem:s1+$0x10900]  }
0x24e: {  	v4 =	vld [tilespmem:s30+$0x810]  }
0x24f: {  	v5 =	vld [tilespmem:s30+$0x800]  }
0x250: {  	v6 =	vld [tilespmem:s30+$0x470]  }
0x251: {  	v7 =	vld [tilespmem:s30+$0x450]  }
0x252: {  	v8 =	vld [tilespmem:s30+$0x440]  }
0x253: {  	v9 =	vld [tilespmem:s30+$0x430]  }
0x254: {  	v10 =	vld [tilespmem:s30+$0x420]  }
0x255: {  	v11 =	vld [tilespmem:s30+$0x410]  }
0x256: {  	v12 =	vld [tilespmem:s30+$0xC70]  }
0x257: {  	v13 =	vld [tilespmem:s30+$0x400]  }
0x258: {  	v14 =	vld [tilespmem:s30+$0xC20]  }
0x259: {  	v15 =	vld [tilespmem:s30+$0xC40];
	v3 =	vmul.f32 $2.262741660e+01, v3  }
0x25a: {  	v17 =	vld [tilespmem:s30+$0x460];
	v10 =	vmul.f32 $2.262741660e+01, v10  }
0x25b: {  	v18 =	vld [tilespmem:s30+$0x830];
	v11 =	vmul.f32 $2.262741660e+01, v11;
	[tilespmem:s1+$0x10900] =	vst v3  }
0x25c: {  	v13 =	vmul.f32 $2.262741660e+01, v13;
	v3 =	vld [tilespmem:s30+$0x70];
	[tilespmem:s30+$0x420] =	vst v10  }
0x25d: {  	v14 =	vmul.f32 $2.262741660e+01, v14;
	[tilespmem:s30+$0x410] =	vst v11;
	v16 =	vld [tilespmem:s30+$0x30]  }
0x25e: {  	v9 =	vmul.f32 $2.262741660e+01, v9;
	v10 =	vmul.f32 $2.262741660e+01, v12;
	[tilespmem:s30+$0x400] =	vst v13;
	v12 =	vld [tilespmem:s30+$0x20]  }
0x25f: {  	v8 =	vmul.f32 $2.262741660e+01, v8;
	[tilespmem:s30+$0xC20] =	vst v14;
	v11 =	vld [tilespmem:s30+$0x10]  }
0x260: {  	v20 =	vld [tilespmem:s30+$0x40];
	[tilespmem:s30+$0x430] =	vst v9  }
0x261: {  	v14 =	vld [tilespmem:s30+$0x840];
	[tilespmem:s30+$0x440] =	vst v8;
	v3 =	vmul.f32 $2.262741660e+01, v3  }
0x262: {  	[tilespmem:s30+$0xC70] =	vst v10;
	v10 =	vld [tilespmem:s30+$0x820];
	v13 =	vmul.f32 $2.262741660e+01, v16  }
0x263: {  	v12 =	vmul.f32 $2.262741660e+01, v12;
	v16 =	vld [tilespmem:s30+$0x860];
	[tilespmem:s30+$0x70] =	vst v3  }
0x264: {  	v19 =	vmul.f32 $2.262741660e+01, v7;
	v11 =	vmul.f32 $2.262741660e+01, v11;
	v3 =	vld [tilespmem:s30+$0x850];
	[tilespmem:s30+$0x30] =	vst v13  }
0x265: {  	v17 =	vmul.f32 $2.262741660e+01, v17;
	v13 =	vmul.f32 $2.262741660e+01, v15;
	[tilespmem:s30+$0x20] =	vst v12;
	v12 =	vld [tilespmem:s30+$0x870]  }
0x266: {  	v21 =	vmul.f32 $2.262741660e+01, v6;
	v7 =	vmul.f32 $2.262741660e+01, v5;
	[tilespmem:s30+$0x10] =	vst v11;
	v11 =	vld [tilespmem:s30+$0xC00]  }
0x267: {  	v6 =	vmul.f32 $2.262741660e+01, v4;
	v8 =	vmul.f32 $2.262741660e+01, v18;
	[tilespmem:s30+$0xC40] =	vst v13;
	v13 =	vld [tilespmem:s30+$0x50]  }
0x268: {  	[tilespmem:s30+$0x450] =	vst v19;
	v5 =	vmul.f32 $2.262741660e+01, v14;
	v4 =	vmul.f32 $2.262741660e+01, v10;
	v15 =	vld [tilespmem:s30+$0x60]  }
0x269: {  	[tilespmem:s30+$0x460] =	vst v17;
	v14 =	vld [tilespmem:s30+$0xC10];
	v10 =	vmul.f32 $2.262741660e+01, v16;
	v9 =	vmul.f32 $2.262741660e+01, v3  }
0x26a: {  	s6 =	simm.s32 $0x80;
	s1 =	simm.s32 $0x200;
	[tilespmem:s30+$0x470] =	vst v21;
	v16 =	vld [tilespmem:s30+$0xC30];
	v3 =	vmul.f32 $2.262741660e+01, v12;
	v12 =	vmul.f32 $2.262741660e+01, v20  }
.LBB2_9:
0x26b: {  	s13 =	sand.u32 $0x7000, s1;
	s14 =	sand.u32 $0x380, s6;
	[tilespmem:s30+$0x800] =	vst v7;
	v7 =	vmul.f32 $2.262741660e+01, v11;
	v11 =	vld [tilespmem:s30+$0xC50]  }
0x26c: {  	p1 =	sne.s32 s1, $0x4E00;
	s1 =	sadd.s32 $0x200, s1;
	s13 =	sor.u32 s14, s13;
	v13 =	vmul.f32 $2.262741660e+01, v13;
	[tilespmem:s30+$0x810] =	vst v6;
	v6 =	vld [tilespmem:s30+$0xC60]  }
0x26d: {  	s14 =	sadd.s32 $0x10900, s13;
	v17 =	vld [tilespmem:s13+$0x10900];
	v15 =	vmul.f32 $2.262741660e+01, v15;
	[tilespmem:s30+$0x820] =	vst v4  }
0x26e: {  	v4 =	vld [tilespmem:s14+$0x810];
	[tilespmem:s30+$0x830] =	vst v8;
	v8 =	vmul.f32 $2.262741660e+01, v14  }
0x26f: {  	v14 =	vld [tilespmem:s14+$0x800];
	[tilespmem:s30+$0x840] =	vst v5;
	v5 =	vmul.f32 $2.262741660e+01, v16  }
0x270: {  	v16 =	vld [tilespmem:s14+$0x470];
	[tilespmem:s30+$0x850] =	vst v9;
	v9 =	vmul.f32 $2.262741660e+01, v11  }
0x271: {  	v11 =	vld [tilespmem:s14+$0x460];
	[tilespmem:s30+$0x860] =	vst v10;
	v6 =	vmul.f32 $2.262741660e+01, v6  }
0x272: {  	v10 =	vmul.f32 $2.262741660e+01, v17;
	v17 =	vld [tilespmem:s14+$0x450];
	[tilespmem:s30+$0x40] =	vst v12  }
0x273: {  	v12 =	vld [tilespmem:s14+$0x440];
	[tilespmem:s30+$0xC60] =	vst v6  }
0x274: {  	v6 =	vld [tilespmem:s14+$0x430];
	[tilespmem:s30+$0x60] =	vst v15  }
0x275: {  	v15 =	vld [tilespmem:s14+$0x420];
	[tilespmem:s30+$0x50] =	vst v13  }
0x276: {  	v13 =	vld [tilespmem:s14+$0x410];
	[tilespmem:s30+$0xC50] =	vst v9  }
0x277: {  	v9 =	vld [tilespmem:s14+$0xC70];
	[tilespmem:s30+$0xC00] =	vst v7  }
0x278: {  	v7 =	vld [tilespmem:s14+$0x400];
	[tilespmem:s30+$0x870] =	vst v3  }
0x279: {  	v3 =	vld [tilespmem:s14+$0xC20];
	[tilespmem:s30+$0xC10] =	vst v8  }
0x27a: {  	v8 =	vmul.f32 $2.262741660e+01, v15;
	v15 =	vld [tilespmem:s14+$0xC40];
	[tilespmem:s30+$0xC30] =	vst v5;
	s30 =	smov.u32 s14  }
0x27b: {  	[tilespmem:s13+$0x10900] =	vst v10;
	v5 =	vld [tilespmem:s30+$0x70];
	v10 =	vmul.f32 $2.262741660e+01, v13  }
0x27c: {  	v13 =	vld [tilespmem:s30+$0x30];
	[tilespmem:s30+$0x420] =	vst v8;
	v8 =	vmul.f32 $2.262741660e+01, v9  }
0x27d: {  	v9 =	vld [tilespmem:s30+$0x20];
	v7 =	vmul.f32 $2.262741660e+01, v7;
	[tilespmem:s30+$0x410] =	vst v10;
	v10 =	vmul.f32 $2.262741660e+01, v6  }
0x27e: {  	v12 =	vmul.f32 $2.262741660e+01, v12;
	v6 =	vld [tilespmem:s30+$0x10];
	v3 =	vmul.f32 $2.262741660e+01, v3;
	[tilespmem:s30+$0xC70] =	vst v8  }
0x27f: {  	v17 =	vmul.f32 $2.262741660e+01, v17;
	[tilespmem:s30+$0x400] =	vst v7;
	v8 =	vld [tilespmem:s30+$0x820];
	v7 =	vmul.f32 $2.262741660e+01, v15  }
0x280: {  	v18 =	vmul.f32 $2.262741660e+01, v11;
	v5 =	vmul.f32 $2.262741660e+01, v5;
	v11 =	vld [tilespmem:s30+$0x830];
	[tilespmem:s30+$0xC20] =	vst v3  }
0x281: {  	v16 =	vmul.f32 $2.262741660e+01, v16;
	v3 =	vmul.f32 $2.262741660e+01, v13;
	v13 =	vld [tilespmem:s30+$0x840];
	[tilespmem:s30+$0xC40] =	vst v7  }
0x282: {  	v7 =	vmul.f32 $2.262741660e+01, v14;
	v9 =	vmul.f32 $2.262741660e+01, v9;
	[tilespmem:s30+$0x70] =	vst v5;
	v14 =	vld [tilespmem:s30+$0x850]  }
0x283: {  	v5 =	vmul.f32 $2.262741660e+01, v6;
	[tilespmem:s30+$0x30] =	vst v3;
	v6 =	vmul.f32 $2.262741660e+01, v4;
	v3 =	vld [tilespmem:s30+$0x860]  }
0x284: {  	[tilespmem:s30+$0x20] =	vst v9;
	v4 =	vmul.f32 $2.262741660e+01, v8;
	v19 =	vld [tilespmem:s30+$0x870]  }
0x285: {  	[tilespmem:s30+$0x10] =	vst v5;
	v20 =	vld [tilespmem:s30+$0x40];
	v8 =	vmul.f32 $2.262741660e+01, v11  }
.Ltmp5:
0x286: {  	[tilespmem:s30+$0x430] =	vst v10;
	v5 =	vmul.f32 $2.262741660e+01, v13;
	v11 =	vld [tilespmem:s30+$0xC00];
	(pc) =	sbr.rel @p1 .LBB2_9-.Ltmp5, $4  }
0x287: {  	v13 =	vld [tilespmem:s30+$0x50];
	[tilespmem:s30+$0x440] =	vst v12;
	v9 =	vmul.f32 $2.262741660e+01, v14  }
0x288: {  	v15 =	vld [tilespmem:s30+$0x60];
	[tilespmem:s30+$0x450] =	vst v17;
	v10 =	vmul.f32 $2.262741660e+01, v3  }
0x289: {  	[tilespmem:s30+$0x460] =	vst v18;
	v3 =	vmul.f32 $2.262741660e+01, v19;
	v14 =	vld [tilespmem:s30+$0xC10]  }
0x28a: {  	s6 =	sadd.s32 $0x80, s6;
	v12 =	vmul.f32 $2.262741660e+01, v20;
	[tilespmem:s30+$0x470] =	vst v16;
	v16 =	vld [tilespmem:s30+$0xC30]  }
0x28b: {  	[tilespmem:s30+$0x800] =	vst v7  }
0x28c: {  	[tilespmem:s30+$0x810] =	vst v6  }
0x28d: {  	[tilespmem:s30+$0x820] =	vst v4  }
0x28e: {  	[tilespmem:s30+$0x830] =	vst v8  }
0x28f: {  	[tilespmem:s30+$0x840] =	vst v5  }
0x290: {  	[tilespmem:s30+$0x850] =	vst v9  }
0x291: {  	[tilespmem:s30+$0x860] =	vst v10  }
0x292: {  	v56 =	vld [tilespmem:s30+$0xC60];
	v61 =	vmul.f32 $2.262741660e+01, v11;
	[tilespmem:s30+$0x870] =	vst v3  }
0x293: {  	v57 =	vld [tilespmem:s30+$0xC50];
	[tilespmem:s30+$0x40] =	vst v12;
	v60 =	vmul.f32 $2.262741660e+01, v13  }
0x294: {  	v59 =	vmul.f32 $2.262741660e+01, v15;
	[tilespmem:s30+$0xC00] =	vst v61  }
0x295: {  	[tilespmem:s30+$0x50] =	vst v60;
	v62 =	vmul.f32 $2.262741660e+01, v14  }
0x296: {  	[tilespmem:s30+$0x60] =	vst v59;
	v63 =	vmul.f32 $2.262741660e+01, v16  }
.Ltmp6:
0x297: {  	v58 =	vmul.f32 $2.262741660e+01, v56;
	[tilespmem:s30+$0xC10] =	vst v62;
	(pc) =	sbr.rel @p0 .LBB2_12-.Ltmp6, $4  }
0x298: {  	s1 =	sadd.s32 s4, s29;
	v4 =	vmul.f32 $2.262741660e+01, v57;
	[tilespmem:s30+$0xC30] =	vst v63  }
0x299: {  	s1 =	sshll.u32 s1, $0x6;
	[tilespmem:s30+$0xC60] =	vst v58  }
0x29a: {  	s1 =	sadd.s32 s3, s1;
	[tilespmem:s30+$0xC50] =	vst v4  }
0x29b: {  	[hbm4b:s1+s5] =	stream.linear.scatter [tilespmem:s28], [sflag:$0x8], $0x5000, $0x38;
	[tilespmem:$0x15900] =	vst v63  }
0x29c: {  	_ =	swait.ge [sflag:s31], $0x5000  }
0x29d: {  	[sflag:s31] =	ssyncset.done $0x0  }
0x29e: {  	[sflag:s31] =	ssyncadd.s32 $0xFFFFB000  }
0x29f: {  	v3 =	vld [tilespmem:s11+$0xF0];
	_ =	sdelay $0x4  }
0x2a0: {  	v4 =	vshll.u32 v3, $0x2  }
0x2a1: {  	v3 =	vand.u32 $0x7, v3;
	v4 =	vand.u32 $0xFFFFFFE0, v4  }
0x2a2: {  	v3 =	vor.u32 v3, v4  }
0x2a3: {  	v4 =	vperm.xlane v3, v0;
	_ =	sdelay $0x1  }
0x2a4: {  	v4 =	vadd.s32 v1, v4;
	_ =	sdelay $0x1  }
0x2a5: {  	v3 =	vperm.xlane v3, v2;
	_ =	sdelay $0x1  }
0x2a6: {  	v3 =	vadd.s32 v1, v3  }
0x2a7: {  	[tilespmem:s0], [sflag:$0x3] =	stream.indirect_vreg.gather [hbm4b:s2+s5], $0x80, v4, vm0, $0xb8;
	[tilespmem:$0x15900] =	vst v63  }
0x2a8: {  	s1 =	simm.s32 $0xC100  }
0x2a9: {  	[tilespmem:s1], [sflag:$0x3] =	stream.indirect_vreg.gather [hbm4b:s7+s5], $0x80, v4, vm0, $0xb8;
	[tilespmem:$0x15900] =	vst v63  }
0x2aa: {  	s30 =	simm.s32 $0xC900  }
0x2ab: {  	[tilespmem:s30], [sflag:$0x3] =	stream.indirect_vreg.gather [hbm4b:s2+s5], $0x80, v3, vm0, $0xb8;
	[tilespmem:$0x15900] =	vst v63  }
0x2ac: {  	_ = 	snop  }
0x2ad: {  	[tilespmem:s15], [sflag:$0x3] =	stream.indirect_vreg.gather [hbm4b:s7+s5], $0x80, v3, vm0, $0xb8;
	[tilespmem:$0x15900] =	vst v63  }
0x2ae: {  	v3 =	vld [tilespmem:s11+$0x100];
	_ =	sdelay $0x4  }
0x2af: {  	v62 =	vshll.u32 v3, $0x2  }
0x2b0: {  	v3 =	vand.u32 $0x7, v3;
	v4 =	vand.u32 $0xFFFFFFE0, v62  }
0x2b1: {  	v3 =	vor.u32 v3, v4  }
0x2b2: {  	v4 =	vperm.xlane v3, v0;
	_ =	sdelay $0x1  }
0x2b3: {  	v4 =	vadd.s32 v1, v4;
	_ =	sdelay $0x1  }
0x2b4: {  	v3 =	vperm.xlane v3, v2;
	_ =	sdelay $0x1  }
0x2b5: {  	v3 =	vadd.s32 v1, v3  }
0x2b6: {  	[tilespmem:s16], [sflag:$0x3] =	stream.indirect_vreg.gather [hbm4b:s2+s5], $0x80, v4, vm0, $0xb8;
	[tilespmem:$0x15900] =	vst v63  }
0x2b7: {  	_ = 	snop  }
0x2b8: {  	[tilespmem:s17], [sflag:$0x3] =	stream.indirect_vreg.gather [hbm4b:s7+s5], $0x80, v4, vm0, $0xb8;
	[tilespmem:$0x15900] =	vst v63  }
0x2b9: {  	_ = 	snop  }
0x2ba: {  	[tilespmem:s18], [sflag:$0x3] =	stream.indirect_vreg.gather [hbm4b:s2+s5], $0x80, v3, vm0, $0xb8;
	[tilespmem:$0x15900] =	vst v63  }
0x2bb: {  	_ = 	snop  }
0x2bc: {  	[tilespmem:s19], [sflag:$0x3] =	stream.indirect_vreg.gather [hbm4b:s7+s5], $0x80, v3, vm0, $0xb8;
	[tilespmem:$0x15900] =	vst v63  }
0x2bd: {  	v3 =	vld.msk [tilespmem:s11+$0x110], $0xff;
	_ =	sdelay $0x4  }
0x2be: {  	v63 =	vshll.u32 v3, $0x2  }
0x2bf: {  	v3 =	vand.u32 $0x7, v3;
	v4 =	vand.u32 $0xFFFFFFE0, v63  }
0x2c0: {  	v3 =	vor.u32 v3, v4  }
0x2c1: {  	v3 =	vperm.xlane v3, v0;
	_ =	sdelay $0x1  }
0x2c2: {  	v3 =	vadd.s32 v1, v3;
	_ =	sdelay $0x2  }
.Ltmp7:
0x2c3: {  	_ = 	snop;
	(pc) =	sbr.rel .LBB2_2-.Ltmp7, $4  }
0x2c4: {  	_ = 	snop  }
0x2c5: {  	[tilespmem:s20], [sflag:$0x3] =	stream.indirect_vreg.gather [hbm4b:s2+s5], $0x80, v3, vm0, $0xb8;
	[tilespmem:$0x15900] =	vst v63  }
0x2c6: {  	s8 =	sadd.s32 $0x1, s8  }
0x2c7: {  	[tilespmem:s21], [sflag:$0x3] =	stream.indirect_vreg.gather [hbm4b:s7+s5], $0x80, v3, vm0, $0xb8;
	[tilespmem:$0x15900] =	vst v63  }
.LBB2_13:
0x2c8: {  	_ =	sfence.sel $0x180000  }
0x2c9: {  	[bflag:$0x0] =	sbarrier.arrive $0xFFFF  }
0x2ca: {  	_ =	strace $0x90000047  }
0x2cb: {  	s0 =	stileid.u32;
	[bflag:$0x2] =	sbarrier.arrive $0xFFFF  }
0x2cc: {  	p0 =	sne.s32 s0, $0x0;
	s0 =	rddreg [dreg:$0x3]  }
0x2cd: {  	s0 =	sadd.s32 @!p0 $0x100000, s0  }
0x2ce: {  	[sflag:s0] =	ssyncadd.tile.s32 @!p0 $0x1;
	_ =	shalt  }
.Lfunc_end2:
_tile_overlayer_lowered:
.L_overlay_start_2:
0x2cf: {  	(tag) =	ssettag $0x2  }
0x2d0: {  	s0 =	rddreg [dreg:$0x0];
	s2 =	stileid.u32  }
0x2d1: {  	s1 =	rddreg [dreg:$0x1];
	p0 =	sne.s32 s2, $0x0  }
0x2d2: {  	s3 =	rddreg [dreg:$0x2];
	[bflag:$0x3] =	sbarrier.arrive $0xFFFF;
	s2 =	simm.s32 @!p0 $0x1C09  }
0x2d3: {  	[timem:s3], [sflag:s2] =	dma.local @!p0 [hbm:s0], s1  }
0x2d4: {  	s0 =	simm.s32 @!p0 $0x9  }
0x2d5: {  	_ =	swait.ge @!p0 [sflag:s0], s1  }
0x2d6: {  	s1 =	ssub.s32 @!p0 $0x0, s1;
	[sflag:s0] =	ssyncset.done @!p0 $0x0  }
0x2d7: {  	[sflag:s0] =	ssyncadd.s32 @!p0 s1  }
0x2d8: {  	[bflag:$0x3] =	sbarrier.arrive $0xFFFF  }
0x2d9: {  	_ =	shalt  }

</sc_bundles>
